<compile_context>
chip_gen: v7x
topology: tpu7x:2x2x1
jax: 0.10.2.dev20260603
libtpu: 0.0.44.dev20260713+nightly
codegen_flags: <defaults>
</compile_context>

<pallas_src>
import functools

import numpy as np

import jax
import jax.numpy as jnp
from jax import lax
from jax.experimental import pallas as pl
from jax.experimental.pallas import tpu as pltpu
from jax.experimental.pallas import tpu_sc as plsc

N = 10000
D = 128
NC = 2
NS = 16
NW = NC * NS
CHUNK = 120
N_PAD = 10240
E = 320000
TPC = 84
TPCA = TPC + 4
NTOT = NW * TPCA
SEG = N_PAD // NS

_TAIL = (N + (np.arange(NTOT * CHUNK - E, dtype=np.int32) % (N_PAD - N)))


@functools.cache
def _sc_kernels():
    mesh = plsc.VectorSubcoreMesh(
        core_axis_name="c", subcore_axis_name="s", num_cores=NC, num_subcores=NS
    )
    deg = pl.kernel(
        _deg_body,
        out_type=jax.ShapeDtypeStruct((NC, 2, N_PAD), jnp.float32),
        mesh=mesh,
        scratch_types=[
            pltpu.VMEM((TPCA, CHUNK), jnp.int32),
            pltpu.VMEM((TPCA, CHUNK), jnp.int32),
            pltpu.VMEM((CHUNK,), jnp.float32),
            pltpu.VMEM((SEG,), jnp.float32),
            pltpu.VMEM_SHARED((N_PAD,), jnp.float32),
            pltpu.VMEM_SHARED((N_PAD,), jnp.float32),
            pltpu.SemaphoreType.DMA,
        ],
    )
    agg = pl.kernel(
        _agg_body,
        out_type=jax.ShapeDtypeStruct((NC, N_PAD, D), jnp.float32),
        mesh=mesh,
        scratch_types=(
            [pltpu.VMEM((CHUNK,), jnp.int32)] * 6
            + [pltpu.VMEM((CHUNK, D), jnp.float32)] * 3
            + [pltpu.VMEM_SHARED((N_PAD, D), jnp.float32)]
            + [pltpu.SemaphoreType.DMA] * 12
        ),
    )
    return deg, agg


def _deg_body(src_hbm, dst_hbm, out_hbm, sidx, didx, ones_v, zbuf,
              dout_acc, din_acc, dsem):
    c = lax.axis_index("c")
    s = lax.axis_index("s")
    wid = s * NC + c

    def _zf(i, carry):
        zbuf[pl.ds(i * 16, 16)] = jnp.zeros((16,), jnp.float32)
        return carry

    lax.fori_loop(0, SEG // 16, _zf, 0)
    pltpu.sync_copy(zbuf, dout_acc.at[pl.ds(s * SEG, SEG)])
    pltpu.sync_copy(zbuf, din_acc.at[pl.ds(s * SEG, SEG)])
    def _sf(j, carry):
        base = (wid * TPCA + j) * CHUNK
        pltpu.async_copy(src_hbm.at[pl.ds(base, CHUNK)], sidx.at[j], dsem)
        pltpu.async_copy(dst_hbm.at[pl.ds(base, CHUNK)], didx.at[j], dsem)
        return carry

    lax.fori_loop(0, TPCA, _sf, 0)

    def _sd(j, carry):
        pltpu.make_async_copy(src_hbm.at[pl.ds(0, CHUNK)], sidx.at[0], dsem).wait()
        pltpu.make_async_copy(dst_hbm.at[pl.ds(0, CHUNK)], didx.at[0], dsem).wait()
        return carry

    lax.fori_loop(0, TPCA, _sd, 0)
    for off in (0, 16, 32, 48, 64, 80, 96, CHUNK - 16):
        ones_v[pl.ds(off, 16)] = jnp.ones((16,), jnp.float32)
    plsc.subcore_barrier()

    def _step(j, carry):
        pltpu.async_copy(ones_v, dout_acc.at[sidx.at[j]], dsem, add=True)
        pltpu.async_copy(ones_v, din_acc.at[didx.at[j]], dsem, add=True)
        return carry

    lax.fori_loop(0, TPCA, _step, 0)

    def _drain(j, carry):
        pltpu.make_async_copy(ones_v, dout_acc.at[sidx.at[0]], dsem).wait()
        pltpu.make_async_copy(ones_v, din_acc.at[didx.at[0]], dsem).wait()
        return carry

    lax.fori_loop(0, TPCA, _drain, 0)
    plsc.subcore_barrier()
    pltpu.sync_copy(dout_acc.at[pl.ds(s * SEG, SEG)], out_hbm.at[c, 0, pl.ds(s * SEG, SEG)])
    pltpu.sync_copy(din_acc.at[pl.ds(s * SEG, SEG)], out_hbm.at[c, 1, pl.ds(s * SEG, SEG)])


def _agg_body(src_hbm, dst_hbm, hs_hbm, out_hbm,
              sr0, sr1, sr2, dr0, dr1, dr2, rows0, rows1, rows2, acc,
              g0, g1, g2, s0, s1, s2, i0, i1, i2, d0, d1, d2):
    c = lax.axis_index("c")
    s = lax.axis_index("s")
    wid = s * NC + c
    srs = (sr0, sr1, sr2)
    drs = (dr0, dr1, dr2)
    rows = (rows0, rows1, rows2)
    gs = (g0, g1, g2)
    ss = (s0, s1, s2)
    is_ = (i0, i1, i2)
    ds_ = (d0, d1, d2)

    def ifetch(j, b):
        pltpu.async_copy(src_hbm.at[pl.ds((wid + NW * j) * CHUNK, CHUNK)],
                         srs[b], is_[b])

    def iwait(b):
        pltpu.make_async_copy(src_hbm.at[pl.ds(0, CHUNK)], srs[b], is_[b]).wait()

    def dfetch(j, b):
        pltpu.async_copy(dst_hbm.at[pl.ds((wid + NW * j) * CHUNK, CHUNK)],
                         drs[b], ds_[b])

    def dwait(b):
        pltpu.make_async_copy(dst_hbm.at[pl.ds(0, CHUNK)], drs[b], ds_[b]).wait()

    def gather(b):
        pltpu.async_copy(hs_hbm.at[srs[b]], rows[b], gs[b])

    def gwait(b):
        pltpu.make_async_copy(hs_hbm.at[sr0], rows[b], gs[b]).wait()

    def scat(b):
        pltpu.async_copy(rows[b], acc.at[drs[b]], ss[b], add=True)

    def swait(b):
        pltpu.make_async_copy(rows[b], acc.at[dr0], ss[b]).wait()

    ifetch(0, 0)
    ifetch(1, 1)
    ifetch(2, 2)
    dfetch(0, 0)
    dfetch(1, 1)

    def _zf(i, carry):
        for off in (0, 16, 32, 48, 64, 80, 96, D - 16):
            rows2[i, pl.ds(off, 16)] = jnp.zeros((16,), jnp.float32)
        return carry

    lax.fori_loop(0, CHUNK, _zf, 0)
    for k in range(SEG // CHUNK):
        pltpu.sync_copy(rows2, acc.at[pl.ds(s * SEG + k * CHUNK, CHUNK)])
    _rem = SEG - (SEG // CHUNK) * CHUNK
    pltpu.sync_copy(rows2.at[pl.ds(0, _rem)],
                    acc.at[pl.ds(s * SEG + SEG - _rem, _rem)])

    iwait(0)
    gather(0)
    iwait(1)
    gather(1)
    plsc.subcore_barrier()

    def _stage(j, b, guard):
        cs = (b + 2) % 3
        gwait(b)
        dwait(b)
        scat(b)
        ifetch(j + 3, b)

        if guard is None:
            swait(cs)
        else:
            @pl.when(guard)
            def _():
                swait(cs)

        dfetch(j + 2, cs)
        iwait(cs)
        gather(cs)

    def _body(i, carry):
        j0 = 3 * i
        _stage(j0, 0, i > 0)
        _stage(j0 + 1, 1, None)
        _stage(j0 + 2, 2, None)
        return carry

    lax.fori_loop(0, TPC // 3, _body, 0)
    gwait(0)
    gwait(1)
    swait(2)
    iwait(2)
    dwait(0)
    dwait(1)
    plsc.subcore_barrier()
    pltpu.sync_copy(acc.at[pl.ds(s * SEG, SEG)], out_hbm.at[c, pl.ds(s * SEG, SEG)])


NREST = N_PAD - N


def _nrm(d_ref):
    return lax.rsqrt(jnp.maximum(d_ref[...], 1.0))


def _m1_body(x_ref, w_ref, o_ref):
    o_ref[...] = jnp.dot(x_ref[...], w_ref[...], preferred_element_type=jnp.float32)


def _b1_body(m_ref, ds_ref, o_ref):
    o_ref[pl.ds(0, N), :] = m_ref[...] * _nrm(ds_ref)
    o_ref[pl.ds(N, NREST), :] = jnp.zeros((NREST, D), jnp.float32)


def _b2_body(p_ref, w_ref, di_ref, ds_ref, b_ref, o_ref):
    p = (p_ref[0] + p_ref[1])[:N]
    h = jnp.maximum(p * _nrm(di_ref) + b_ref[...], 0.0)
    mm = jnp.dot(h, w_ref[...], preferred_element_type=jnp.float32)
    o_ref[pl.ds(0, N), :] = mm * _nrm(ds_ref)
    o_ref[pl.ds(N, NREST), :] = jnp.zeros((NREST, D), jnp.float32)


def _b3_body(p_ref, di_ref, b_ref, o_ref):
    p = (p_ref[0] + p_ref[1])[:N]
    o_ref[...] = jnp.maximum(p * _nrm(di_ref) + b_ref[...], 0.0)


_m1 = pl.pallas_call(_m1_body, out_shape=jax.ShapeDtypeStruct((N, D), jnp.float32))
_b1 = pl.pallas_call(_b1_body, out_shape=jax.ShapeDtypeStruct((N_PAD, D), jnp.float32))
_b2 = pl.pallas_call(_b2_body, out_shape=jax.ShapeDtypeStruct((N_PAD, D), jnp.float32))
_b3 = pl.pallas_call(_b3_body, out_shape=jax.ShapeDtypeStruct((N, D), jnp.float32))


def kernel(edge_index, x, W1, b1, W2, b2):
    src = edge_index[0]
    dst = edge_index[1]
    tail = jnp.asarray(_TAIL)
    srcc = jnp.concatenate([src, tail])
    dstc = jnp.concatenate([dst, tail])

    _deg, _agg = _sc_kernels()
    m1 = _m1(x, W1)
    degs = _deg(srcc, dstc)
    dsum = degs[0] + degs[1]
    dsrc = dsum[0, :N].reshape(N, 1)
    din = dsum[1, :N].reshape(N, 1)

    hs1 = _b1(m1, dsrc)
    p1 = _agg(srcc, dstc, hs1)
    hs2 = _b2(p1, W2, din, dsrc, b1.reshape(1, D))
    p2 = _agg(srcc, dstc, hs2)
    return _b3(p2, din, b2.reshape(1, D))

# --- scband reference (transcript-rebuilt; emitter-appended) ---
"""Pipeline reference for scband-model-20624432956070 (READ-ONLY COPY).

The authoritative reference and input builder live on the scoring server;
editing this copy changes nothing except your own understanding.
"""

import jax, jax.numpy as jnp
import numpy as np

N = 10000
E = 320000
D = 128
H = 128

def setup_inputs(seed: int = 0) -> dict:
    key = jax.random.key(seed)
    k1, k2, k3, k4, k5, k6 = jax.random.split(key, 6)
    x = jax.random.normal(k1, (N, D), dtype=jnp.float32)
    edge_index = jax.random.randint(k2, (2, E), 0, N, dtype=jnp.int32)
    # GCN encoder params (num_layers=2, hidden=128), glorot-ish init
    s1 = (6.0 / (D + H)) ** 0.5
    s2 = (6.0 / (H + H)) ** 0.5
    W1 = jax.random.uniform(k3, (D, H), dtype=jnp.float32, minval=-s1, maxval=s1)
    b1 = jnp.zeros((H,), dtype=jnp.float32)
    W2 = jax.random.uniform(k4, (H, H), dtype=jnp.float32, minval=-s2, maxval=s2)
    b2 = jnp.zeros((H,), dtype=jnp.float32)
    return {"edge_index": edge_index, "x": x, "W1": W1, "b1": b1, "W2": W2, "b2": b2}

def reference(edge_index, x, W1, b1, W2, b2):
    # 2-layer GCN encoder (DGL GraphConv, norm='both', allow_zero_in_degree=True)
    src = edge_index[0]
    dst = edge_index[1]
    deg_out = jnp.zeros((N,), jnp.float32).at[src].add(1.0)
    deg_in = jnp.zeros((N,), jnp.float32).at[dst].add(1.0)
    norm_src = jax.lax.rsqrt(jnp.clip(deg_out, 1.0, None))
    norm_dst = jax.lax.rsqrt(jnp.clip(deg_in, 1.0, None))

    def conv(h, W, b):
        h = h @ W
        msg = h[src] * norm_src[src][:, None]
        agg = jnp.zeros((N, h.shape[1]), h.dtype).at[dst].add(msg)
        return agg * norm_dst[:, None] + b

    h = jax.nn.relu(conv(x, W1, b1))
    h = jax.nn.relu(conv(h, W2, b2))
    return h

if __name__ == "__main__":
    import jax
    _d = setup_inputs()
    print(jax.jit(kernel)(*tuple(_d.values())))

</pallas_src>

<mosaic_0001>
#map = affine_map<(d0, d1) -> (0)>
#map1 = affine_map<(d0, d1) -> (0, 0)>
#map2 = affine_map<(d0, d1) -> (0, 0, 0)>
module attributes {stable_mosaic.version = 14 : i64} {
  func.func @_agg_body(%arg0: i32, %arg1: i32, %arg2: memref<337920xi32, #tpu.memory_space<hbm>>, %arg3: memref<337920xi32, #tpu.memory_space<hbm>>, %arg4: memref<10240x128xf32, #tpu.memory_space<hbm>>, %arg5: memref<2x10240x128xf32, #tpu.memory_space<hbm>>, %arg6: memref<120xi32, #tpu.memory_space<vmem>>, %arg7: memref<120xi32, #tpu.memory_space<vmem>>, %arg8: memref<120xi32, #tpu.memory_space<vmem>>, %arg9: memref<120xi32, #tpu.memory_space<vmem>>, %arg10: memref<120xi32, #tpu.memory_space<vmem>>, %arg11: memref<120xi32, #tpu.memory_space<vmem>>, %arg12: memref<120x128xf32, #tpu.memory_space<vmem>>, %arg13: memref<120x128xf32, #tpu.memory_space<vmem>>, %arg14: memref<120x128xf32, #tpu.memory_space<vmem>>, %arg15: memref<10240x128xf32, #tpu.memory_space<vmem_shared>>, %arg16: memref<!tpu.dma_semaphore, #tpu.memory_space<semaphore_mem>>, %arg17: memref<!tpu.dma_semaphore, #tpu.memory_space<semaphore_mem>>, %arg18: memref<!tpu.dma_semaphore, #tpu.memory_space<semaphore_mem>>, %arg19: memref<!tpu.dma_semaphore, #tpu.memory_space<semaphore_mem>>, %arg20: memref<!tpu.dma_semaphore, #tpu.memory_space<semaphore_mem>>, %arg21: memref<!tpu.dma_semaphore, #tpu.memory_space<semaphore_mem>>, %arg22: memref<!tpu.dma_semaphore, #tpu.memory_space<semaphore_mem>>, %arg23: memref<!tpu.dma_semaphore, #tpu.memory_space<semaphore_mem>>, %arg24: memref<!tpu.dma_semaphore, #tpu.memory_space<semaphore_mem>>, %arg25: memref<!tpu.dma_semaphore, #tpu.memory_space<semaphore_mem>>, %arg26: memref<!tpu.dma_semaphore, #tpu.memory_space<semaphore_mem>>, %arg27: memref<!tpu.dma_semaphore, #tpu.memory_space<semaphore_mem>>) attributes {dimension_semantics = [#tpu.dimension_semantics<core_parallel>, #tpu.dimension_semantics<subcore_parallel>], iteration_bounds = array<i64: 2, 16>, scalar_prefetch = 0 : i64, scratch_operands = 22 : i64, tpu.core_type = #tpu.core_type<sc_vector_subcore>, window_params = [{transform_indices = #map}, {transform_indices = #map}, {transform_indices = #map1}, {transform_indices = #map2}]} {
    %mul3A = arith.constant 2 : i32
    %mul3A_0 = arith.muli %arg1, %mul3A : i32
    %add3A = arith.addi %mul3A_0, %arg0 : i32
    %add3A_1 = arith.constant 0 : i32
    %add3A_2 = arith.addi %add3A, %add3A_1 : i32
    %mul3A_3 = arith.constant 120 : i32
    %mul3A_4 = arith.muli %add3A_2, %mul3A_3 : i32
    %dma_start3A = tpu.memref_slice %arg2[%mul3A_4] : memref<337920xi32, #tpu.memory_space<hbm>> -> memref<120xi32, #tpu.memory_space<hbm>>
    %dma_start3A_5 = tpu.memref_slice %arg2[%mul3A_4] : memref<337920xi32, #tpu.memory_space<hbm>> -> memref<120xi32, #tpu.memory_space<hbm>>
    tpu.enqueue_dma source(%dma_start3A_5 : memref<120xi32, #tpu.memory_space<hbm>>) target(%arg6 : memref<120xi32, #tpu.memory_space<vmem>>) target_semaphore(%arg22 : memref<!tpu.dma_semaphore, #tpu.memory_space<semaphore_mem>>)
    %add3A_6 = arith.constant 32 : i32
    %add3A_7 = arith.addi %add3A, %add3A_6 : i32
    %mul3A_8 = arith.constant 120 : i32
    %mul3A_9 = arith.muli %add3A_7, %mul3A_8 : i32
    %dma_start3A_10 = tpu.memref_slice %arg2[%mul3A_9] : memref<337920xi32, #tpu.memory_space<hbm>> -> memref<120xi32, #tpu.memory_space<hbm>>
    %dma_start3A_11 = tpu.memref_slice %arg2[%mul3A_9] : memref<337920xi32, #tpu.memory_space<hbm>> -> memref<120xi32, #tpu.memory_space<hbm>>
    tpu.enqueue_dma source(%dma_start3A_11 : memref<120xi32, #tpu.memory_space<hbm>>) target(%arg7 : memref<120xi32, #tpu.memory_space<vmem>>) target_semaphore(%arg23 : memref<!tpu.dma_semaphore, #tpu.memory_space<semaphore_mem>>)
    %add3A_12 = arith.constant 64 : i32
    %add3A_13 = arith.addi %add3A, %add3A_12 : i32
    %mul3A_14 = arith.constant 120 : i32
    %mul3A_15 = arith.muli %add3A_13, %mul3A_14 : i32
    %dma_start3A_16 = tpu.memref_slice %arg2[%mul3A_15] : memref<337920xi32, #tpu.memory_space<hbm>> -> memref<120xi32, #tpu.memory_space<hbm>>
    %dma_start3A_17 = tpu.memref_slice %arg2[%mul3A_15] : memref<337920xi32, #tpu.memory_space<hbm>> -> memref<120xi32, #tpu.memory_space<hbm>>
    tpu.enqueue_dma source(%dma_start3A_17 : memref<120xi32, #tpu.memory_space<hbm>>) target(%arg8 : memref<120xi32, #tpu.memory_space<vmem>>) target_semaphore(%arg24 : memref<!tpu.dma_semaphore, #tpu.memory_space<semaphore_mem>>)
    %add3A_18 = arith.constant 0 : i32
    %add3A_19 = arith.addi %add3A, %add3A_18 : i32
    %mul3A_20 = arith.constant 120 : i32
    %mul3A_21 = arith.muli %add3A_19, %mul3A_20 : i32
    %dma_start3A_22 = tpu.memref_slice %arg3[%mul3A_21] : memref<337920xi32, #tpu.memory_space<hbm>> -> memref<120xi32, #tpu.memory_space<hbm>>
    %dma_start3A_23 = tpu.memref_slice %arg3[%mul3A_21] : memref<337920xi32, #tpu.memory_space<hbm>> -> memref<120xi32, #tpu.memory_space<hbm>>
    tpu.enqueue_dma source(%dma_start3A_23 : memref<120xi32, #tpu.memory_space<hbm>>) target(%arg9 : memref<120xi32, #tpu.memory_space<vmem>>) target_semaphore(%arg25 : memref<!tpu.dma_semaphore, #tpu.memory_space<semaphore_mem>>)
    %add3A_24 = arith.constant 32 : i32
    %add3A_25 = arith.addi %add3A, %add3A_24 : i32
    %mul3A_26 = arith.constant 120 : i32
    %mul3A_27 = arith.muli %add3A_25, %mul3A_26 : i32
    %dma_start3A_28 = tpu.memref_slice %arg3[%mul3A_27] : memref<337920xi32, #tpu.memory_space<hbm>> -> memref<120xi32, #tpu.memory_space<hbm>>
    %dma_start3A_29 = tpu.memref_slice %arg3[%mul3A_27] : memref<337920xi32, #tpu.memory_space<hbm>> -> memref<120xi32, #tpu.memory_space<hbm>>
    tpu.enqueue_dma source(%dma_start3A_29 : memref<120xi32, #tpu.memory_space<hbm>>) target(%arg10 : memref<120xi32, #tpu.memory_space<vmem>>) target_semaphore(%arg26 : memref<!tpu.dma_semaphore, #tpu.memory_space<semaphore_mem>>)
    %scan3A = arith.constant 0 : i32
    %scan3A_30 = arith.constant 0 : i32
    %scan3A_31 = arith.constant 120 : i32
    %scan3A_32 = arith.addi %scan3A_30, %scan3A_31 : i32
    %scan3A_33 = arith.constant 1 : i32
    scf.for %scan3A_105 = %scan3A_30 to %scan3A_32 step %scan3A_33  : i32 {
      %broadcast_in_dim3A = arith.constant 0.000000e+00 : f32
      %broadcast_in_dim3A_106 = vector.broadcast %broadcast_in_dim3A : f32 to vector<16xf32>
      %swap3A = arith.index_cast %scan3A_105 : i32 to index
      %swap3A_107 = arith.constant 0 : index
      %swap3A_108 = tpu.vector_load %arg14[%swap3A, %swap3A_107] {strides = array<i32>} : memref<120x128xf32, #tpu.memory_space<vmem>>, vector<1x16xf32>,
      %swap3A_109 = vector.shape_cast %swap3A_108 : vector<1x16xf32> to vector<16xf32>
      %swap3A_110 = vector.shape_cast %broadcast_in_dim3A_106 : vector<16xf32> to vector<1x16xf32>
      tpu.vector_store %arg14[%swap3A, %swap3A_107], %swap3A_110 {strides = array<i32>} : memref<120x128xf32, #tpu.memory_space<vmem>>, vector<1x16xf32>,
      %broadcast_in_dim3A_111 = arith.constant 0.000000e+00 : f32
      %broadcast_in_dim3A_112 = vector.broadcast %broadcast_in_dim3A_111 : f32 to vector<16xf32>
      %swap3A_113 = arith.index_cast %scan3A_105 : i32 to index
      %swap3A_114 = arith.constant 16 : index
      %swap3A_115 = tpu.vector_load %arg14[%swap3A_113, %swap3A_114] {strides = array<i32>} : memref<120x128xf32, #tpu.memory_space<vmem>>, vector<1x16xf32>,
      %swap3A_116 = vector.shape_cast %swap3A_115 : vector<1x16xf32> to vector<16xf32>
      %swap3A_117 = vector.shape_cast %broadcast_in_dim3A_112 : vector<16xf32> to vector<1x16xf32>
      tpu.vector_store %arg14[%swap3A_113, %swap3A_114], %swap3A_117 {strides = array<i32>} : memref<120x128xf32, #tpu.memory_space<vmem>>, vector<1x16xf32>,
      %broadcast_in_dim3A_118 = arith.constant 0.000000e+00 : f32
      %broadcast_in_dim3A_119 = vector.broadcast %broadcast_in_dim3A_118 : f32 to vector<16xf32>
      %swap3A_120 = arith.index_cast %scan3A_105 : i32 to index
      %swap3A_121 = arith.constant 32 : index
      %swap3A_122 = tpu.vector_load %arg14[%swap3A_120, %swap3A_121] {strides = array<i32>} : memref<120x128xf32, #tpu.memory_space<vmem>>, vector<1x16xf32>,
      %swap3A_123 = vector.shape_cast %swap3A_122 : vector<1x16xf32> to vector<16xf32>
      %swap3A_124 = vector.shape_cast %broadcast_in_dim3A_119 : vector<16xf32> to vector<1x16xf32>
      tpu.vector_store %arg14[%swap3A_120, %swap3A_121], %swap3A_124 {strides = array<i32>} : memref<120x128xf32, #tpu.memory_space<vmem>>, vector<1x16xf32>,
      %broadcast_in_dim3A_125 = arith.constant 0.000000e+00 : f32
      %broadcast_in_dim3A_126 = vector.broadcast %broadcast_in_dim3A_125 : f32 to vector<16xf32>
      %swap3A_127 = arith.index_cast %scan3A_105 : i32 to index
      %swap3A_128 = arith.constant 48 : index
      %swap3A_129 = tpu.vector_load %arg14[%swap3A_127, %swap3A_128] {strides = array<i32>} : memref<120x128xf32, #tpu.memory_space<vmem>>, vector<1x16xf32>,
      %swap3A_130 = vector.shape_cast %swap3A_129 : vector<1x16xf32> to vector<16xf32>
      %swap3A_131 = vector.shape_cast %broadcast_in_dim3A_126 : vector<16xf32> to vector<1x16xf32>
      tpu.vector_store %arg14[%swap3A_127, %swap3A_128], %swap3A_131 {strides = array<i32>} : memref<120x128xf32, #tpu.memory_space<vmem>>, vector<1x16xf32>,
      %broadcast_in_dim3A_132 = arith.constant 0.000000e+00 : f32
      %broadcast_in_dim3A_133 = vector.broadcast %broadcast_in_dim3A_132 : f32 to vector<16xf32>
      %swap3A_134 = arith.index_cast %scan3A_105 : i32 to index
      %swap3A_135 = arith.constant 64 : index
      %swap3A_136 = tpu.vector_load %arg14[%swap3A_134, %swap3A_135] {strides = array<i32>} : memref<120x128xf32, #tpu.memory_space<vmem>>, vector<1x16xf32>,
      %swap3A_137 = vector.shape_cast %swap3A_136 : vector<1x16xf32> to vector<16xf32>
      %swap3A_138 = vector.shape_cast %broadcast_in_dim3A_133 : vector<16xf32> to vector<1x16xf32>
      tpu.vector_store %arg14[%swap3A_134, %swap3A_135], %swap3A_138 {strides = array<i32>} : memref<120x128xf32, #tpu.memory_space<vmem>>, vector<1x16xf32>,
      %broadcast_in_dim3A_139 = arith.constant 0.000000e+00 : f32
      %broadcast_in_dim3A_140 = vector.broadcast %broadcast_in_dim3A_139 : f32 to vector<16xf32>
      %swap3A_141 = arith.index_cast %scan3A_105 : i32 to index
      %swap3A_142 = arith.constant 80 : index
      %swap3A_143 = tpu.vector_load %arg14[%swap3A_141, %swap3A_142] {strides = array<i32>} : memref<120x128xf32, #tpu.memory_space<vmem>>, vector<1x16xf32>,
      %swap3A_144 = vector.shape_cast %swap3A_143 : vector<1x16xf32> to vector<16xf32>
      %swap3A_145 = vector.shape_cast %broadcast_in_dim3A_140 : vector<16xf32> to vector<1x16xf32>
      tpu.vector_store %arg14[%swap3A_141, %swap3A_142], %swap3A_145 {strides = array<i32>} : memref<120x128xf32, #tpu.memory_space<vmem>>, vector<1x16xf32>,
      %broadcast_in_dim3A_146 = arith.constant 0.000000e+00 : f32
      %broadcast_in_dim3A_147 = vector.broadcast %broadcast_in_dim3A_146 : f32 to vector<16xf32>
      %swap3A_148 = arith.index_cast %scan3A_105 : i32 to index
      %swap3A_149 = arith.constant 96 : index
      %swap3A_150 = tpu.vector_load %arg14[%swap3A_148, %swap3A_149] {strides = array<i32>} : memref<120x128xf32, #tpu.memory_space<vmem>>, vector<1x16xf32>,
      %swap3A_151 = vector.shape_cast %swap3A_150 : vector<1x16xf32> to vector<16xf32>
      %swap3A_152 = vector.shape_cast %broadcast_in_dim3A_147 : vector<16xf32> to vector<1x16xf32>
      tpu.vector_store %arg14[%swap3A_148, %swap3A_149], %swap3A_152 {strides = array<i32>} : memref<120x128xf32, #tpu.memory_space<vmem>>, vector<1x16xf32>,
      %broadcast_in_dim3A_153 = arith.constant 0.000000e+00 : f32
      %broadcast_in_dim3A_154 = vector.broadcast %broadcast_in_dim3A_153 : f32 to vector<16xf32>
      %swap3A_155 = arith.index_cast %scan3A_105 : i32 to index
      %swap3A_156 = arith.constant 112 : index
      %swap3A_157 = tpu.vector_load %arg14[%swap3A_155, %swap3A_156] {strides = array<i32>} : memref<120x128xf32, #tpu.memory_space<vmem>>, vector<1x16xf32>,
      %swap3A_158 = vector.shape_cast %swap3A_157 : vector<1x16xf32> to vector<16xf32>
      %swap3A_159 = vector.shape_cast %broadcast_in_dim3A_154 : vector<16xf32> to vector<1x16xf32>
      tpu.vector_store %arg14[%swap3A_155, %swap3A_156], %swap3A_159 {strides = array<i32>} : memref<120x128xf32, #tpu.memory_space<vmem>>, vector<1x16xf32>,
    }
    %scan3A_34 = arith.constant 120 : i32
    %mul3A_35 = arith.constant 640 : i32
    %mul3A_36 = arith.muli %arg1, %mul3A_35 : i32
    %add3A_37 = arith.constant 0 : i32
    %add3A_38 = arith.addi %mul3A_36, %add3A_37 : i32
    "tpu.region"() ({
      %run_scoped3A = tpu.sem_alloc : memref<!tpu.dma_semaphore, #tpu.memory_space<semaphore_mem>>
      %dma_start3A_105 = arith.constant 0 : i32
      %dma_start3A_106 = tpu.memref_slice %arg15[%add3A_38, %dma_start3A_105] : memref<10240x128xf32, #tpu.memory_space<vmem_shared>> -> memref<120x128xf32, #tpu.memory_space<vmem_shared>>
      %dma_start3A_107 = arith.constant 0 : i32
      %dma_start3A_108 = tpu.memref_slice %arg15[%add3A_38, %dma_start3A_107] : memref<10240x128xf32, #tpu.memory_space<vmem_shared>> -> memref<120x128xf32, #tpu.memory_space<vmem_shared>>
      tpu.enqueue_dma source(%arg14 : memref<120x128xf32, #tpu.memory_space<vmem>>) target(%dma_start3A_108 : memref<120x128xf32, #tpu.memory_space<vmem_shared>>) target_semaphore(%run_scoped3A : memref<!tpu.dma_semaphore, #tpu.memory_space<semaphore_mem>>)
      %dma_wait3A_109 = arith.constant 0 : i32
      %dma_wait3A_110 = tpu.memref_slice %arg15[%add3A_38, %dma_wait3A_109] : memref<10240x128xf32, #tpu.memory_space<vmem_shared>> -> memref<120x128xf32, #tpu.memory_space<vmem_shared>>
      %dma_wait3A_111 = arith.constant 0 : i32
      %dma_wait3A_112 = tpu.memref_slice %arg15[%add3A_38, %dma_wait3A_111] : memref<10240x128xf32, #tpu.memory_space<vmem_shared>> -> memref<120x128xf32, #tpu.memory_space<vmem_shared>>
      tpu.wait_dma2 semaphore(%run_scoped3A : memref<!tpu.dma_semaphore, #tpu.memory_space<semaphore_mem>>) src(%arg14 : memref<120x128xf32, #tpu.memory_space<vmem>>) dst(%dma_wait3A_112 : memref<120x128xf32, #tpu.memory_space<vmem_shared>>)
      tpu.yield
    }) : () -> ()
    %mul3A_39 = arith.constant 640 : i32
    %mul3A_40 = arith.muli %arg1, %mul3A_39 : i32
    %add3A_41 = arith.constant 120 : i32
    %add3A_42 = arith.addi %mul3A_40, %add3A_41 : i32
    "tpu.region"() ({
      %run_scoped3A = tpu.sem_alloc : memref<!tpu.dma_semaphore, #tpu.memory_space<semaphore_mem>>
      %dma_start3A_105 = arith.constant 0 : i32
      %dma_start3A_106 = tpu.memref_slice %arg15[%add3A_42, %dma_start3A_105] : memref<10240x128xf32, #tpu.memory_space<vmem_shared>> -> memref<120x128xf32, #tpu.memory_space<vmem_shared>>
      %dma_start3A_107 = arith.constant 0 : i32
      %dma_start3A_108 = tpu.memref_slice %arg15[%add3A_42, %dma_start3A_107] : memref<10240x128xf32, #tpu.memory_space<vmem_shared>> -> memref<120x128xf32, #tpu.memory_space<vmem_shared>>
      tpu.enqueue_dma source(%arg14 : memref<120x128xf32, #tpu.memory_space<vmem>>) target(%dma_start3A_108 : memref<120x128xf32, #tpu.memory_space<vmem_shared>>) target_semaphore(%run_scoped3A : memref<!tpu.dma_semaphore, #tpu.memory_space<semaphore_mem>>)
      %dma_wait3A_109 = arith.constant 0 : i32
      %dma_wait3A_110 = tpu.memref_slice %arg15[%add3A_42, %dma_wait3A_109] : memref<10240x128xf32, #tpu.memory_space<vmem_shared>> -> memref<120x128xf32, #tpu.memory_space<vmem_shared>>
      %dma_wait3A_111 = arith.constant 0 : i32
      %dma_wait3A_112 = tpu.memref_slice %arg15[%add3A_42, %dma_wait3A_111] : memref<10240x128xf32, #tpu.memory_space<vmem_shared>> -> memref<120x128xf32, #tpu.memory_space<vmem_shared>>
      tpu.wait_dma2 semaphore(%run_scoped3A : memref<!tpu.dma_semaphore, #tpu.memory_space<semaphore_mem>>) src(%arg14 : memref<120x128xf32, #tpu.memory_space<vmem>>) dst(%dma_wait3A_112 : memref<120x128xf32, #tpu.memory_space<vmem_shared>>)
      tpu.yield
    }) : () -> ()
    %mul3A_43 = arith.constant 640 : i32
    %mul3A_44 = arith.muli %arg1, %mul3A_43 : i32
    %add3A_45 = arith.constant 240 : i32
    %add3A_46 = arith.addi %mul3A_44, %add3A_45 : i32
    "tpu.region"() ({
      %run_scoped3A = tpu.sem_alloc : memref<!tpu.dma_semaphore, #tpu.memory_space<semaphore_mem>>
      %dma_start3A_105 = arith.constant 0 : i32
      %dma_start3A_106 = tpu.memref_slice %arg15[%add3A_46, %dma_start3A_105] : memref<10240x128xf32, #tpu.memory_space<vmem_shared>> -> memref<120x128xf32, #tpu.memory_space<vmem_shared>>
      %dma_start3A_107 = arith.constant 0 : i32
      %dma_start3A_108 = tpu.memref_slice %arg15[%add3A_46, %dma_start3A_107] : memref<10240x128xf32, #tpu.memory_space<vmem_shared>> -> memref<120x128xf32, #tpu.memory_space<vmem_shared>>
      tpu.enqueue_dma source(%arg14 : memref<120x128xf32, #tpu.memory_space<vmem>>) target(%dma_start3A_108 : memref<120x128xf32, #tpu.memory_space<vmem_shared>>) target_semaphore(%run_scoped3A : memref<!tpu.dma_semaphore, #tpu.memory_space<semaphore_mem>>)
      %dma_wait3A_109 = arith.constant 0 : i32
      %dma_wait3A_110 = tpu.memref_slice %arg15[%add3A_46, %dma_wait3A_109] : memref<10240x128xf32, #tpu.memory_space<vmem_shared>> -> memref<120x128xf32, #tpu.memory_space<vmem_shared>>
      %dma_wait3A_111 = arith.constant 0 : i32
      %dma_wait3A_112 = tpu.memref_slice %arg15[%add3A_46, %dma_wait3A_111] : memref<10240x128xf32, #tpu.memory_space<vmem_shared>> -> memref<120x128xf32, #tpu.memory_space<vmem_shared>>
      tpu.wait_dma2 semaphore(%run_scoped3A : memref<!tpu.dma_semaphore, #tpu.memory_space<semaphore_mem>>) src(%arg14 : memref<120x128xf32, #tpu.memory_space<vmem>>) dst(%dma_wait3A_112 : memref<120x128xf32, #tpu.memory_space<vmem_shared>>)
      tpu.yield
    }) : () -> ()
    %mul3A_47 = arith.constant 640 : i32
    %mul3A_48 = arith.muli %arg1, %mul3A_47 : i32
    %add3A_49 = arith.constant 360 : i32
    %add3A_50 = arith.addi %mul3A_48, %add3A_49 : i32
    "tpu.region"() ({
      %run_scoped3A = tpu.sem_alloc : memref<!tpu.dma_semaphore, #tpu.memory_space<semaphore_mem>>
      %dma_start3A_105 = arith.constant 0 : i32
      %dma_start3A_106 = tpu.memref_slice %arg15[%add3A_50, %dma_start3A_105] : memref<10240x128xf32, #tpu.memory_space<vmem_shared>> -> memref<120x128xf32, #tpu.memory_space<vmem_shared>>
      %dma_start3A_107 = arith.constant 0 : i32
      %dma_start3A_108 = tpu.memref_slice %arg15[%add3A_50, %dma_start3A_107] : memref<10240x128xf32, #tpu.memory_space<vmem_shared>> -> memref<120x128xf32, #tpu.memory_space<vmem_shared>>
      tpu.enqueue_dma source(%arg14 : memref<120x128xf32, #tpu.memory_space<vmem>>) target(%dma_start3A_108 : memref<120x128xf32, #tpu.memory_space<vmem_shared>>) target_semaphore(%run_scoped3A : memref<!tpu.dma_semaphore, #tpu.memory_space<semaphore_mem>>)
      %dma_wait3A_109 = arith.constant 0 : i32
      %dma_wait3A_110 = tpu.memref_slice %arg15[%add3A_50, %dma_wait3A_109] : memref<10240x128xf32, #tpu.memory_space<vmem_shared>> -> memref<120x128xf32, #tpu.memory_space<vmem_shared>>
      %dma_wait3A_111 = arith.constant 0 : i32
      %dma_wait3A_112 = tpu.memref_slice %arg15[%add3A_50, %dma_wait3A_111] : memref<10240x128xf32, #tpu.memory_space<vmem_shared>> -> memref<120x128xf32, #tpu.memory_space<vmem_shared>>
      tpu.wait_dma2 semaphore(%run_scoped3A : memref<!tpu.dma_semaphore, #tpu.memory_space<semaphore_mem>>) src(%arg14 : memref<120x128xf32, #tpu.memory_space<vmem>>) dst(%dma_wait3A_112 : memref<120x128xf32, #tpu.memory_space<vmem_shared>>)
      tpu.yield
    }) : () -> ()
    %mul3A_51 = arith.constant 640 : i32
    %mul3A_52 = arith.muli %arg1, %mul3A_51 : i32
    %add3A_53 = arith.constant 480 : i32
    %add3A_54 = arith.addi %mul3A_52, %add3A_53 : i32
    "tpu.region"() ({
      %run_scoped3A = tpu.sem_alloc : memref<!tpu.dma_semaphore, #tpu.memory_space<semaphore_mem>>
      %dma_start3A_105 = arith.constant 0 : i32
      %dma_start3A_106 = tpu.memref_slice %arg15[%add3A_54, %dma_start3A_105] : memref<10240x128xf32, #tpu.memory_space<vmem_shared>> -> memref<120x128xf32, #tpu.memory_space<vmem_shared>>
      %dma_start3A_107 = arith.constant 0 : i32
      %dma_start3A_108 = tpu.memref_slice %arg15[%add3A_54, %dma_start3A_107] : memref<10240x128xf32, #tpu.memory_space<vmem_shared>> -> memref<120x128xf32, #tpu.memory_space<vmem_shared>>
      tpu.enqueue_dma source(%arg14 : memref<120x128xf32, #tpu.memory_space<vmem>>) target(%dma_start3A_108 : memref<120x128xf32, #tpu.memory_space<vmem_shared>>) target_semaphore(%run_scoped3A : memref<!tpu.dma_semaphore, #tpu.memory_space<semaphore_mem>>)
      %dma_wait3A_109 = arith.constant 0 : i32
      %dma_wait3A_110 = tpu.memref_slice %arg15[%add3A_54, %dma_wait3A_109] : memref<10240x128xf32, #tpu.memory_space<vmem_shared>> -> memref<120x128xf32, #tpu.memory_space<vmem_shared>>
      %dma_wait3A_111 = arith.constant 0 : i32
      %dma_wait3A_112 = tpu.memref_slice %arg15[%add3A_54, %dma_wait3A_111] : memref<10240x128xf32, #tpu.memory_space<vmem_shared>> -> memref<120x128xf32, #tpu.memory_space<vmem_shared>>
      tpu.wait_dma2 semaphore(%run_scoped3A : memref<!tpu.dma_semaphore, #tpu.memory_space<semaphore_mem>>) src(%arg14 : memref<120x128xf32, #tpu.memory_space<vmem>>) dst(%dma_wait3A_112 : memref<120x128xf32, #tpu.memory_space<vmem_shared>>)
      tpu.yield
    }) : () -> ()
    %mul3A_55 = arith.constant 640 : i32
    %mul3A_56 = arith.muli %arg1, %mul3A_55 : i32
    %add3A_57 = arith.constant 640 : i32
    %add3A_58 = arith.addi %mul3A_56, %add3A_57 : i32
    %sub3A = arith.constant 40 : i32
    %sub3A_59 = arith.subi %add3A_58, %sub3A : i32
    "tpu.region"() ({
      %run_scoped3A = tpu.sem_alloc : memref<!tpu.dma_semaphore, #tpu.memory_space<semaphore_mem>>
      %dma_start3A_105 = arith.constant 0 : i32
      %dma_start3A_106 = arith.constant 0 : i32
      %dma_start3A_107 = tpu.memref_slice %arg14[%dma_start3A_105, %dma_start3A_106] : memref<120x128xf32, #tpu.memory_space<vmem>> -> memref<40x128xf32, #tpu.memory_space<vmem>>
      %dma_start3A_108 = arith.constant 0 : i32
      %dma_start3A_109 = tpu.memref_slice %arg15[%sub3A_59, %dma_start3A_108] : memref<10240x128xf32, #tpu.memory_space<vmem_shared>> -> memref<40x128xf32, #tpu.memory_space<vmem_shared>>
      %dma_start3A_110 = arith.constant 0 : i32
      %dma_start3A_111 = tpu.memref_slice %arg15[%sub3A_59, %dma_start3A_110] : memref<10240x128xf32, #tpu.memory_space<vmem_shared>> -> memref<40x128xf32, #tpu.memory_space<vmem_shared>>
      %dma_start3A_112 = arith.constant 0 : i32
      %dma_start3A_113 = arith.constant 0 : i32
      %dma_start3A_114 = tpu.memref_slice %arg14[%dma_start3A_112, %dma_start3A_113] : memref<120x128xf32, #tpu.memory_space<vmem>> -> memref<40x128xf32, #tpu.memory_space<vmem>>
      tpu.enqueue_dma source(%dma_start3A_114 : memref<40x128xf32, #tpu.memory_space<vmem>>) target(%dma_start3A_111 : memref<40x128xf32, #tpu.memory_space<vmem_shared>>) target_semaphore(%run_scoped3A : memref<!tpu.dma_semaphore, #tpu.memory_space<semaphore_mem>>)
      %dma_wait3A_115 = arith.constant 0 : i32
      %dma_wait3A_116 = arith.constant 0 : i32
      %dma_wait3A_117 = tpu.memref_slice %arg14[%dma_wait3A_115, %dma_wait3A_116] : memref<120x128xf32, #tpu.memory_space<vmem>> -> memref<40x128xf32, #tpu.memory_space<vmem>>
      %dma_wait3A_118 = arith.constant 0 : i32
      %dma_wait3A_119 = tpu.memref_slice %arg15[%sub3A_59, %dma_wait3A_118] : memref<10240x128xf32, #tpu.memory_space<vmem_shared>> -> memref<40x128xf32, #tpu.memory_space<vmem_shared>>
      %dma_wait3A_120 = arith.constant 0 : i32
      %dma_wait3A_121 = tpu.memref_slice %arg15[%sub3A_59, %dma_wait3A_120] : memref<10240x128xf32, #tpu.memory_space<vmem_shared>> -> memref<40x128xf32, #tpu.memory_space<vmem_shared>>
      %dma_wait3A_122 = arith.constant 0 : i32
      %dma_wait3A_123 = arith.constant 0 : i32
      %dma_wait3A_124 = tpu.memref_slice %arg14[%dma_wait3A_122, %dma_wait3A_123] : memref<120x128xf32, #tpu.memory_space<vmem>> -> memref<40x128xf32, #tpu.memory_space<vmem>>
      tpu.wait_dma2 semaphore(%run_scoped3A : memref<!tpu.dma_semaphore, #tpu.memory_space<semaphore_mem>>) src(%dma_wait3A_124 : memref<40x128xf32, #tpu.memory_space<vmem>>) dst(%dma_wait3A_121 : memref<40x128xf32, #tpu.memory_space<vmem_shared>>)
      tpu.yield
    }) : () -> ()
    %dma_wait3A = arith.constant 0 : i32
    %dma_wait3A_60 = tpu.memref_slice %arg2[%dma_wait3A] : memref<337920xi32, #tpu.memory_space<hbm>> -> memref<120xi32, #tpu.memory_space<hbm>>
    %dma_wait3A_61 = arith.constant 0 : i32
    %dma_wait3A_62 = tpu.memref_slice %arg2[%dma_wait3A_61] : memref<337920xi32, #tpu.memory_space<hbm>> -> memref<120xi32, #tpu.memory_space<hbm>>
    tpu.wait_dma2 semaphore(%arg22 : memref<!tpu.dma_semaphore, #tpu.memory_space<semaphore_mem>>) src(%dma_wait3A_62 : memref<120xi32, #tpu.memory_space<hbm>>) dst(%arg6 : memref<120xi32, #tpu.memory_space<vmem>>)
    %dma_start3A_63 = arith.constant 0 : i32
    %dma_start3A_64 = arith.constant 0 : i32
    %dma_start3A_65 = tpu.memref_slice %arg4[%dma_start3A_63, %dma_start3A_64] : memref<10240x128xf32, #tpu.memory_space<hbm>> -> memref<10240x128xf32, #tpu.memory_space<hbm>>
    tpu.enqueue_indirect_dma source(%dma_start3A_65 : memref<10240x128xf32, #tpu.memory_space<hbm>>) target(%arg12 : memref<120x128xf32, #tpu.memory_space<vmem>>) offsets(%arg6 : memref<120xi32, #tpu.memory_space<vmem>>) semaphore(%arg16 : memref<!tpu.dma_semaphore, #tpu.memory_space<semaphore_mem>>)
    %dma_wait3A_66 = arith.constant 0 : i32
    %dma_wait3A_67 = tpu.memref_slice %arg2[%dma_wait3A_66] : memref<337920xi32, #tpu.memory_space<hbm>> -> memref<120xi32, #tpu.memory_space<hbm>>
    %dma_wait3A_68 = arith.constant 0 : i32
    %dma_wait3A_69 = tpu.memref_slice %arg2[%dma_wait3A_68] : memref<337920xi32, #tpu.memory_space<hbm>> -> memref<120xi32, #tpu.memory_space<hbm>>
    tpu.wait_dma2 semaphore(%arg23 : memref<!tpu.dma_semaphore, #tpu.memory_space<semaphore_mem>>) src(%dma_wait3A_69 : memref<120xi32, #tpu.memory_space<hbm>>) dst(%arg7 : memref<120xi32, #tpu.memory_space<vmem>>)
    %dma_start3A_70 = arith.constant 0 : i32
    %dma_start3A_71 = arith.constant 0 : i32
    %dma_start3A_72 = tpu.memref_slice %arg4[%dma_start3A_70, %dma_start3A_71] : memref<10240x128xf32, #tpu.memory_space<hbm>> -> memref<10240x128xf32, #tpu.memory_space<hbm>>
    tpu.enqueue_indirect_dma source(%dma_start3A_72 : memref<10240x128xf32, #tpu.memory_space<hbm>>) target(%arg13 : memref<120x128xf32, #tpu.memory_space<vmem>>) offsets(%arg7 : memref<120xi32, #tpu.memory_space<vmem>>) semaphore(%arg17 : memref<!tpu.dma_semaphore, #tpu.memory_space<semaphore_mem>>)
    %barrier3A = arith.constant 0 : index
    tpu.barrier barrier_id(%barrier3A)
    %scan3A_73 = arith.constant 0 : i32
    %scan3A_74 = arith.constant 0 : i32
    %scan3A_75 = arith.constant 28 : i32
    %scan3A_76 = arith.addi %scan3A_74, %scan3A_75 : i32
    %scan3A_77 = arith.constant 1 : i32
    scf.for %scan3A_105 = %scan3A_74 to %scan3A_76 step %scan3A_77  : i32 {
      %mul3A_106 = arith.constant 3 : i32
      %mul3A_107 = arith.muli %mul3A_106, %scan3A_105 : i32
      %gt3A = arith.constant 0 : i32
      %gt3A_108 = arith.cmpi sgt, %scan3A_105, %gt3A : i32
      %dma_wait3A_109 = arith.constant 0 : i32
      %dma_wait3A_110 = arith.constant 0 : i32
      %dma_wait3A_111 = tpu.memref_slice %arg4[%dma_wait3A_109, %dma_wait3A_110] : memref<10240x128xf32, #tpu.memory_space<hbm>> -> memref<10240x128xf32, #tpu.memory_space<hbm>>
      tpu.wait_indirect_dma semaphore(%arg16 : memref<!tpu.dma_semaphore, #tpu.memory_space<semaphore_mem>>) src(%dma_wait3A_111 : memref<10240x128xf32, #tpu.memory_space<hbm>>) dst(%arg12 : memref<120x128xf32, #tpu.memory_space<vmem>>)
      %dma_wait3A_112 = arith.constant 0 : i32
      %dma_wait3A_113 = tpu.memref_slice %arg3[%dma_wait3A_112] : memref<337920xi32, #tpu.memory_space<hbm>> -> memref<120xi32, #tpu.memory_space<hbm>>
      %dma_wait3A_114 = arith.constant 0 : i32
      %dma_wait3A_115 = tpu.memref_slice %arg3[%dma_wait3A_114] : memref<337920xi32, #tpu.memory_space<hbm>> -> memref<120xi32, #tpu.memory_space<hbm>>
      tpu.wait_dma2 semaphore(%arg25 : memref<!tpu.dma_semaphore, #tpu.memory_space<semaphore_mem>>) src(%dma_wait3A_115 : memref<120xi32, #tpu.memory_space<hbm>>) dst(%arg9 : memref<120xi32, #tpu.memory_space<vmem>>)
      %dma_start3A_116 = arith.constant 0 : i32
      %dma_start3A_117 = arith.constant 0 : i32
      %dma_start3A_118 = tpu.memref_slice %arg15[%dma_start3A_116, %dma_start3A_117] : memref<10240x128xf32, #tpu.memory_space<vmem_shared>> -> memref<10240x128xf32, #tpu.memory_space<vmem_shared>>
      tpu.enqueue_indirect_dma source(%arg12 : memref<120x128xf32, #tpu.memory_space<vmem>>) target(%dma_start3A_118 : memref<10240x128xf32, #tpu.memory_space<vmem_shared>>) offsets(%arg9 : memref<120xi32, #tpu.memory_space<vmem>>) semaphore(%arg19 : memref<!tpu.dma_semaphore, #tpu.memory_space<semaphore_mem>>) {add = true}
      %add3A_119 = arith.constant 3 : i32
      %add3A_120 = arith.addi %mul3A_107, %add3A_119 : i32
      %mul3A_121 = arith.constant 32 : i32
      %mul3A_122 = arith.muli %mul3A_121, %add3A_120 : i32
      %add3A_123 = arith.addi %add3A, %mul3A_122 : i32
      %mul3A_124 = arith.constant 120 : i32
      %mul3A_125 = arith.muli %add3A_123, %mul3A_124 : i32
      %dma_start3A_126 = tpu.memref_slice %arg2[%mul3A_125] : memref<337920xi32, #tpu.memory_space<hbm>> -> memref<120xi32, #tpu.memory_space<hbm>>
      %dma_start3A_127 = tpu.memref_slice %arg2[%mul3A_125] : memref<337920xi32, #tpu.memory_space<hbm>> -> memref<120xi32, #tpu.memory_space<hbm>>
      tpu.enqueue_dma source(%dma_start3A_127 : memref<120xi32, #tpu.memory_space<hbm>>) target(%arg6 : memref<120xi32, #tpu.memory_space<vmem>>) target_semaphore(%arg22 : memref<!tpu.dma_semaphore, #tpu.memory_space<semaphore_mem>>)
      %convert_element_type3A = arith.extui %gt3A_108 : i1 to i32
      %cond3A = arith.constant 0 : i32
      %cond3A_128 = arith.cmpi ne, %convert_element_type3A, %cond3A : i32
      scf.if %cond3A_128 {
        %dma_wait3A_225 = arith.constant 0 : i32
        %dma_wait3A_226 = arith.constant 0 : i32
        %dma_wait3A_227 = tpu.memref_slice %arg15[%dma_wait3A_225, %dma_wait3A_226] : memref<10240x128xf32, #tpu.memory_space<vmem_shared>> -> memref<10240x128xf32, #tpu.memory_space<vmem_shared>>
        tpu.wait_indirect_dma semaphore(%arg21 : memref<!tpu.dma_semaphore, #tpu.memory_space<semaphore_mem>>) src(%arg14 : memref<120x128xf32, #tpu.memory_space<vmem>>) dst(%dma_wait3A_227 : memref<10240x128xf32, #tpu.memory_space<vmem_shared>>)
      } else {
      }
      %add3A_129 = arith.constant 2 : i32
      %add3A_130 = arith.addi %mul3A_107, %add3A_129 : i32
      %mul3A_131 = arith.constant 32 : i32
      %mul3A_132 = arith.muli %mul3A_131, %add3A_130 : i32
      %add3A_133 = arith.addi %add3A, %mul3A_132 : i32
      %mul3A_134 = arith.constant 120 : i32
      %mul3A_135 = arith.muli %add3A_133, %mul3A_134 : i32
      %dma_start3A_136 = tpu.memref_slice %arg3[%mul3A_135] : memref<337920xi32, #tpu.memory_space<hbm>> -> memref<120xi32, #tpu.memory_space<hbm>>
      %dma_start3A_137 = tpu.memref_slice %arg3[%mul3A_135] : memref<337920xi32, #tpu.memory_space<hbm>> -> memref<120xi32, #tpu.memory_space<hbm>>
      tpu.enqueue_dma source(%dma_start3A_137 : memref<120xi32, #tpu.memory_space<hbm>>) target(%arg11 : memref<120xi32, #tpu.memory_space<vmem>>) target_semaphore(%arg27 : memref<!tpu.dma_semaphore, #tpu.memory_space<semaphore_mem>>)
      %dma_wait3A_138 = arith.constant 0 : i32
      %dma_wait3A_139 = tpu.memref_slice %arg2[%dma_wait3A_138] : memref<337920xi32, #tpu.memory_space<hbm>> -> memref<120xi32, #tpu.memory_space<hbm>>
      %dma_wait3A_140 = arith.constant 0 : i32
      %dma_wait3A_141 = tpu.memref_slice %arg2[%dma_wait3A_140] : memref<337920xi32, #tpu.memory_space<hbm>> -> memref<120xi32, #tpu.memory_space<hbm>>
      tpu.wait_dma2 semaphore(%arg24 : memref<!tpu.dma_semaphore, #tpu.memory_space<semaphore_mem>>) src(%dma_wait3A_141 : memref<120xi32, #tpu.memory_space<hbm>>) dst(%arg8 : memref<120xi32, #tpu.memory_space<vmem>>)
      %dma_start3A_142 = arith.constant 0 : i32
      %dma_start3A_143 = arith.constant 0 : i32
      %dma_start3A_144 = tpu.memref_slice %arg4[%dma_start3A_142, %dma_start3A_143] : memref<10240x128xf32, #tpu.memory_space<hbm>> -> memref<10240x128xf32, #tpu.memory_space<hbm>>
      tpu.enqueue_indirect_dma source(%dma_start3A_144 : memref<10240x128xf32, #tpu.memory_space<hbm>>) target(%arg14 : memref<120x128xf32, #tpu.memory_space<vmem>>) offsets(%arg8 : memref<120xi32, #tpu.memory_space<vmem>>) semaphore(%arg18 : memref<!tpu.dma_semaphore, #tpu.memory_space<semaphore_mem>>)
      %add3A_145 = arith.constant 1 : i32
      %add3A_146 = arith.addi %mul3A_107, %add3A_145 : i32
      %dma_wait3A_147 = arith.constant 0 : i32
      %dma_wait3A_148 = arith.constant 0 : i32
      %dma_wait3A_149 = tpu.memref_slice %arg4[%dma_wait3A_147, %dma_wait3A_148] : memref<10240x128xf32, #tpu.memory_space<hbm>> -> memref<10240x128xf32, #tpu.memory_space<hbm>>
      tpu.wait_indirect_dma semaphore(%arg17 : memref<!tpu.dma_semaphore, #tpu.memory_space<semaphore_mem>>) src(%dma_wait3A_149 : memref<10240x128xf32, #tpu.memory_space<hbm>>) dst(%arg13 : memref<120x128xf32, #tpu.memory_space<vmem>>)
      %dma_wait3A_150 = arith.constant 0 : i32
      %dma_wait3A_151 = tpu.memref_slice %arg3[%dma_wait3A_150] : memref<337920xi32, #tpu.memory_space<hbm>> -> memref<120xi32, #tpu.memory_space<hbm>>
      %dma_wait3A_152 = arith.constant 0 : i32
      %dma_wait3A_153 = tpu.memref_slice %arg3[%dma_wait3A_152] : memref<337920xi32, #tpu.memory_space<hbm>> -> memref<120xi32, #tpu.memory_space<hbm>>
      tpu.wait_dma2 semaphore(%arg26 : memref<!tpu.dma_semaphore, #tpu.memory_space<semaphore_mem>>) src(%dma_wait3A_153 : memref<120xi32, #tpu.memory_space<hbm>>) dst(%arg10 : memref<120xi32, #tpu.memory_space<vmem>>)
      %dma_start3A_154 = arith.constant 0 : i32
      %dma_start3A_155 = arith.constant 0 : i32
      %dma_start3A_156 = tpu.memref_slice %arg15[%dma_start3A_154, %dma_start3A_155] : memref<10240x128xf32, #tpu.memory_space<vmem_shared>> -> memref<10240x128xf32, #tpu.memory_space<vmem_shared>>
      tpu.enqueue_indirect_dma source(%arg13 : memref<120x128xf32, #tpu.memory_space<vmem>>) target(%dma_start3A_156 : memref<10240x128xf32, #tpu.memory_space<vmem_shared>>) offsets(%arg10 : memref<120xi32, #tpu.memory_space<vmem>>) semaphore(%arg20 : memref<!tpu.dma_semaphore, #tpu.memory_space<semaphore_mem>>) {add = true}
      %add3A_157 = arith.constant 3 : i32
      %add3A_158 = arith.addi %add3A_146, %add3A_157 : i32
      %mul3A_159 = arith.constant 32 : i32
      %mul3A_160 = arith.muli %mul3A_159, %add3A_158 : i32
      %add3A_161 = arith.addi %add3A, %mul3A_160 : i32
      %mul3A_162 = arith.constant 120 : i32
      %mul3A_163 = arith.muli %add3A_161, %mul3A_162 : i32
      %dma_start3A_164 = tpu.memref_slice %arg2[%mul3A_163] : memref<337920xi32, #tpu.memory_space<hbm>> -> memref<120xi32, #tpu.memory_space<hbm>>
      %dma_start3A_165 = tpu.memref_slice %arg2[%mul3A_163] : memref<337920xi32, #tpu.memory_space<hbm>> -> memref<120xi32, #tpu.memory_space<hbm>>
      tpu.enqueue_dma source(%dma_start3A_165 : memref<120xi32, #tpu.memory_space<hbm>>) target(%arg7 : memref<120xi32, #tpu.memory_space<vmem>>) target_semaphore(%arg23 : memref<!tpu.dma_semaphore, #tpu.memory_space<semaphore_mem>>)
      %dma_wait3A_166 = arith.constant 0 : i32
      %dma_wait3A_167 = arith.constant 0 : i32
      %dma_wait3A_168 = tpu.memref_slice %arg15[%dma_wait3A_166, %dma_wait3A_167] : memref<10240x128xf32, #tpu.memory_space<vmem_shared>> -> memref<10240x128xf32, #tpu.memory_space<vmem_shared>>
      tpu.wait_indirect_dma semaphore(%arg19 : memref<!tpu.dma_semaphore, #tpu.memory_space<semaphore_mem>>) src(%arg12 : memref<120x128xf32, #tpu.memory_space<vmem>>) dst(%dma_wait3A_168 : memref<10240x128xf32, #tpu.memory_space<vmem_shared>>)
      %add3A_169 = arith.constant 2 : i32
      %add3A_170 = arith.addi %add3A_146, %add3A_169 : i32
      %mul3A_171 = arith.constant 32 : i32
      %mul3A_172 = arith.muli %mul3A_171, %add3A_170 : i32
      %add3A_173 = arith.addi %add3A, %mul3A_172 : i32
      %mul3A_174 = arith.constant 120 : i32
      %mul3A_175 = arith.muli %add3A_173, %mul3A_174 : i32
      %dma_start3A_176 = tpu.memref_slice %arg3[%mul3A_175] : memref<337920xi32, #tpu.memory_space<hbm>> -> memref<120xi32, #tpu.memory_space<hbm>>
      %dma_start3A_177 = tpu.memref_slice %arg3[%mul3A_175] : memref<337920xi32, #tpu.memory_space<hbm>> -> memref<120xi32, #tpu.memory_space<hbm>>
      tpu.enqueue_dma source(%dma_start3A_177 : memref<120xi32, #tpu.memory_space<hbm>>) target(%arg9 : memref<120xi32, #tpu.memory_space<vmem>>) target_semaphore(%arg25 : memref<!tpu.dma_semaphore, #tpu.memory_space<semaphore_mem>>)
      %dma_wait3A_178 = arith.constant 0 : i32
      %dma_wait3A_179 = tpu.memref_slice %arg2[%dma_wait3A_178] : memref<337920xi32, #tpu.memory_space<hbm>> -> memref<120xi32, #tpu.memory_space<hbm>>
      %dma_wait3A_180 = arith.constant 0 : i32
      %dma_wait3A_181 = tpu.memref_slice %arg2[%dma_wait3A_180] : memref<337920xi32, #tpu.memory_space<hbm>> -> memref<120xi32, #tpu.memory_space<hbm>>
      tpu.wait_dma2 semaphore(%arg22 : memref<!tpu.dma_semaphore, #tpu.memory_space<semaphore_mem>>) src(%dma_wait3A_181 : memref<120xi32, #tpu.memory_space<hbm>>) dst(%arg6 : memref<120xi32, #tpu.memory_space<vmem>>)
      %dma_start3A_182 = arith.constant 0 : i32
      %dma_start3A_183 = arith.constant 0 : i32
      %dma_start3A_184 = tpu.memref_slice %arg4[%dma_start3A_182, %dma_start3A_183] : memref<10240x128xf32, #tpu.memory_space<hbm>> -> memref<10240x128xf32, #tpu.memory_space<hbm>>
      tpu.enqueue_indirect_dma source(%dma_start3A_184 : memref<10240x128xf32, #tpu.memory_space<hbm>>) target(%arg12 : memref<120x128xf32, #tpu.memory_space<vmem>>) offsets(%arg6 : memref<120xi32, #tpu.memory_space<vmem>>) semaphore(%arg16 : memref<!tpu.dma_semaphore, #tpu.memory_space<semaphore_mem>>)
      %add3A_185 = arith.constant 2 : i32
      %add3A_186 = arith.addi %mul3A_107, %add3A_185 : i32
      %dma_wait3A_187 = arith.constant 0 : i32
      %dma_wait3A_188 = arith.constant 0 : i32
      %dma_wait3A_189 = tpu.memref_slice %arg4[%dma_wait3A_187, %dma_wait3A_188] : memref<10240x128xf32, #tpu.memory_space<hbm>> -> memref<10240x128xf32, #tpu.memory_space<hbm>>
      tpu.wait_indirect_dma semaphore(%arg18 : memref<!tpu.dma_semaphore, #tpu.memory_space<semaphore_mem>>) src(%dma_wait3A_189 : memref<10240x128xf32, #tpu.memory_space<hbm>>) dst(%arg14 : memref<120x128xf32, #tpu.memory_space<vmem>>)
      %dma_wait3A_190 = arith.constant 0 : i32
      %dma_wait3A_191 = tpu.memref_slice %arg3[%dma_wait3A_190] : memref<337920xi32, #tpu.memory_space<hbm>> -> memref<120xi32, #tpu.memory_space<hbm>>
      %dma_wait3A_192 = arith.constant 0 : i32
      %dma_wait3A_193 = tpu.memref_slice %arg3[%dma_wait3A_192] : memref<337920xi32, #tpu.memory_space<hbm>> -> memref<120xi32, #tpu.memory_space<hbm>>
      tpu.wait_dma2 semaphore(%arg27 : memref<!tpu.dma_semaphore, #tpu.memory_space<semaphore_mem>>) src(%dma_wait3A_193 : memref<120xi32, #tpu.memory_space<hbm>>) dst(%arg11 : memref<120xi32, #tpu.memory_space<vmem>>)
      %dma_start3A_194 = arith.constant 0 : i32
      %dma_start3A_195 = arith.constant 0 : i32
      %dma_start3A_196 = tpu.memref_slice %arg15[%dma_start3A_194, %dma_start3A_195] : memref<10240x128xf32, #tpu.memory_space<vmem_shared>> -> memref<10240x128xf32, #tpu.memory_space<vmem_shared>>
      tpu.enqueue_indirect_dma source(%arg14 : memref<120x128xf32, #tpu.memory_space<vmem>>) target(%dma_start3A_196 : memref<10240x128xf32, #tpu.memory_space<vmem_shared>>) offsets(%arg11 : memref<120xi32, #tpu.memory_space<vmem>>) semaphore(%arg21 : memref<!tpu.dma_semaphore, #tpu.memory_space<semaphore_mem>>) {add = true}
      %add3A_197 = arith.constant 3 : i32
      %add3A_198 = arith.addi %add3A_186, %add3A_197 : i32
      %mul3A_199 = arith.constant 32 : i32
      %mul3A_200 = arith.muli %mul3A_199, %add3A_198 : i32
      %add3A_201 = arith.addi %add3A, %mul3A_200 : i32
      %mul3A_202 = arith.constant 120 : i32
      %mul3A_203 = arith.muli %add3A_201, %mul3A_202 : i32
      %dma_start3A_204 = tpu.memref_slice %arg2[%mul3A_203] : memref<337920xi32, #tpu.memory_space<hbm>> -> memref<120xi32, #tpu.memory_space<hbm>>
      %dma_start3A_205 = tpu.memref_slice %arg2[%mul3A_203] : memref<337920xi32, #tpu.memory_space<hbm>> -> memref<120xi32, #tpu.memory_space<hbm>>
      tpu.enqueue_dma source(%dma_start3A_205 : memref<120xi32, #tpu.memory_space<hbm>>) target(%arg8 : memref<120xi32, #tpu.memory_space<vmem>>) target_semaphore(%arg24 : memref<!tpu.dma_semaphore, #tpu.memory_space<semaphore_mem>>)
      %dma_wait3A_206 = arith.constant 0 : i32
      %dma_wait3A_207 = arith.constant 0 : i32
      %dma_wait3A_208 = tpu.memref_slice %arg15[%dma_wait3A_206, %dma_wait3A_207] : memref<10240x128xf32, #tpu.memory_space<vmem_shared>> -> memref<10240x128xf32, #tpu.memory_space<vmem_shared>>
      tpu.wait_indirect_dma semaphore(%arg20 : memref<!tpu.dma_semaphore, #tpu.memory_space<semaphore_mem>>) src(%arg13 : memref<120x128xf32, #tpu.memory_space<vmem>>) dst(%dma_wait3A_208 : memref<10240x128xf32, #tpu.memory_space<vmem_shared>>)
      %add3A_209 = arith.constant 2 : i32
      %add3A_210 = arith.addi %add3A_186, %add3A_209 : i32
      %mul3A_211 = arith.constant 32 : i32
      %mul3A_212 = arith.muli %mul3A_211, %add3A_210 : i32
      %add3A_213 = arith.addi %add3A, %mul3A_212 : i32
      %mul3A_214 = arith.constant 120 : i32
      %mul3A_215 = arith.muli %add3A_213, %mul3A_214 : i32
      %dma_start3A_216 = tpu.memref_slice %arg3[%mul3A_215] : memref<337920xi32, #tpu.memory_space<hbm>> -> memref<120xi32, #tpu.memory_space<hbm>>
      %dma_start3A_217 = tpu.memref_slice %arg3[%mul3A_215] : memref<337920xi32, #tpu.memory_space<hbm>> -> memref<120xi32, #tpu.memory_space<hbm>>
      tpu.enqueue_dma source(%dma_start3A_217 : memref<120xi32, #tpu.memory_space<hbm>>) target(%arg10 : memref<120xi32, #tpu.memory_space<vmem>>) target_semaphore(%arg26 : memref<!tpu.dma_semaphore, #tpu.memory_space<semaphore_mem>>)
      %dma_wait3A_218 = arith.constant 0 : i32
      %dma_wait3A_219 = tpu.memref_slice %arg2[%dma_wait3A_218] : memref<337920xi32, #tpu.memory_space<hbm>> -> memref<120xi32, #tpu.memory_space<hbm>>
      %dma_wait3A_220 = arith.constant 0 : i32
      %dma_wait3A_221 = tpu.memref_slice %arg2[%dma_wait3A_220] : memref<337920xi32, #tpu.memory_space<hbm>> -> memref<120xi32, #tpu.memory_space<hbm>>
      tpu.wait_dma2 semaphore(%arg23 : memref<!tpu.dma_semaphore, #tpu.memory_space<semaphore_mem>>) src(%dma_wait3A_221 : memref<120xi32, #tpu.memory_space<hbm>>) dst(%arg7 : memref<120xi32, #tpu.memory_space<vmem>>)
      %dma_start3A_222 = arith.constant 0 : i32
      %dma_start3A_223 = arith.constant 0 : i32
      %dma_start3A_224 = tpu.memref_slice %arg4[%dma_start3A_222, %dma_start3A_223] : memref<10240x128xf32, #tpu.memory_space<hbm>> -> memref<10240x128xf32, #tpu.memory_space<hbm>>
      tpu.enqueue_indirect_dma source(%dma_start3A_224 : memref<10240x128xf32, #tpu.memory_space<hbm>>) target(%arg13 : memref<120x128xf32, #tpu.memory_space<vmem>>) offsets(%arg7 : memref<120xi32, #tpu.memory_space<vmem>>) semaphore(%arg17 : memref<!tpu.dma_semaphore, #tpu.memory_space<semaphore_mem>>)
    }
    %scan3A_78 = arith.constant 28 : i32
    %dma_wait3A_79 = arith.constant 0 : i32
    %dma_wait3A_80 = arith.constant 0 : i32
    %dma_wait3A_81 = tpu.memref_slice %arg4[%dma_wait3A_79, %dma_wait3A_80] : memref<10240x128xf32, #tpu.memory_space<hbm>> -> memref<10240x128xf32, #tpu.memory_space<hbm>>
    tpu.wait_indirect_dma semaphore(%arg16 : memref<!tpu.dma_semaphore, #tpu.memory_space<semaphore_mem>>) src(%dma_wait3A_81 : memref<10240x128xf32, #tpu.memory_space<hbm>>) dst(%arg12 : memref<120x128xf32, #tpu.memory_space<vmem>>)
    %dma_wait3A_82 = arith.constant 0 : i32
    %dma_wait3A_83 = arith.constant 0 : i32
    %dma_wait3A_84 = tpu.memref_slice %arg4[%dma_wait3A_82, %dma_wait3A_83] : memref<10240x128xf32, #tpu.memory_space<hbm>> -> memref<10240x128xf32, #tpu.memory_space<hbm>>
    tpu.wait_indirect_dma semaphore(%arg17 : memref<!tpu.dma_semaphore, #tpu.memory_space<semaphore_mem>>) src(%dma_wait3A_84 : memref<10240x128xf32, #tpu.memory_space<hbm>>) dst(%arg13 : memref<120x128xf32, #tpu.memory_space<vmem>>)
    %dma_wait3A_85 = arith.constant 0 : i32
    %dma_wait3A_86 = arith.constant 0 : i32
    %dma_wait3A_87 = tpu.memref_slice %arg15[%dma_wait3A_85, %dma_wait3A_86] : memref<10240x128xf32, #tpu.memory_space<vmem_shared>> -> memref<10240x128xf32, #tpu.memory_space<vmem_shared>>
    tpu.wait_indirect_dma semaphore(%arg21 : memref<!tpu.dma_semaphore, #tpu.memory_space<semaphore_mem>>) src(%arg14 : memref<120x128xf32, #tpu.memory_space<vmem>>) dst(%dma_wait3A_87 : memref<10240x128xf32, #tpu.memory_space<vmem_shared>>)
    %dma_wait3A_88 = arith.constant 0 : i32
    %dma_wait3A_89 = tpu.memref_slice %arg2[%dma_wait3A_88] : memref<337920xi32, #tpu.memory_space<hbm>> -> memref<120xi32, #tpu.memory_space<hbm>>
    %dma_wait3A_90 = arith.constant 0 : i32
    %dma_wait3A_91 = tpu.memref_slice %arg2[%dma_wait3A_90] : memref<337920xi32, #tpu.memory_space<hbm>> -> memref<120xi32, #tpu.memory_space<hbm>>
    tpu.wait_dma2 semaphore(%arg24 : memref<!tpu.dma_semaphore, #tpu.memory_space<semaphore_mem>>) src(%dma_wait3A_91 : memref<120xi32, #tpu.memory_space<hbm>>) dst(%arg8 : memref<120xi32, #tpu.memory_space<vmem>>)
    %dma_wait3A_92 = arith.constant 0 : i32
    %dma_wait3A_93 = tpu.memref_slice %arg3[%dma_wait3A_92] : memref<337920xi32, #tpu.memory_space<hbm>> -> memref<120xi32, #tpu.memory_space<hbm>>
    %dma_wait3A_94 = arith.constant 0 : i32
    %dma_wait3A_95 = tpu.memref_slice %arg3[%dma_wait3A_94] : memref<337920xi32, #tpu.memory_space<hbm>> -> memref<120xi32, #tpu.memory_space<hbm>>
    tpu.wait_dma2 semaphore(%arg25 : memref<!tpu.dma_semaphore, #tpu.memory_space<semaphore_mem>>) src(%dma_wait3A_95 : memref<120xi32, #tpu.memory_space<hbm>>) dst(%arg9 : memref<120xi32, #tpu.memory_space<vmem>>)
    %dma_wait3A_96 = arith.constant 0 : i32
    %dma_wait3A_97 = tpu.memref_slice %arg3[%dma_wait3A_96] : memref<337920xi32, #tpu.memory_space<hbm>> -> memref<120xi32, #tpu.memory_space<hbm>>
    %dma_wait3A_98 = arith.constant 0 : i32
    %dma_wait3A_99 = tpu.memref_slice %arg3[%dma_wait3A_98] : memref<337920xi32, #tpu.memory_space<hbm>> -> memref<120xi32, #tpu.memory_space<hbm>>
    tpu.wait_dma2 semaphore(%arg26 : memref<!tpu.dma_semaphore, #tpu.memory_space<semaphore_mem>>) src(%dma_wait3A_99 : memref<120xi32, #tpu.memory_space<hbm>>) dst(%arg10 : memref<120xi32, #tpu.memory_space<vmem>>)
    %barrier3A_100 = arith.constant 0 : index
    tpu.barrier barrier_id(%barrier3A_100)
    %mul3A_101 = arith.constant 640 : i32
    %mul3A_102 = arith.muli %arg1, %mul3A_101 : i32
    %mul3A_103 = arith.constant 640 : i32
    %mul3A_104 = arith.muli %arg1, %mul3A_103 : i32
    "tpu.region"() ({
      %run_scoped3A = tpu.sem_alloc : memref<!tpu.dma_semaphore, #tpu.memory_space<semaphore_mem>>
      %dma_start3A_105 = arith.constant 0 : i32
      %dma_start3A_106 = tpu.memref_slice %arg5[%arg0, %mul3A_104, %dma_start3A_105] : memref<2x10240x128xf32, #tpu.memory_space<hbm>> -> memref<1x640x128xf32, #tpu.memory_space<hbm>>
      %dma_start3A_107 = tpu.memref_squeeze %dma_start3A_106 : memref<1x640x128xf32, #tpu.memory_space<hbm>> -> memref<640x128xf32, #tpu.memory_space<hbm>>
      %dma_start3A_108 = arith.constant 0 : i32
      %dma_start3A_109 = tpu.memref_slice %arg15[%mul3A_102, %dma_start3A_108] : memref<10240x128xf32, #tpu.memory_space<vmem_shared>> -> memref<640x128xf32, #tpu.memory_space<vmem_shared>>
      tpu.enqueue_dma source(%dma_start3A_109 : memref<640x128xf32, #tpu.memory_space<vmem_shared>>) target(%dma_start3A_107 : memref<640x128xf32, #tpu.memory_space<hbm>>) target_semaphore(%run_scoped3A : memref<!tpu.dma_semaphore, #tpu.memory_space<semaphore_mem>>)
      %dma_wait3A_110 = arith.constant 0 : i32
      %dma_wait3A_111 = tpu.memref_slice %arg5[%arg0, %mul3A_104, %dma_wait3A_110] : memref<2x10240x128xf32, #tpu.memory_space<hbm>> -> memref<1x640x128xf32, #tpu.memory_space<hbm>>
      %dma_wait3A_112 = tpu.memref_squeeze %dma_wait3A_111 : memref<1x640x128xf32, #tpu.memory_space<hbm>> -> memref<640x128xf32, #tpu.memory_space<hbm>>
      %dma_wait3A_113 = arith.constant 0 : i32
      %dma_wait3A_114 = tpu.memref_slice %arg15[%mul3A_102, %dma_wait3A_113] : memref<10240x128xf32, #tpu.memory_space<vmem_shared>> -> memref<640x128xf32, #tpu.memory_space<vmem_shared>>
      tpu.wait_dma2 semaphore(%run_scoped3A : memref<!tpu.dma_semaphore, #tpu.memory_space<semaphore_mem>>) src(%dma_wait3A_114 : memref<640x128xf32, #tpu.memory_space<vmem_shared>>) dst(%dma_wait3A_112 : memref<640x128xf32, #tpu.memory_space<hbm>>)
      tpu.yield
    }) : () -> ()
    return
  }
}

#map = affine_map<(d0, d1) -> (0)>
#map1 = affine_map<(d0, d1) -> (0, 0, 0)>
module attributes {stable_mosaic.version = 14 : i64} {
  func.func @_deg_body(%arg0: i32, %arg1: i32, %arg2: memref<337920xi32, #tpu.memory_space<hbm>>, %arg3: memref<337920xi32, #tpu.memory_space<hbm>>, %arg4: memref<2x2x10240xf32, #tpu.memory_space<hbm>>, %arg5: memref<88x120xi32, #tpu.memory_space<vmem>>, %arg6: memref<88x120xi32, #tpu.memory_space<vmem>>, %arg7: memref<120xf32, #tpu.memory_space<vmem>>, %arg8: memref<640xf32, #tpu.memory_space<vmem>>, %arg9: memref<10240xf32, #tpu.memory_space<vmem_shared>>, %arg10: memref<10240xf32, #tpu.memory_space<vmem_shared>>, %arg11: memref<!tpu.dma_semaphore, #tpu.memory_space<semaphore_mem>>) attributes {dimension_semantics = [#tpu.dimension_semantics<core_parallel>, #tpu.dimension_semantics<subcore_parallel>], iteration_bounds = array<i64: 2, 16>, scalar_prefetch = 0 : i64, scratch_operands = 7 : i64, tpu.core_type = #tpu.core_type<sc_vector_subcore>, window_params = [{transform_indices = #map}, {transform_indices = #map}, {transform_indices = #map1}]} {
    %mul3A = arith.constant 2 : i32
    %mul3A_0 = arith.muli %arg1, %mul3A : i32
    %add3A = arith.addi %mul3A_0, %arg0 : i32
    %scan3A = arith.constant 0 : i32
    %scan3A_1 = arith.constant 0 : i32
    %scan3A_2 = arith.constant 40 : i32
    %scan3A_3 = arith.addi %scan3A_1, %scan3A_2 : i32
    %scan3A_4 = arith.constant 1 : i32
    scf.for %scan3A_90 = %scan3A_1 to %scan3A_3 step %scan3A_4  : i32 {
      %broadcast_in_dim3A_91 = arith.constant 0.000000e+00 : f32
      %broadcast_in_dim3A_92 = vector.broadcast %broadcast_in_dim3A_91 : f32 to vector<16xf32>
      %mul3A_93 = arith.constant 16 : i32
      %mul3A_94 = arith.muli %scan3A_90, %mul3A_93 : i32
      %swap3A_95 = arith.index_cast %mul3A_94 : i32 to index
      %swap3A_96 = tpu.vector_load %arg8[%swap3A_95] {strides = array<i32>} : memref<640xf32, #tpu.memory_space<vmem>>, vector<16xf32>,
      %swap3A_97 = vector.shape_cast %swap3A_96 : vector<16xf32> to vector<16xf32>
      %swap3A_98 = vector.shape_cast %broadcast_in_dim3A_92 : vector<16xf32> to vector<16xf32>
      tpu.vector_store %arg8[%swap3A_95], %swap3A_98 {strides = array<i32>} : memref<640xf32, #tpu.memory_space<vmem>>, vector<16xf32>,
    }
    %scan3A_5 = arith.constant 40 : i32
    %mul3A_6 = arith.constant 640 : i32
    %mul3A_7 = arith.muli %arg1, %mul3A_6 : i32
    "tpu.region"() ({
      %run_scoped3A_90 = tpu.sem_alloc : memref<!tpu.dma_semaphore, #tpu.memory_space<semaphore_mem>>
      %dma_start3A = tpu.memref_slice %arg9[%mul3A_7] : memref<10240xf32, #tpu.memory_space<vmem_shared>> -> memref<640xf32, #tpu.memory_space<vmem_shared>>
      %dma_start3A_91 = tpu.memref_slice %arg9[%mul3A_7] : memref<10240xf32, #tpu.memory_space<vmem_shared>> -> memref<640xf32, #tpu.memory_space<vmem_shared>>
      tpu.enqueue_dma source(%arg8 : memref<640xf32, #tpu.memory_space<vmem>>) target(%dma_start3A_91 : memref<640xf32, #tpu.memory_space<vmem_shared>>) target_semaphore(%run_scoped3A_90 : memref<!tpu.dma_semaphore, #tpu.memory_space<semaphore_mem>>)
      %dma_wait3A = tpu.memref_slice %arg9[%mul3A_7] : memref<10240xf32, #tpu.memory_space<vmem_shared>> -> memref<640xf32, #tpu.memory_space<vmem_shared>>
      %dma_wait3A_92 = tpu.memref_slice %arg9[%mul3A_7] : memref<10240xf32, #tpu.memory_space<vmem_shared>> -> memref<640xf32, #tpu.memory_space<vmem_shared>>
      tpu.wait_dma2 semaphore(%run_scoped3A_90 : memref<!tpu.dma_semaphore, #tpu.memory_space<semaphore_mem>>) src(%arg8 : memref<640xf32, #tpu.memory_space<vmem>>) dst(%dma_wait3A_92 : memref<640xf32, #tpu.memory_space<vmem_shared>>)
      tpu.yield
    }) : () -> ()
    %mul3A_8 = arith.constant 640 : i32
    %mul3A_9 = arith.muli %arg1, %mul3A_8 : i32
    "tpu.region"() ({
      %run_scoped3A_90 = tpu.sem_alloc : memref<!tpu.dma_semaphore, #tpu.memory_space<semaphore_mem>>
      %dma_start3A = tpu.memref_slice %arg10[%mul3A_9] : memref<10240xf32, #tpu.memory_space<vmem_shared>> -> memref<640xf32, #tpu.memory_space<vmem_shared>>
      %dma_start3A_91 = tpu.memref_slice %arg10[%mul3A_9] : memref<10240xf32, #tpu.memory_space<vmem_shared>> -> memref<640xf32, #tpu.memory_space<vmem_shared>>
      tpu.enqueue_dma source(%arg8 : memref<640xf32, #tpu.memory_space<vmem>>) target(%dma_start3A_91 : memref<640xf32, #tpu.memory_space<vmem_shared>>) target_semaphore(%run_scoped3A_90 : memref<!tpu.dma_semaphore, #tpu.memory_space<semaphore_mem>>)
      %dma_wait3A = tpu.memref_slice %arg10[%mul3A_9] : memref<10240xf32, #tpu.memory_space<vmem_shared>> -> memref<640xf32, #tpu.memory_space<vmem_shared>>
      %dma_wait3A_92 = tpu.memref_slice %arg10[%mul3A_9] : memref<10240xf32, #tpu.memory_space<vmem_shared>> -> memref<640xf32, #tpu.memory_space<vmem_shared>>
      tpu.wait_dma2 semaphore(%run_scoped3A_90 : memref<!tpu.dma_semaphore, #tpu.memory_space<semaphore_mem>>) src(%arg8 : memref<640xf32, #tpu.memory_space<vmem>>) dst(%dma_wait3A_92 : memref<640xf32, #tpu.memory_space<vmem_shared>>)
      tpu.yield
    }) : () -> ()
    %scan3A_10 = arith.constant 0 : i32
    %scan3A_11 = arith.constant 0 : i32
    %scan3A_12 = arith.constant 88 : i32
    %scan3A_13 = arith.addi %scan3A_11, %scan3A_12 : i32
    %scan3A_14 = arith.constant 1 : i32
    scf.for %scan3A_90 = %scan3A_11 to %scan3A_13 step %scan3A_14  : i32 {
      %mul3A_91 = arith.constant 88 : i32
      %mul3A_92 = arith.muli %add3A, %mul3A_91 : i32
      %add3A_93 = arith.addi %mul3A_92, %scan3A_90 : i32
      %mul3A_94 = arith.constant 120 : i32
      %mul3A_95 = arith.muli %add3A_93, %mul3A_94 : i32
      %dma_start3A = arith.constant 0 : i32
      %dma_start3A_96 = tpu.memref_slice %arg5[%scan3A_90, %dma_start3A] : memref<88x120xi32, #tpu.memory_space<vmem>> -> memref<1x120xi32, #tpu.memory_space<vmem>>
      %dma_start3A_97 = tpu.memref_squeeze %dma_start3A_96 : memref<1x120xi32, #tpu.memory_space<vmem>> -> memref<120xi32, #tpu.memory_space<vmem>>
      %dma_start3A_98 = tpu.memref_slice %arg2[%mul3A_95] : memref<337920xi32, #tpu.memory_space<hbm>> -> memref<120xi32, #tpu.memory_space<hbm>>
      %dma_start3A_99 = arith.constant 0 : i32
      %dma_start3A_100 = tpu.memref_slice %arg5[%scan3A_90, %dma_start3A_99] : memref<88x120xi32, #tpu.memory_space<vmem>> -> memref<1x120xi32, #tpu.memory_space<vmem>>
      %dma_start3A_101 = tpu.memref_squeeze %dma_start3A_100 : memref<1x120xi32, #tpu.memory_space<vmem>> -> memref<120xi32, #tpu.memory_space<vmem>>
      %dma_start3A_102 = tpu.memref_slice %arg2[%mul3A_95] : memref<337920xi32, #tpu.memory_space<hbm>> -> memref<120xi32, #tpu.memory_space<hbm>>
      tpu.enqueue_dma source(%dma_start3A_102 : memref<120xi32, #tpu.memory_space<hbm>>) target(%dma_start3A_101 : memref<120xi32, #tpu.memory_space<vmem>>) target_semaphore(%arg11 : memref<!tpu.dma_semaphore, #tpu.memory_space<semaphore_mem>>)
      %dma_start3A_103 = arith.constant 0 : i32
      %dma_start3A_104 = tpu.memref_slice %arg6[%scan3A_90, %dma_start3A_103] : memref<88x120xi32, #tpu.memory_space<vmem>> -> memref<1x120xi32, #tpu.memory_space<vmem>>
      %dma_start3A_105 = tpu.memref_squeeze %dma_start3A_104 : memref<1x120xi32, #tpu.memory_space<vmem>> -> memref<120xi32, #tpu.memory_space<vmem>>
      %dma_start3A_106 = tpu.memref_slice %arg3[%mul3A_95] : memref<337920xi32, #tpu.memory_space<hbm>> -> memref<120xi32, #tpu.memory_space<hbm>>
      %dma_start3A_107 = arith.constant 0 : i32
      %dma_start3A_108 = tpu.memref_slice %arg6[%scan3A_90, %dma_start3A_107] : memref<88x120xi32, #tpu.memory_space<vmem>> -> memref<1x120xi32, #tpu.memory_space<vmem>>
      %dma_start3A_109 = tpu.memref_squeeze %dma_start3A_108 : memref<1x120xi32, #tpu.memory_space<vmem>> -> memref<120xi32, #tpu.memory_space<vmem>>
      %dma_start3A_110 = tpu.memref_slice %arg3[%mul3A_95] : memref<337920xi32, #tpu.memory_space<hbm>> -> memref<120xi32, #tpu.memory_space<hbm>>
      tpu.enqueue_dma source(%dma_start3A_110 : memref<120xi32, #tpu.memory_space<hbm>>) target(%dma_start3A_109 : memref<120xi32, #tpu.memory_space<vmem>>) target_semaphore(%arg11 : memref<!tpu.dma_semaphore, #tpu.memory_space<semaphore_mem>>)
    }
    %scan3A_15 = arith.constant 88 : i32
    %scan3A_16 = arith.constant 0 : i32
    %scan3A_17 = arith.constant 0 : i32
    %scan3A_18 = arith.constant 88 : i32
    %scan3A_19 = arith.addi %scan3A_17, %scan3A_18 : i32
    %scan3A_20 = arith.constant 1 : i32
    scf.for %scan3A_90 = %scan3A_17 to %scan3A_19 step %scan3A_20  : i32 {
      %dma_wait3A = arith.constant 0 : i32
      %dma_wait3A_91 = arith.constant 0 : i32
      %dma_wait3A_92 = tpu.memref_slice %arg5[%dma_wait3A, %dma_wait3A_91] : memref<88x120xi32, #tpu.memory_space<vmem>> -> memref<1x120xi32, #tpu.memory_space<vmem>>
      %dma_wait3A_93 = tpu.memref_squeeze %dma_wait3A_92 : memref<1x120xi32, #tpu.memory_space<vmem>> -> memref<120xi32, #tpu.memory_space<vmem>>
      %dma_wait3A_94 = arith.constant 0 : i32
      %dma_wait3A_95 = tpu.memref_slice %arg2[%dma_wait3A_94] : memref<337920xi32, #tpu.memory_space<hbm>> -> memref<120xi32, #tpu.memory_space<hbm>>
      %dma_wait3A_96 = arith.constant 0 : i32
      %dma_wait3A_97 = tpu.memref_slice %arg5[%dma_wait3A, %dma_wait3A_96] : memref<88x120xi32, #tpu.memory_space<vmem>> -> memref<1x120xi32, #tpu.memory_space<vmem>>
      %dma_wait3A_98 = tpu.memref_squeeze %dma_wait3A_97 : memref<1x120xi32, #tpu.memory_space<vmem>> -> memref<120xi32, #tpu.memory_space<vmem>>
      %dma_wait3A_99 = arith.constant 0 : i32
      %dma_wait3A_100 = tpu.memref_slice %arg2[%dma_wait3A_99] : memref<337920xi32, #tpu.memory_space<hbm>> -> memref<120xi32, #tpu.memory_space<hbm>>
      tpu.wait_dma2 semaphore(%arg11 : memref<!tpu.dma_semaphore, #tpu.memory_space<semaphore_mem>>) src(%dma_wait3A_100 : memref<120xi32, #tpu.memory_space<hbm>>) dst(%dma_wait3A_98 : memref<120xi32, #tpu.memory_space<vmem>>)
      %dma_wait3A_101 = arith.constant 0 : i32
      %dma_wait3A_102 = arith.constant 0 : i32
      %dma_wait3A_103 = tpu.memref_slice %arg6[%dma_wait3A_101, %dma_wait3A_102] : memref<88x120xi32, #tpu.memory_space<vmem>> -> memref<1x120xi32, #tpu.memory_space<vmem>>
      %dma_wait3A_104 = tpu.memref_squeeze %dma_wait3A_103 : memref<1x120xi32, #tpu.memory_space<vmem>> -> memref<120xi32, #tpu.memory_space<vmem>>
      %dma_wait3A_105 = arith.constant 0 : i32
      %dma_wait3A_106 = tpu.memref_slice %arg3[%dma_wait3A_105] : memref<337920xi32, #tpu.memory_space<hbm>> -> memref<120xi32, #tpu.memory_space<hbm>>
      %dma_wait3A_107 = arith.constant 0 : i32
      %dma_wait3A_108 = tpu.memref_slice %arg6[%dma_wait3A_101, %dma_wait3A_107] : memref<88x120xi32, #tpu.memory_space<vmem>> -> memref<1x120xi32, #tpu.memory_space<vmem>>
      %dma_wait3A_109 = tpu.memref_squeeze %dma_wait3A_108 : memref<1x120xi32, #tpu.memory_space<vmem>> -> memref<120xi32, #tpu.memory_space<vmem>>
      %dma_wait3A_110 = arith.constant 0 : i32
      %dma_wait3A_111 = tpu.memref_slice %arg3[%dma_wait3A_110] : memref<337920xi32, #tpu.memory_space<hbm>> -> memref<120xi32, #tpu.memory_space<hbm>>
      tpu.wait_dma2 semaphore(%arg11 : memref<!tpu.dma_semaphore, #tpu.memory_space<semaphore_mem>>) src(%dma_wait3A_111 : memref<120xi32, #tpu.memory_space<hbm>>) dst(%dma_wait3A_109 : memref<120xi32, #tpu.memory_space<vmem>>)
    }
    %scan3A_21 = arith.constant 88 : i32
    %broadcast_in_dim3A = arith.constant 1.000000e+00 : f32
    %broadcast_in_dim3A_22 = vector.broadcast %broadcast_in_dim3A : f32 to vector<16xf32>
    %swap3A = arith.constant 0 : index
    %swap3A_23 = tpu.vector_load %arg7[%swap3A] {strides = array<i32>} : memref<120xf32, #tpu.memory_space<vmem>>, vector<16xf32>,
    %swap3A_24 = vector.shape_cast %swap3A_23 : vector<16xf32> to vector<16xf32>
    %swap3A_25 = vector.shape_cast %broadcast_in_dim3A_22 : vector<16xf32> to vector<16xf32>
    tpu.vector_store %arg7[%swap3A], %swap3A_25 {strides = array<i32>} : memref<120xf32, #tpu.memory_space<vmem>>, vector<16xf32>,
    %broadcast_in_dim3A_26 = arith.constant 1.000000e+00 : f32
    %broadcast_in_dim3A_27 = vector.broadcast %broadcast_in_dim3A_26 : f32 to vector<16xf32>
    %swap3A_28 = arith.constant 16 : index
    %swap3A_29 = tpu.vector_load %arg7[%swap3A_28] {strides = array<i32>} : memref<120xf32, #tpu.memory_space<vmem>>, vector<16xf32>,
    %swap3A_30 = vector.shape_cast %swap3A_29 : vector<16xf32> to vector<16xf32>
    %swap3A_31 = vector.shape_cast %broadcast_in_dim3A_27 : vector<16xf32> to vector<16xf32>
    tpu.vector_store %arg7[%swap3A_28], %swap3A_31 {strides = array<i32>} : memref<120xf32, #tpu.memory_space<vmem>>, vector<16xf32>,
    %broadcast_in_dim3A_32 = arith.constant 1.000000e+00 : f32
    %broadcast_in_dim3A_33 = vector.broadcast %broadcast_in_dim3A_32 : f32 to vector<16xf32>
    %swap3A_34 = arith.constant 32 : index
    %swap3A_35 = tpu.vector_load %arg7[%swap3A_34] {strides = array<i32>} : memref<120xf32, #tpu.memory_space<vmem>>, vector<16xf32>,
    %swap3A_36 = vector.shape_cast %swap3A_35 : vector<16xf32> to vector<16xf32>
    %swap3A_37 = vector.shape_cast %broadcast_in_dim3A_33 : vector<16xf32> to vector<16xf32>
    tpu.vector_store %arg7[%swap3A_34], %swap3A_37 {strides = array<i32>} : memref<120xf32, #tpu.memory_space<vmem>>, vector<16xf32>,
    %broadcast_in_dim3A_38 = arith.constant 1.000000e+00 : f32
    %broadcast_in_dim3A_39 = vector.broadcast %broadcast_in_dim3A_38 : f32 to vector<16xf32>
    %swap3A_40 = arith.constant 48 : index
    %swap3A_41 = tpu.vector_load %arg7[%swap3A_40] {strides = array<i32>} : memref<120xf32, #tpu.memory_space<vmem>>, vector<16xf32>,
    %swap3A_42 = vector.shape_cast %swap3A_41 : vector<16xf32> to vector<16xf32>
    %swap3A_43 = vector.shape_cast %broadcast_in_dim3A_39 : vector<16xf32> to vector<16xf32>
    tpu.vector_store %arg7[%swap3A_40], %swap3A_43 {strides = array<i32>} : memref<120xf32, #tpu.memory_space<vmem>>, vector<16xf32>,
    %broadcast_in_dim3A_44 = arith.constant 1.000000e+00 : f32
    %broadcast_in_dim3A_45 = vector.broadcast %broadcast_in_dim3A_44 : f32 to vector<16xf32>
    %swap3A_46 = arith.constant 64 : index
    %swap3A_47 = tpu.vector_load %arg7[%swap3A_46] {strides = array<i32>} : memref<120xf32, #tpu.memory_space<vmem>>, vector<16xf32>,
    %swap3A_48 = vector.shape_cast %swap3A_47 : vector<16xf32> to vector<16xf32>
    %swap3A_49 = vector.shape_cast %broadcast_in_dim3A_45 : vector<16xf32> to vector<16xf32>
    tpu.vector_store %arg7[%swap3A_46], %swap3A_49 {strides = array<i32>} : memref<120xf32, #tpu.memory_space<vmem>>, vector<16xf32>,
    %broadcast_in_dim3A_50 = arith.constant 1.000000e+00 : f32
    %broadcast_in_dim3A_51 = vector.broadcast %broadcast_in_dim3A_50 : f32 to vector<16xf32>
    %swap3A_52 = arith.constant 80 : index
    %swap3A_53 = tpu.vector_load %arg7[%swap3A_52] {strides = array<i32>} : memref<120xf32, #tpu.memory_space<vmem>>, vector<16xf32>,
    %swap3A_54 = vector.shape_cast %swap3A_53 : vector<16xf32> to vector<16xf32>
    %swap3A_55 = vector.shape_cast %broadcast_in_dim3A_51 : vector<16xf32> to vector<16xf32>
    tpu.vector_store %arg7[%swap3A_52], %swap3A_55 {strides = array<i32>} : memref<120xf32, #tpu.memory_space<vmem>>, vector<16xf32>,
    %broadcast_in_dim3A_56 = arith.constant 1.000000e+00 : f32
    %broadcast_in_dim3A_57 = vector.broadcast %broadcast_in_dim3A_56 : f32 to vector<16xf32>
    %swap3A_58 = arith.constant 96 : index
    %swap3A_59 = tpu.vector_load %arg7[%swap3A_58] {strides = array<i32>} : memref<120xf32, #tpu.memory_space<vmem>>, vector<16xf32>,
    %swap3A_60 = vector.shape_cast %swap3A_59 : vector<16xf32> to vector<16xf32>
    %swap3A_61 = vector.shape_cast %broadcast_in_dim3A_57 : vector<16xf32> to vector<16xf32>
    tpu.vector_store %arg7[%swap3A_58], %swap3A_61 {strides = array<i32>} : memref<120xf32, #tpu.memory_space<vmem>>, vector<16xf32>,
    %broadcast_in_dim3A_62 = arith.constant 1.000000e+00 : f32
    %broadcast_in_dim3A_63 = vector.broadcast %broadcast_in_dim3A_62 : f32 to vector<16xf32>
    %swap3A_64 = arith.constant 104 : index
    %swap3A_65 = tpu.vector_load %arg7[%swap3A_64] {strides = array<i32>} : memref<120xf32, #tpu.memory_space<vmem>>, vector<16xf32>,
    %swap3A_66 = vector.shape_cast %swap3A_65 : vector<16xf32> to vector<16xf32>
    %swap3A_67 = vector.shape_cast %broadcast_in_dim3A_63 : vector<16xf32> to vector<16xf32>
    tpu.vector_store %arg7[%swap3A_64], %swap3A_67 {strides = array<i32>} : memref<120xf32, #tpu.memory_space<vmem>>, vector<16xf32>,
    %barrier3A = arith.constant 0 : index
    tpu.barrier barrier_id(%barrier3A)
    %scan3A_68 = arith.constant 0 : i32
    %scan3A_69 = arith.constant 0 : i32
    %scan3A_70 = arith.constant 88 : i32
    %scan3A_71 = arith.addi %scan3A_69, %scan3A_70 : i32
    %scan3A_72 = arith.constant 1 : i32
    scf.for %scan3A_90 = %scan3A_69 to %scan3A_71 step %scan3A_72  : i32 {
      %dma_start3A = arith.constant 0 : i32
      %dma_start3A_91 = tpu.memref_slice %arg5[%scan3A_90, %dma_start3A] : memref<88x120xi32, #tpu.memory_space<vmem>> -> memref<1x120xi32, #tpu.memory_space<vmem>>
      %dma_start3A_92 = tpu.memref_squeeze %dma_start3A_91 : memref<1x120xi32, #tpu.memory_space<vmem>> -> memref<120xi32, #tpu.memory_space<vmem>>
      %dma_start3A_93 = arith.constant 0 : i32
      %dma_start3A_94 = tpu.memref_slice %arg9[%dma_start3A_93] : memref<10240xf32, #tpu.memory_space<vmem_shared>> -> memref<10240xf32, #tpu.memory_space<vmem_shared>>
      tpu.enqueue_indirect_dma source(%arg7 : memref<120xf32, #tpu.memory_space<vmem>>) target(%dma_start3A_94 : memref<10240xf32, #tpu.memory_space<vmem_shared>>) offsets(%dma_start3A_92 : memref<120xi32, #tpu.memory_space<vmem>>) semaphore(%arg11 : memref<!tpu.dma_semaphore, #tpu.memory_space<semaphore_mem>>) {add = true}
      %dma_start3A_95 = arith.constant 0 : i32
      %dma_start3A_96 = tpu.memref_slice %arg6[%scan3A_90, %dma_start3A_95] : memref<88x120xi32, #tpu.memory_space<vmem>> -> memref<1x120xi32, #tpu.memory_space<vmem>>
      %dma_start3A_97 = tpu.memref_squeeze %dma_start3A_96 : memref<1x120xi32, #tpu.memory_space<vmem>> -> memref<120xi32, #tpu.memory_space<vmem>>
      %dma_start3A_98 = arith.constant 0 : i32
      %dma_start3A_99 = tpu.memref_slice %arg10[%dma_start3A_98] : memref<10240xf32, #tpu.memory_space<vmem_shared>> -> memref<10240xf32, #tpu.memory_space<vmem_shared>>
      tpu.enqueue_indirect_dma source(%arg7 : memref<120xf32, #tpu.memory_space<vmem>>) target(%dma_start3A_99 : memref<10240xf32, #tpu.memory_space<vmem_shared>>) offsets(%dma_start3A_97 : memref<120xi32, #tpu.memory_space<vmem>>) semaphore(%arg11 : memref<!tpu.dma_semaphore, #tpu.memory_space<semaphore_mem>>) {add = true}
    }
    %scan3A_73 = arith.constant 88 : i32
    %scan3A_74 = arith.constant 0 : i32
    %scan3A_75 = arith.constant 0 : i32
    %scan3A_76 = arith.constant 88 : i32
    %scan3A_77 = arith.addi %scan3A_75, %scan3A_76 : i32
    %scan3A_78 = arith.constant 1 : i32
    scf.for %scan3A_90 = %scan3A_75 to %scan3A_77 step %scan3A_78  : i32 {
      %dma_wait3A = arith.constant 0 : i32
      %dma_wait3A_91 = arith.constant 0 : i32
      %dma_wait3A_92 = tpu.memref_slice %arg5[%dma_wait3A, %dma_wait3A_91] : memref<88x120xi32, #tpu.memory_space<vmem>> -> memref<1x120xi32, #tpu.memory_space<vmem>>
      %dma_wait3A_93 = tpu.memref_squeeze %dma_wait3A_92 : memref<1x120xi32, #tpu.memory_space<vmem>> -> memref<120xi32, #tpu.memory_space<vmem>>
      %dma_wait3A_94 = arith.constant 0 : i32
      %dma_wait3A_95 = tpu.memref_slice %arg9[%dma_wait3A_94] : memref<10240xf32, #tpu.memory_space<vmem_shared>> -> memref<10240xf32, #tpu.memory_space<vmem_shared>>
      tpu.wait_indirect_dma semaphore(%arg11 : memref<!tpu.dma_semaphore, #tpu.memory_space<semaphore_mem>>) src(%arg7 : memref<120xf32, #tpu.memory_space<vmem>>) dst(%dma_wait3A_95 : memref<10240xf32, #tpu.memory_space<vmem_shared>>)
      %dma_wait3A_96 = arith.constant 0 : i32
      %dma_wait3A_97 = arith.constant 0 : i32
      %dma_wait3A_98 = tpu.memref_slice %arg6[%dma_wait3A_96, %dma_wait3A_97] : memref<88x120xi32, #tpu.memory_space<vmem>> -> memref<1x120xi32, #tpu.memory_space<vmem>>
      %dma_wait3A_99 = tpu.memref_squeeze %dma_wait3A_98 : memref<1x120xi32, #tpu.memory_space<vmem>> -> memref<120xi32, #tpu.memory_space<vmem>>
      %dma_wait3A_100 = arith.constant 0 : i32
      %dma_wait3A_101 = tpu.memref_slice %arg10[%dma_wait3A_100] : memref<10240xf32, #tpu.memory_space<vmem_shared>> -> memref<10240xf32, #tpu.memory_space<vmem_shared>>
      tpu.wait_indirect_dma semaphore(%arg11 : memref<!tpu.dma_semaphore, #tpu.memory_space<semaphore_mem>>) src(%arg7 : memref<120xf32, #tpu.memory_space<vmem>>) dst(%dma_wait3A_101 : memref<10240xf32, #tpu.memory_space<vmem_shared>>)
    }
    %scan3A_79 = arith.constant 88 : i32
    %barrier3A_80 = arith.constant 0 : index
    tpu.barrier barrier_id(%barrier3A_80)
    %mul3A_81 = arith.constant 640 : i32
    %mul3A_82 = arith.muli %arg1, %mul3A_81 : i32
    %mul3A_83 = arith.constant 640 : i32
    %mul3A_84 = arith.muli %arg1, %mul3A_83 : i32
    %run_scoped3A = arith.constant 0 : i32
    "tpu.region"() ({
      %run_scoped3A_90 = tpu.sem_alloc : memref<!tpu.dma_semaphore, #tpu.memory_space<semaphore_mem>>
      %dma_start3A = tpu.memref_slice %arg4[%arg0, %run_scoped3A, %mul3A_84] : memref<2x2x10240xf32, #tpu.memory_space<hbm>> -> memref<1x1x640xf32, #tpu.memory_space<hbm>>
      %dma_start3A_91 = tpu.memref_squeeze %dma_start3A : memref<1x1x640xf32, #tpu.memory_space<hbm>> -> memref<640xf32, #tpu.memory_space<hbm>>
      %dma_start3A_92 = tpu.memref_slice %arg9[%mul3A_82] : memref<10240xf32, #tpu.memory_space<vmem_shared>> -> memref<640xf32, #tpu.memory_space<vmem_shared>>
      tpu.enqueue_dma source(%dma_start3A_92 : memref<640xf32, #tpu.memory_space<vmem_shared>>) target(%dma_start3A_91 : memref<640xf32, #tpu.memory_space<hbm>>) target_semaphore(%run_scoped3A_90 : memref<!tpu.dma_semaphore, #tpu.memory_space<semaphore_mem>>)
      %dma_wait3A = tpu.memref_slice %arg4[%arg0, %run_scoped3A, %mul3A_84] : memref<2x2x10240xf32, #tpu.memory_space<hbm>> -> memref<1x1x640xf32, #tpu.memory_space<hbm>>
      %dma_wait3A_93 = tpu.memref_squeeze %dma_wait3A : memref<1x1x640xf32, #tpu.memory_space<hbm>> -> memref<640xf32, #tpu.memory_space<hbm>>
      %dma_wait3A_94 = tpu.memref_slice %arg9[%mul3A_82] : memref<10240xf32, #tpu.memory_space<vmem_shared>> -> memref<640xf32, #tpu.memory_space<vmem_shared>>
      tpu.wait_dma2 semaphore(%run_scoped3A_90 : memref<!tpu.dma_semaphore, #tpu.memory_space<semaphore_mem>>) src(%dma_wait3A_94 : memref<640xf32, #tpu.memory_space<vmem_shared>>) dst(%dma_wait3A_93 : memref<640xf32, #tpu.memory_space<hbm>>)
      tpu.yield
    }) : () -> ()
    %mul3A_85 = arith.constant 640 : i32
    %mul3A_86 = arith.muli %arg1, %mul3A_85 : i32
    %mul3A_87 = arith.constant 640 : i32
    %mul3A_88 = arith.muli %arg1, %mul3A_87 : i32
    %run_scoped3A_89 = arith.constant 1 : i32
    "tpu.region"() ({
      %run_scoped3A_90 = tpu.sem_alloc : memref<!tpu.dma_semaphore, #tpu.memory_space<semaphore_mem>>
      %dma_start3A = tpu.memref_slice %arg4[%arg0, %run_scoped3A_89, %mul3A_88] : memref<2x2x10240xf32, #tpu.memory_space<hbm>> -> memref<1x1x640xf32, #tpu.memory_space<hbm>>
      %dma_start3A_91 = tpu.memref_squeeze %dma_start3A : memref<1x1x640xf32, #tpu.memory_space<hbm>> -> memref<640xf32, #tpu.memory_space<hbm>>
      %dma_start3A_92 = tpu.memref_slice %arg10[%mul3A_86] : memref<10240xf32, #tpu.memory_space<vmem_shared>> -> memref<640xf32, #tpu.memory_space<vmem_shared>>
      tpu.enqueue_dma source(%dma_start3A_92 : memref<640xf32, #tpu.memory_space<vmem_shared>>) target(%dma_start3A_91 : memref<640xf32, #tpu.memory_space<hbm>>) target_semaphore(%run_scoped3A_90 : memref<!tpu.dma_semaphore, #tpu.memory_space<semaphore_mem>>)
      %dma_wait3A = tpu.memref_slice %arg4[%arg0, %run_scoped3A_89, %mul3A_88] : memref<2x2x10240xf32, #tpu.memory_space<hbm>> -> memref<1x1x640xf32, #tpu.memory_space<hbm>>
      %dma_wait3A_93 = tpu.memref_squeeze %dma_wait3A : memref<1x1x640xf32, #tpu.memory_space<hbm>> -> memref<640xf32, #tpu.memory_space<hbm>>
      %dma_wait3A_94 = tpu.memref_slice %arg10[%mul3A_86] : memref<10240xf32, #tpu.memory_space<vmem_shared>> -> memref<640xf32, #tpu.memory_space<vmem_shared>>
      tpu.wait_dma2 semaphore(%run_scoped3A_90 : memref<!tpu.dma_semaphore, #tpu.memory_space<semaphore_mem>>) src(%dma_wait3A_94 : memref<640xf32, #tpu.memory_space<vmem_shared>>) dst(%dma_wait3A_93 : memref<640xf32, #tpu.memory_space<hbm>>)
      tpu.yield
    }) : () -> ()
    return
  }
}

#map = affine_map<(d0, d1) -> (0)>
#map1 = affine_map<(d0, d1) -> (0, 0)>
#map2 = affine_map<(d0, d1) -> (0, 0, 0)>
module attributes {stable_mosaic.version = 14 : i64} {
  func.func @_agg_body(%arg0: i32, %arg1: i32, %arg2: memref<337920xi32, #tpu.memory_space<hbm>>, %arg3: memref<337920xi32, #tpu.memory_space<hbm>>, %arg4: memref<10240x128xf32, #tpu.memory_space<hbm>>, %arg5: memref<2x10240x128xf32, #tpu.memory_space<hbm>>, %arg6: memref<120xi32, #tpu.memory_space<vmem>>, %arg7: memref<120xi32, #tpu.memory_space<vmem>>, %arg8: memref<120xi32, #tpu.memory_space<vmem>>, %arg9: memref<120xi32, #tpu.memory_space<vmem>>, %arg10: memref<120xi32, #tpu.memory_space<vmem>>, %arg11: memref<120xi32, #tpu.memory_space<vmem>>, %arg12: memref<120x128xf32, #tpu.memory_space<vmem>>, %arg13: memref<120x128xf32, #tpu.memory_space<vmem>>, %arg14: memref<120x128xf32, #tpu.memory_space<vmem>>, %arg15: memref<10240x128xf32, #tpu.memory_space<vmem_shared>>, %arg16: memref<!tpu.dma_semaphore, #tpu.memory_space<semaphore_mem>>, %arg17: memref<!tpu.dma_semaphore, #tpu.memory_space<semaphore_mem>>, %arg18: memref<!tpu.dma_semaphore, #tpu.memory_space<semaphore_mem>>, %arg19: memref<!tpu.dma_semaphore, #tpu.memory_space<semaphore_mem>>, %arg20: memref<!tpu.dma_semaphore, #tpu.memory_space<semaphore_mem>>, %arg21: memref<!tpu.dma_semaphore, #tpu.memory_space<semaphore_mem>>, %arg22: memref<!tpu.dma_semaphore, #tpu.memory_space<semaphore_mem>>, %arg23: memref<!tpu.dma_semaphore, #tpu.memory_space<semaphore_mem>>, %arg24: memref<!tpu.dma_semaphore, #tpu.memory_space<semaphore_mem>>, %arg25: memref<!tpu.dma_semaphore, #tpu.memory_space<semaphore_mem>>, %arg26: memref<!tpu.dma_semaphore, #tpu.memory_space<semaphore_mem>>, %arg27: memref<!tpu.dma_semaphore, #tpu.memory_space<semaphore_mem>>) attributes {dimension_semantics = [#tpu.dimension_semantics<core_parallel>, #tpu.dimension_semantics<subcore_parallel>], iteration_bounds = array<i64: 2, 16>, scalar_prefetch = 0 : i64, scratch_operands = 22 : i64, tpu.core_type = #tpu.core_type<sc_vector_subcore>, window_params = [{transform_indices = #map}, {transform_indices = #map}, {transform_indices = #map1}, {transform_indices = #map2}]} {
    %mul3A = arith.constant 2 : i32
    %mul3A_0 = arith.muli %arg1, %mul3A : i32
    %add3A = arith.addi %mul3A_0, %arg0 : i32
    %add3A_1 = arith.constant 0 : i32
    %add3A_2 = arith.addi %add3A, %add3A_1 : i32
    %mul3A_3 = arith.constant 120 : i32
    %mul3A_4 = arith.muli %add3A_2, %mul3A_3 : i32
    %dma_start3A = tpu.memref_slice %arg2[%mul3A_4] : memref<337920xi32, #tpu.memory_space<hbm>> -> memref<120xi32, #tpu.memory_space<hbm>>
    %dma_start3A_5 = tpu.memref_slice %arg2[%mul3A_4] : memref<337920xi32, #tpu.memory_space<hbm>> -> memref<120xi32, #tpu.memory_space<hbm>>
    tpu.enqueue_dma source(%dma_start3A_5 : memref<120xi32, #tpu.memory_space<hbm>>) target(%arg6 : memref<120xi32, #tpu.memory_space<vmem>>) target_semaphore(%arg22 : memref<!tpu.dma_semaphore, #tpu.memory_space<semaphore_mem>>)
    %add3A_6 = arith.constant 32 : i32
    %add3A_7 = arith.addi %add3A, %add3A_6 : i32
    %mul3A_8 = arith.constant 120 : i32
    %mul3A_9 = arith.muli %add3A_7, %mul3A_8 : i32
    %dma_start3A_10 = tpu.memref_slice %arg2[%mul3A_9] : memref<337920xi32, #tpu.memory_space<hbm>> -> memref<120xi32, #tpu.memory_space<hbm>>
    %dma_start3A_11 = tpu.memref_slice %arg2[%mul3A_9] : memref<337920xi32, #tpu.memory_space<hbm>> -> memref<120xi32, #tpu.memory_space<hbm>>
    tpu.enqueue_dma source(%dma_start3A_11 : memref<120xi32, #tpu.memory_space<hbm>>) target(%arg7 : memref<120xi32, #tpu.memory_space<vmem>>) target_semaphore(%arg23 : memref<!tpu.dma_semaphore, #tpu.memory_space<semaphore_mem>>)
    %add3A_12 = arith.constant 64 : i32
    %add3A_13 = arith.addi %add3A, %add3A_12 : i32
    %mul3A_14 = arith.constant 120 : i32
    %mul3A_15 = arith.muli %add3A_13, %mul3A_14 : i32
    %dma_start3A_16 = tpu.memref_slice %arg2[%mul3A_15] : memref<337920xi32, #tpu.memory_space<hbm>> -> memref<120xi32, #tpu.memory_space<hbm>>
    %dma_start3A_17 = tpu.memref_slice %arg2[%mul3A_15] : memref<337920xi32, #tpu.memory_space<hbm>> -> memref<120xi32, #tpu.memory_space<hbm>>
    tpu.enqueue_dma source(%dma_start3A_17 : memref<120xi32, #tpu.memory_space<hbm>>) target(%arg8 : memref<120xi32, #tpu.memory_space<vmem>>) target_semaphore(%arg24 : memref<!tpu.dma_semaphore, #tpu.memory_space<semaphore_mem>>)
    %add3A_18 = arith.constant 0 : i32
    %add3A_19 = arith.addi %add3A, %add3A_18 : i32
    %mul3A_20 = arith.constant 120 : i32
    %mul3A_21 = arith.muli %add3A_19, %mul3A_20 : i32
    %dma_start3A_22 = tpu.memref_slice %arg3[%mul3A_21] : memref<337920xi32, #tpu.memory_space<hbm>> -> memref<120xi32, #tpu.memory_space<hbm>>
    %dma_start3A_23 = tpu.memref_slice %arg3[%mul3A_21] : memref<337920xi32, #tpu.memory_space<hbm>> -> memref<120xi32, #tpu.memory_space<hbm>>
    tpu.enqueue_dma source(%dma_start3A_23 : memref<120xi32, #tpu.memory_space<hbm>>) target(%arg9 : memref<120xi32, #tpu.memory_space<vmem>>) target_semaphore(%arg25 : memref<!tpu.dma_semaphore, #tpu.memory_space<semaphore_mem>>)
    %add3A_24 = arith.constant 32 : i32
    %add3A_25 = arith.addi %add3A, %add3A_24 : i32
    %mul3A_26 = arith.constant 120 : i32
    %mul3A_27 = arith.muli %add3A_25, %mul3A_26 : i32
    %dma_start3A_28 = tpu.memref_slice %arg3[%mul3A_27] : memref<337920xi32, #tpu.memory_space<hbm>> -> memref<120xi32, #tpu.memory_space<hbm>>
    %dma_start3A_29 = tpu.memref_slice %arg3[%mul3A_27] : memref<337920xi32, #tpu.memory_space<hbm>> -> memref<120xi32, #tpu.memory_space<hbm>>
    tpu.enqueue_dma source(%dma_start3A_29 : memref<120xi32, #tpu.memory_space<hbm>>) target(%arg10 : memref<120xi32, #tpu.memory_space<vmem>>) target_semaphore(%arg26 : memref<!tpu.dma_semaphore, #tpu.memory_space<semaphore_mem>>)
    %scan3A = arith.constant 0 : i32
    %scan3A_30 = arith.constant 0 : i32
    %scan3A_31 = arith.constant 120 : i32
    %scan3A_32 = arith.addi %scan3A_30, %scan3A_31 : i32
    %scan3A_33 = arith.constant 1 : i32
    scf.for %scan3A_105 = %scan3A_30 to %scan3A_32 step %scan3A_33  : i32 {
      %broadcast_in_dim3A = arith.constant 0.000000e+00 : f32
      %broadcast_in_dim3A_106 = vector.broadcast %broadcast_in_dim3A : f32 to vector<16xf32>
      %swap3A = arith.index_cast %scan3A_105 : i32 to index
      %swap3A_107 = arith.constant 0 : index
      %swap3A_108 = tpu.vector_load %arg14[%swap3A, %swap3A_107] {strides = array<i32>} : memref<120x128xf32, #tpu.memory_space<vmem>>, vector<1x16xf32>,
      %swap3A_109 = vector.shape_cast %swap3A_108 : vector<1x16xf32> to vector<16xf32>
      %swap3A_110 = vector.shape_cast %broadcast_in_dim3A_106 : vector<16xf32> to vector<1x16xf32>
      tpu.vector_store %arg14[%swap3A, %swap3A_107], %swap3A_110 {strides = array<i32>} : memref<120x128xf32, #tpu.memory_space<vmem>>, vector<1x16xf32>,
      %broadcast_in_dim3A_111 = arith.constant 0.000000e+00 : f32
      %broadcast_in_dim3A_112 = vector.broadcast %broadcast_in_dim3A_111 : f32 to vector<16xf32>
      %swap3A_113 = arith.index_cast %scan3A_105 : i32 to index
      %swap3A_114 = arith.constant 16 : index
      %swap3A_115 = tpu.vector_load %arg14[%swap3A_113, %swap3A_114] {strides = array<i32>} : memref<120x128xf32, #tpu.memory_space<vmem>>, vector<1x16xf32>,
      %swap3A_116 = vector.shape_cast %swap3A_115 : vector<1x16xf32> to vector<16xf32>
      %swap3A_117 = vector.shape_cast %broadcast_in_dim3A_112 : vector<16xf32> to vector<1x16xf32>
      tpu.vector_store %arg14[%swap3A_113, %swap3A_114], %swap3A_117 {strides = array<i32>} : memref<120x128xf32, #tpu.memory_space<vmem>>, vector<1x16xf32>,
      %broadcast_in_dim3A_118 = arith.constant 0.000000e+00 : f32
      %broadcast_in_dim3A_119 = vector.broadcast %broadcast_in_dim3A_118 : f32 to vector<16xf32>
      %swap3A_120 = arith.index_cast %scan3A_105 : i32 to index
      %swap3A_121 = arith.constant 32 : index
      %swap3A_122 = tpu.vector_load %arg14[%swap3A_120, %swap3A_121] {strides = array<i32>} : memref<120x128xf32, #tpu.memory_space<vmem>>, vector<1x16xf32>,
      %swap3A_123 = vector.shape_cast %swap3A_122 : vector<1x16xf32> to vector<16xf32>
      %swap3A_124 = vector.shape_cast %broadcast_in_dim3A_119 : vector<16xf32> to vector<1x16xf32>
      tpu.vector_store %arg14[%swap3A_120, %swap3A_121], %swap3A_124 {strides = array<i32>} : memref<120x128xf32, #tpu.memory_space<vmem>>, vector<1x16xf32>,
      %broadcast_in_dim3A_125 = arith.constant 0.000000e+00 : f32
      %broadcast_in_dim3A_126 = vector.broadcast %broadcast_in_dim3A_125 : f32 to vector<16xf32>
      %swap3A_127 = arith.index_cast %scan3A_105 : i32 to index
      %swap3A_128 = arith.constant 48 : index
      %swap3A_129 = tpu.vector_load %arg14[%swap3A_127, %swap3A_128] {strides = array<i32>} : memref<120x128xf32, #tpu.memory_space<vmem>>, vector<1x16xf32>,
      %swap3A_130 = vector.shape_cast %swap3A_129 : vector<1x16xf32> to vector<16xf32>
      %swap3A_131 = vector.shape_cast %broadcast_in_dim3A_126 : vector<16xf32> to vector<1x16xf32>
      tpu.vector_store %arg14[%swap3A_127, %swap3A_128], %swap3A_131 {strides = array<i32>} : memref<120x128xf32, #tpu.memory_space<vmem>>, vector<1x16xf32>,
      %broadcast_in_dim3A_132 = arith.constant 0.000000e+00 : f32
      %broadcast_in_dim3A_133 = vector.broadcast %broadcast_in_dim3A_132 : f32 to vector<16xf32>
      %swap3A_134 = arith.index_cast %scan3A_105 : i32 to index
      %swap3A_135 = arith.constant 64 : index
      %swap3A_136 = tpu.vector_load %arg14[%swap3A_134, %swap3A_135] {strides = array<i32>} : memref<120x128xf32, #tpu.memory_space<vmem>>, vector<1x16xf32>,
      %swap3A_137 = vector.shape_cast %swap3A_136 : vector<1x16xf32> to vector<16xf32>
      %swap3A_138 = vector.shape_cast %broadcast_in_dim3A_133 : vector<16xf32> to vector<1x16xf32>
      tpu.vector_store %arg14[%swap3A_134, %swap3A_135], %swap3A_138 {strides = array<i32>} : memref<120x128xf32, #tpu.memory_space<vmem>>, vector<1x16xf32>,
      %broadcast_in_dim3A_139 = arith.constant 0.000000e+00 : f32
      %broadcast_in_dim3A_140 = vector.broadcast %broadcast_in_dim3A_139 : f32 to vector<16xf32>
      %swap3A_141 = arith.index_cast %scan3A_105 : i32 to index
      %swap3A_142 = arith.constant 80 : index
      %swap3A_143 = tpu.vector_load %arg14[%swap3A_141, %swap3A_142] {strides = array<i32>} : memref<120x128xf32, #tpu.memory_space<vmem>>, vector<1x16xf32>,
      %swap3A_144 = vector.shape_cast %swap3A_143 : vector<1x16xf32> to vector<16xf32>
      %swap3A_145 = vector.shape_cast %broadcast_in_dim3A_140 : vector<16xf32> to vector<1x16xf32>
      tpu.vector_store %arg14[%swap3A_141, %swap3A_142], %swap3A_145 {strides = array<i32>} : memref<120x128xf32, #tpu.memory_space<vmem>>, vector<1x16xf32>,
      %broadcast_in_dim3A_146 = arith.constant 0.000000e+00 : f32
      %broadcast_in_dim3A_147 = vector.broadcast %broadcast_in_dim3A_146 : f32 to vector<16xf32>
      %swap3A_148 = arith.index_cast %scan3A_105 : i32 to index
      %swap3A_149 = arith.constant 96 : index
      %swap3A_150 = tpu.vector_load %arg14[%swap3A_148, %swap3A_149] {strides = array<i32>} : memref<120x128xf32, #tpu.memory_space<vmem>>, vector<1x16xf32>,
      %swap3A_151 = vector.shape_cast %swap3A_150 : vector<1x16xf32> to vector<16xf32>
      %swap3A_152 = vector.shape_cast %broadcast_in_dim3A_147 : vector<16xf32> to vector<1x16xf32>
      tpu.vector_store %arg14[%swap3A_148, %swap3A_149], %swap3A_152 {strides = array<i32>} : memref<120x128xf32, #tpu.memory_space<vmem>>, vector<1x16xf32>,
      %broadcast_in_dim3A_153 = arith.constant 0.000000e+00 : f32
      %broadcast_in_dim3A_154 = vector.broadcast %broadcast_in_dim3A_153 : f32 to vector<16xf32>
      %swap3A_155 = arith.index_cast %scan3A_105 : i32 to index
      %swap3A_156 = arith.constant 112 : index
      %swap3A_157 = tpu.vector_load %arg14[%swap3A_155, %swap3A_156] {strides = array<i32>} : memref<120x128xf32, #tpu.memory_space<vmem>>, vector<1x16xf32>,
      %swap3A_158 = vector.shape_cast %swap3A_157 : vector<1x16xf32> to vector<16xf32>
      %swap3A_159 = vector.shape_cast %broadcast_in_dim3A_154 : vector<16xf32> to vector<1x16xf32>
      tpu.vector_store %arg14[%swap3A_155, %swap3A_156], %swap3A_159 {strides = array<i32>} : memref<120x128xf32, #tpu.memory_space<vmem>>, vector<1x16xf32>,
    }
    %scan3A_34 = arith.constant 120 : i32
    %mul3A_35 = arith.constant 640 : i32
    %mul3A_36 = arith.muli %arg1, %mul3A_35 : i32
    %add3A_37 = arith.constant 0 : i32
    %add3A_38 = arith.addi %mul3A_36, %add3A_37 : i32
    "tpu.region"() ({
      %run_scoped3A = tpu.sem_alloc : memref<!tpu.dma_semaphore, #tpu.memory_space<semaphore_mem>>
      %dma_start3A_105 = arith.constant 0 : i32
      %dma_start3A_106 = tpu.memref_slice %arg15[%add3A_38, %dma_start3A_105] : memref<10240x128xf32, #tpu.memory_space<vmem_shared>> -> memref<120x128xf32, #tpu.memory_space<vmem_shared>>
      %dma_start3A_107 = arith.constant 0 : i32
      %dma_start3A_108 = tpu.memref_slice %arg15[%add3A_38, %dma_start3A_107] : memref<10240x128xf32, #tpu.memory_space<vmem_shared>> -> memref<120x128xf32, #tpu.memory_space<vmem_shared>>
      tpu.enqueue_dma source(%arg14 : memref<120x128xf32, #tpu.memory_space<vmem>>) target(%dma_start3A_108 : memref<120x128xf32, #tpu.memory_space<vmem_shared>>) target_semaphore(%run_scoped3A : memref<!tpu.dma_semaphore, #tpu.memory_space<semaphore_mem>>)
      %dma_wait3A_109 = arith.constant 0 : i32
      %dma_wait3A_110 = tpu.memref_slice %arg15[%add3A_38, %dma_wait3A_109] : memref<10240x128xf32, #tpu.memory_space<vmem_shared>> -> memref<120x128xf32, #tpu.memory_space<vmem_shared>>
      %dma_wait3A_111 = arith.constant 0 : i32
      %dma_wait3A_112 = tpu.memref_slice %arg15[%add3A_38, %dma_wait3A_111] : memref<10240x128xf32, #tpu.memory_space<vmem_shared>> -> memref<120x128xf32, #tpu.memory_space<vmem_shared>>
      tpu.wait_dma2 semaphore(%run_scoped3A : memref<!tpu.dma_semaphore, #tpu.memory_space<semaphore_mem>>) src(%arg14 : memref<120x128xf32, #tpu.memory_space<vmem>>) dst(%dma_wait3A_112 : memref<120x128xf32, #tpu.memory_space<vmem_shared>>)
      tpu.yield
    }) : () -> ()
    %mul3A_39 = arith.constant 640 : i32
    %mul3A_40 = arith.muli %arg1, %mul3A_39 : i32
    %add3A_41 = arith.constant 120 : i32
    %add3A_42 = arith.addi %mul3A_40, %add3A_41 : i32
    "tpu.region"() ({
      %run_scoped3A = tpu.sem_alloc : memref<!tpu.dma_semaphore, #tpu.memory_space<semaphore_mem>>
      %dma_start3A_105 = arith.constant 0 : i32
      %dma_start3A_106 = tpu.memref_slice %arg15[%add3A_42, %dma_start3A_105] : memref<10240x128xf32, #tpu.memory_space<vmem_shared>> -> memref<120x128xf32, #tpu.memory_space<vmem_shared>>
      %dma_start3A_107 = arith.constant 0 : i32
      %dma_start3A_108 = tpu.memref_slice %arg15[%add3A_42, %dma_start3A_107] : memref<10240x128xf32, #tpu.memory_space<vmem_shared>> -> memref<120x128xf32, #tpu.memory_space<vmem_shared>>
      tpu.enqueue_dma source(%arg14 : memref<120x128xf32, #tpu.memory_space<vmem>>) target(%dma_start3A_108 : memref<120x128xf32, #tpu.memory_space<vmem_shared>>) target_semaphore(%run_scoped3A : memref<!tpu.dma_semaphore, #tpu.memory_space<semaphore_mem>>)
      %dma_wait3A_109 = arith.constant 0 : i32
      %dma_wait3A_110 = tpu.memref_slice %arg15[%add3A_42, %dma_wait3A_109] : memref<10240x128xf32, #tpu.memory_space<vmem_shared>> -> memref<120x128xf32, #tpu.memory_space<vmem_shared>>
      %dma_wait3A_111 = arith.constant 0 : i32
      %dma_wait3A_112 = tpu.memref_slice %arg15[%add3A_42, %dma_wait3A_111] : memref<10240x128xf32, #tpu.memory_space<vmem_shared>> -> memref<120x128xf32, #tpu.memory_space<vmem_shared>>
      tpu.wait_dma2 semaphore(%run_scoped3A : memref<!tpu.dma_semaphore, #tpu.memory_space<semaphore_mem>>) src(%arg14 : memref<120x128xf32, #tpu.memory_space<vmem>>) dst(%dma_wait3A_112 : memref<120x128xf32, #tpu.memory_space<vmem_shared>>)
      tpu.yield
    }) : () -> ()
    %mul3A_43 = arith.constant 640 : i32
    %mul3A_44 = arith.muli %arg1, %mul3A_43 : i32
    %add3A_45 = arith.constant 240 : i32
    %add3A_46 = arith.addi %mul3A_44, %add3A_45 : i32
    "tpu.region"() ({
      %run_scoped3A = tpu.sem_alloc : memref<!tpu.dma_semaphore, #tpu.memory_space<semaphore_mem>>
      %dma_start3A_105 = arith.constant 0 : i32
      %dma_start3A_106 = tpu.memref_slice %arg15[%add3A_46, %dma_start3A_105] : memref<10240x128xf32, #tpu.memory_space<vmem_shared>> -> memref<120x128xf32, #tpu.memory_space<vmem_shared>>
      %dma_start3A_107 = arith.constant 0 : i32
      %dma_start3A_108 = tpu.memref_slice %arg15[%add3A_46, %dma_start3A_107] : memref<10240x128xf32, #tpu.memory_space<vmem_shared>> -> memref<120x128xf32, #tpu.memory_space<vmem_shared>>
      tpu.enqueue_dma source(%arg14 : memref<120x128xf32, #tpu.memory_space<vmem>>) target(%dma_start3A_108 : memref<120x128xf32, #tpu.memory_space<vmem_shared>>) target_semaphore(%run_scoped3A : memref<!tpu.dma_semaphore, #tpu.memory_space<semaphore_mem>>)
      %dma_wait3A_109 = arith.constant 0 : i32
      %dma_wait3A_110 = tpu.memref_slice %arg15[%add3A_46, %dma_wait3A_109] : memref<10240x128xf32, #tpu.memory_space<vmem_shared>> -> memref<120x128xf32, #tpu.memory_space<vmem_shared>>
      %dma_wait3A_111 = arith.constant 0 : i32
      %dma_wait3A_112 = tpu.memref_slice %arg15[%add3A_46, %dma_wait3A_111] : memref<10240x128xf32, #tpu.memory_space<vmem_shared>> -> memref<120x128xf32, #tpu.memory_space<vmem_shared>>
      tpu.wait_dma2 semaphore(%run_scoped3A : memref<!tpu.dma_semaphore, #tpu.memory_space<semaphore_mem>>) src(%arg14 : memref<120x128xf32, #tpu.memory_space<vmem>>) dst(%dma_wait3A_112 : memref<120x128xf32, #tpu.memory_space<vmem_shared>>)
      tpu.yield
    }) : () -> ()
    %mul3A_47 = arith.constant 640 : i32
    %mul3A_48 = arith.muli %arg1, %mul3A_47 : i32
    %add3A_49 = arith.constant 360 : i32
    %add3A_50 = arith.addi %mul3A_48, %add3A_49 : i32
    "tpu.region"() ({
      %run_scoped3A = tpu.sem_alloc : memref<!tpu.dma_semaphore, #tpu.memory_space<semaphore_mem>>
      %dma_start3A_105 = arith.constant 0 : i32
      %dma_start3A_106 = tpu.memref_slice %arg15[%add3A_50, %dma_start3A_105] : memref<10240x128xf32, #tpu.memory_space<vmem_shared>> -> memref<120x128xf32, #tpu.memory_space<vmem_shared>>
      %dma_start3A_107 = arith.constant 0 : i32
      %dma_start3A_108 = tpu.memref_slice %arg15[%add3A_50, %dma_start3A_107] : memref<10240x128xf32, #tpu.memory_space<vmem_shared>> -> memref<120x128xf32, #tpu.memory_space<vmem_shared>>
      tpu.enqueue_dma source(%arg14 : memref<120x128xf32, #tpu.memory_space<vmem>>) target(%dma_start3A_108 : memref<120x128xf32, #tpu.memory_space<vmem_shared>>) target_semaphore(%run_scoped3A : memref<!tpu.dma_semaphore, #tpu.memory_space<semaphore_mem>>)
      %dma_wait3A_109 = arith.constant 0 : i32
      %dma_wait3A_110 = tpu.memref_slice %arg15[%add3A_50, %dma_wait3A_109] : memref<10240x128xf32, #tpu.memory_space<vmem_shared>> -> memref<120x128xf32, #tpu.memory_space<vmem_shared>>
      %dma_wait3A_111 = arith.constant 0 : i32
      %dma_wait3A_112 = tpu.memref_slice %arg15[%add3A_50, %dma_wait3A_111] : memref<10240x128xf32, #tpu.memory_space<vmem_shared>> -> memref<120x128xf32, #tpu.memory_space<vmem_shared>>
      tpu.wait_dma2 semaphore(%run_scoped3A : memref<!tpu.dma_semaphore, #tpu.memory_space<semaphore_mem>>) src(%arg14 : memref<120x128xf32, #tpu.memory_space<vmem>>) dst(%dma_wait3A_112 : memref<120x128xf32, #tpu.memory_space<vmem_shared>>)
      tpu.yield
    }) : () -> ()
    %mul3A_51 = arith.constant 640 : i32
    %mul3A_52 = arith.muli %arg1, %mul3A_51 : i32
    %add3A_53 = arith.constant 480 : i32
    %add3A_54 = arith.addi %mul3A_52, %add3A_53 : i32
    "tpu.region"() ({
      %run_scoped3A = tpu.sem_alloc : memref<!tpu.dma_semaphore, #tpu.memory_space<semaphore_mem>>
      %dma_start3A_105 = arith.constant 0 : i32
      %dma_start3A_106 = tpu.memref_slice %arg15[%add3A_54, %dma_start3A_105] : memref<10240x128xf32, #tpu.memory_space<vmem_shared>> -> memref<120x128xf32, #tpu.memory_space<vmem_shared>>
      %dma_start3A_107 = arith.constant 0 : i32
      %dma_start3A_108 = tpu.memref_slice %arg15[%add3A_54, %dma_start3A_107] : memref<10240x128xf32, #tpu.memory_space<vmem_shared>> -> memref<120x128xf32, #tpu.memory_space<vmem_shared>>
      tpu.enqueue_dma source(%arg14 : memref<120x128xf32, #tpu.memory_space<vmem>>) target(%dma_start3A_108 : memref<120x128xf32, #tpu.memory_space<vmem_shared>>) target_semaphore(%run_scoped3A : memref<!tpu.dma_semaphore, #tpu.memory_space<semaphore_mem>>)
      %dma_wait3A_109 = arith.constant 0 : i32
      %dma_wait3A_110 = tpu.memref_slice %arg15[%add3A_54, %dma_wait3A_109] : memref<10240x128xf32, #tpu.memory_space<vmem_shared>> -> memref<120x128xf32, #tpu.memory_space<vmem_shared>>
      %dma_wait3A_111 = arith.constant 0 : i32
      %dma_wait3A_112 = tpu.memref_slice %arg15[%add3A_54, %dma_wait3A_111] : memref<10240x128xf32, #tpu.memory_space<vmem_shared>> -> memref<120x128xf32, #tpu.memory_space<vmem_shared>>
      tpu.wait_dma2 semaphore(%run_scoped3A : memref<!tpu.dma_semaphore, #tpu.memory_space<semaphore_mem>>) src(%arg14 : memref<120x128xf32, #tpu.memory_space<vmem>>) dst(%dma_wait3A_112 : memref<120x128xf32, #tpu.memory_space<vmem_shared>>)
      tpu.yield
    }) : () -> ()
    %mul3A_55 = arith.constant 640 : i32
    %mul3A_56 = arith.muli %arg1, %mul3A_55 : i32
    %add3A_57 = arith.constant 640 : i32
    %add3A_58 = arith.addi %mul3A_56, %add3A_57 : i32
    %sub3A = arith.constant 40 : i32
    %sub3A_59 = arith.subi %add3A_58, %sub3A : i32
    "tpu.region"() ({
      %run_scoped3A = tpu.sem_alloc : memref<!tpu.dma_semaphore, #tpu.memory_space<semaphore_mem>>
      %dma_start3A_105 = arith.constant 0 : i32
      %dma_start3A_106 = arith.constant 0 : i32
      %dma_start3A_107 = tpu.memref_slice %arg14[%dma_start3A_105, %dma_start3A_106] : memref<120x128xf32, #tpu.memory_space<vmem>> -> memref<40x128xf32, #tpu.memory_space<vmem>>
      %dma_start3A_108 = arith.constant 0 : i32
      %dma_start3A_109 = tpu.memref_slice %arg15[%sub3A_59, %dma_start3A_108] : memref<10240x128xf32, #tpu.memory_space<vmem_shared>> -> memref<40x128xf32, #tpu.memory_space<vmem_shared>>
      %dma_start3A_110 = arith.constant 0 : i32
      %dma_start3A_111 = tpu.memref_slice %arg15[%sub3A_59, %dma_start3A_110] : memref<10240x128xf32, #tpu.memory_space<vmem_shared>> -> memref<40x128xf32, #tpu.memory_space<vmem_shared>>
      %dma_start3A_112 = arith.constant 0 : i32
      %dma_start3A_113 = arith.constant 0 : i32
      %dma_start3A_114 = tpu.memref_slice %arg14[%dma_start3A_112, %dma_start3A_113] : memref<120x128xf32, #tpu.memory_space<vmem>> -> memref<40x128xf32, #tpu.memory_space<vmem>>
      tpu.enqueue_dma source(%dma_start3A_114 : memref<40x128xf32, #tpu.memory_space<vmem>>) target(%dma_start3A_111 : memref<40x128xf32, #tpu.memory_space<vmem_shared>>) target_semaphore(%run_scoped3A : memref<!tpu.dma_semaphore, #tpu.memory_space<semaphore_mem>>)
      %dma_wait3A_115 = arith.constant 0 : i32
      %dma_wait3A_116 = arith.constant 0 : i32
      %dma_wait3A_117 = tpu.memref_slice %arg14[%dma_wait3A_115, %dma_wait3A_116] : memref<120x128xf32, #tpu.memory_space<vmem>> -> memref<40x128xf32, #tpu.memory_space<vmem>>
      %dma_wait3A_118 = arith.constant 0 : i32
      %dma_wait3A_119 = tpu.memref_slice %arg15[%sub3A_59, %dma_wait3A_118] : memref<10240x128xf32, #tpu.memory_space<vmem_shared>> -> memref<40x128xf32, #tpu.memory_space<vmem_shared>>
      %dma_wait3A_120 = arith.constant 0 : i32
      %dma_wait3A_121 = tpu.memref_slice %arg15[%sub3A_59, %dma_wait3A_120] : memref<10240x128xf32, #tpu.memory_space<vmem_shared>> -> memref<40x128xf32, #tpu.memory_space<vmem_shared>>
      %dma_wait3A_122 = arith.constant 0 : i32
      %dma_wait3A_123 = arith.constant 0 : i32
      %dma_wait3A_124 = tpu.memref_slice %arg14[%dma_wait3A_122, %dma_wait3A_123] : memref<120x128xf32, #tpu.memory_space<vmem>> -> memref<40x128xf32, #tpu.memory_space<vmem>>
      tpu.wait_dma2 semaphore(%run_scoped3A : memref<!tpu.dma_semaphore, #tpu.memory_space<semaphore_mem>>) src(%dma_wait3A_124 : memref<40x128xf32, #tpu.memory_space<vmem>>) dst(%dma_wait3A_121 : memref<40x128xf32, #tpu.memory_space<vmem_shared>>)
      tpu.yield
    }) : () -> ()
    %dma_wait3A = arith.constant 0 : i32
    %dma_wait3A_60 = tpu.memref_slice %arg2[%dma_wait3A] : memref<337920xi32, #tpu.memory_space<hbm>> -> memref<120xi32, #tpu.memory_space<hbm>>
    %dma_wait3A_61 = arith.constant 0 : i32
    %dma_wait3A_62 = tpu.memref_slice %arg2[%dma_wait3A_61] : memref<337920xi32, #tpu.memory_space<hbm>> -> memref<120xi32, #tpu.memory_space<hbm>>
    tpu.wait_dma2 semaphore(%arg22 : memref<!tpu.dma_semaphore, #tpu.memory_space<semaphore_mem>>) src(%dma_wait3A_62 : memref<120xi32, #tpu.memory_space<hbm>>) dst(%arg6 : memref<120xi32, #tpu.memory_space<vmem>>)
    %dma_start3A_63 = arith.constant 0 : i32
    %dma_start3A_64 = arith.constant 0 : i32
    %dma_start3A_65 = tpu.memref_slice %arg4[%dma_start3A_63, %dma_start3A_64] : memref<10240x128xf32, #tpu.memory_space<hbm>> -> memref<10240x128xf32, #tpu.memory_space<hbm>>
    tpu.enqueue_indirect_dma source(%dma_start3A_65 : memref<10240x128xf32, #tpu.memory_space<hbm>>) target(%arg12 : memref<120x128xf32, #tpu.memory_space<vmem>>) offsets(%arg6 : memref<120xi32, #tpu.memory_space<vmem>>) semaphore(%arg16 : memref<!tpu.dma_semaphore, #tpu.memory_space<semaphore_mem>>)
    %dma_wait3A_66 = arith.constant 0 : i32
    %dma_wait3A_67 = tpu.memref_slice %arg2[%dma_wait3A_66] : memref<337920xi32, #tpu.memory_space<hbm>> -> memref<120xi32, #tpu.memory_space<hbm>>
    %dma_wait3A_68 = arith.constant 0 : i32
    %dma_wait3A_69 = tpu.memref_slice %arg2[%dma_wait3A_68] : memref<337920xi32, #tpu.memory_space<hbm>> -> memref<120xi32, #tpu.memory_space<hbm>>
    tpu.wait_dma2 semaphore(%arg23 : memref<!tpu.dma_semaphore, #tpu.memory_space<semaphore_mem>>) src(%dma_wait3A_69 : memref<120xi32, #tpu.memory_space<hbm>>) dst(%arg7 : memref<120xi32, #tpu.memory_space<vmem>>)
    %dma_start3A_70 = arith.constant 0 : i32
    %dma_start3A_71 = arith.constant 0 : i32
    %dma_start3A_72 = tpu.memref_slice %arg4[%dma_start3A_70, %dma_start3A_71] : memref<10240x128xf32, #tpu.memory_space<hbm>> -> memref<10240x128xf32, #tpu.memory_space<hbm>>
    tpu.enqueue_indirect_dma source(%dma_start3A_72 : memref<10240x128xf32, #tpu.memory_space<hbm>>) target(%arg13 : memref<120x128xf32, #tpu.memory_space<vmem>>) offsets(%arg7 : memref<120xi32, #tpu.memory_space<vmem>>) semaphore(%arg17 : memref<!tpu.dma_semaphore, #tpu.memory_space<semaphore_mem>>)
    %barrier3A = arith.constant 0 : index
    tpu.barrier barrier_id(%barrier3A)
    %scan3A_73 = arith.constant 0 : i32
    %scan3A_74 = arith.constant 0 : i32
    %scan3A_75 = arith.constant 28 : i32
    %scan3A_76 = arith.addi %scan3A_74, %scan3A_75 : i32
    %scan3A_77 = arith.constant 1 : i32
    scf.for %scan3A_105 = %scan3A_74 to %scan3A_76 step %scan3A_77  : i32 {
      %mul3A_106 = arith.constant 3 : i32
      %mul3A_107 = arith.muli %mul3A_106, %scan3A_105 : i32
      %gt3A = arith.constant 0 : i32
      %gt3A_108 = arith.cmpi sgt, %scan3A_105, %gt3A : i32
      %dma_wait3A_109 = arith.constant 0 : i32
      %dma_wait3A_110 = arith.constant 0 : i32
      %dma_wait3A_111 = tpu.memref_slice %arg4[%dma_wait3A_109, %dma_wait3A_110] : memref<10240x128xf32, #tpu.memory_space<hbm>> -> memref<10240x128xf32, #tpu.memory_space<hbm>>
      tpu.wait_indirect_dma semaphore(%arg16 : memref<!tpu.dma_semaphore, #tpu.memory_space<semaphore_mem>>) src(%dma_wait3A_111 : memref<10240x128xf32, #tpu.memory_space<hbm>>) dst(%arg12 : memref<120x128xf32, #tpu.memory_space<vmem>>)
      %dma_wait3A_112 = arith.constant 0 : i32
      %dma_wait3A_113 = tpu.memref_slice %arg3[%dma_wait3A_112] : memref<337920xi32, #tpu.memory_space<hbm>> -> memref<120xi32, #tpu.memory_space<hbm>>
      %dma_wait3A_114 = arith.constant 0 : i32
      %dma_wait3A_115 = tpu.memref_slice %arg3[%dma_wait3A_114] : memref<337920xi32, #tpu.memory_space<hbm>> -> memref<120xi32, #tpu.memory_space<hbm>>
      tpu.wait_dma2 semaphore(%arg25 : memref<!tpu.dma_semaphore, #tpu.memory_space<semaphore_mem>>) src(%dma_wait3A_115 : memref<120xi32, #tpu.memory_space<hbm>>) dst(%arg9 : memref<120xi32, #tpu.memory_space<vmem>>)
      %dma_start3A_116 = arith.constant 0 : i32
      %dma_start3A_117 = arith.constant 0 : i32
      %dma_start3A_118 = tpu.memref_slice %arg15[%dma_start3A_116, %dma_start3A_117] : memref<10240x128xf32, #tpu.memory_space<vmem_shared>> -> memref<10240x128xf32, #tpu.memory_space<vmem_shared>>
      tpu.enqueue_indirect_dma source(%arg12 : memref<120x128xf32, #tpu.memory_space<vmem>>) target(%dma_start3A_118 : memref<10240x128xf32, #tpu.memory_space<vmem_shared>>) offsets(%arg9 : memref<120xi32, #tpu.memory_space<vmem>>) semaphore(%arg19 : memref<!tpu.dma_semaphore, #tpu.memory_space<semaphore_mem>>) {add = true}
      %add3A_119 = arith.constant 3 : i32
      %add3A_120 = arith.addi %mul3A_107, %add3A_119 : i32
      %mul3A_121 = arith.constant 32 : i32
      %mul3A_122 = arith.muli %mul3A_121, %add3A_120 : i32
      %add3A_123 = arith.addi %add3A, %mul3A_122 : i32
      %mul3A_124 = arith.constant 120 : i32
      %mul3A_125 = arith.muli %add3A_123, %mul3A_124 : i32
      %dma_start3A_126 = tpu.memref_slice %arg2[%mul3A_125] : memref<337920xi32, #tpu.memory_space<hbm>> -> memref<120xi32, #tpu.memory_space<hbm>>
      %dma_start3A_127 = tpu.memref_slice %arg2[%mul3A_125] : memref<337920xi32, #tpu.memory_space<hbm>> -> memref<120xi32, #tpu.memory_space<hbm>>
      tpu.enqueue_dma source(%dma_start3A_127 : memref<120xi32, #tpu.memory_space<hbm>>) target(%arg6 : memref<120xi32, #tpu.memory_space<vmem>>) target_semaphore(%arg22 : memref<!tpu.dma_semaphore, #tpu.memory_space<semaphore_mem>>)
      %convert_element_type3A = arith.extui %gt3A_108 : i1 to i32
      %cond3A = arith.constant 0 : i32
      %cond3A_128 = arith.cmpi ne, %convert_element_type3A, %cond3A : i32
      scf.if %cond3A_128 {
        %dma_wait3A_225 = arith.constant 0 : i32
        %dma_wait3A_226 = arith.constant 0 : i32
        %dma_wait3A_227 = tpu.memref_slice %arg15[%dma_wait3A_225, %dma_wait3A_226] : memref<10240x128xf32, #tpu.memory_space<vmem_shared>> -> memref<10240x128xf32, #tpu.memory_space<vmem_shared>>
        tpu.wait_indirect_dma semaphore(%arg21 : memref<!tpu.dma_semaphore, #tpu.memory_space<semaphore_mem>>) src(%arg14 : memref<120x128xf32, #tpu.memory_space<vmem>>) dst(%dma_wait3A_227 : memref<10240x128xf32, #tpu.memory_space<vmem_shared>>)
      } else {
      }
      %add3A_129 = arith.constant 2 : i32
      %add3A_130 = arith.addi %mul3A_107, %add3A_129 : i32
      %mul3A_131 = arith.constant 32 : i32
      %mul3A_132 = arith.muli %mul3A_131, %add3A_130 : i32
      %add3A_133 = arith.addi %add3A, %mul3A_132 : i32
      %mul3A_134 = arith.constant 120 : i32
      %mul3A_135 = arith.muli %add3A_133, %mul3A_134 : i32
      %dma_start3A_136 = tpu.memref_slice %arg3[%mul3A_135] : memref<337920xi32, #tpu.memory_space<hbm>> -> memref<120xi32, #tpu.memory_space<hbm>>
      %dma_start3A_137 = tpu.memref_slice %arg3[%mul3A_135] : memref<337920xi32, #tpu.memory_space<hbm>> -> memref<120xi32, #tpu.memory_space<hbm>>
      tpu.enqueue_dma source(%dma_start3A_137 : memref<120xi32, #tpu.memory_space<hbm>>) target(%arg11 : memref<120xi32, #tpu.memory_space<vmem>>) target_semaphore(%arg27 : memref<!tpu.dma_semaphore, #tpu.memory_space<semaphore_mem>>)
      %dma_wait3A_138 = arith.constant 0 : i32
      %dma_wait3A_139 = tpu.memref_slice %arg2[%dma_wait3A_138] : memref<337920xi32, #tpu.memory_space<hbm>> -> memref<120xi32, #tpu.memory_space<hbm>>
      %dma_wait3A_140 = arith.constant 0 : i32
      %dma_wait3A_141 = tpu.memref_slice %arg2[%dma_wait3A_140] : memref<337920xi32, #tpu.memory_space<hbm>> -> memref<120xi32, #tpu.memory_space<hbm>>
      tpu.wait_dma2 semaphore(%arg24 : memref<!tpu.dma_semaphore, #tpu.memory_space<semaphore_mem>>) src(%dma_wait3A_141 : memref<120xi32, #tpu.memory_space<hbm>>) dst(%arg8 : memref<120xi32, #tpu.memory_space<vmem>>)
      %dma_start3A_142 = arith.constant 0 : i32
      %dma_start3A_143 = arith.constant 0 : i32
      %dma_start3A_144 = tpu.memref_slice %arg4[%dma_start3A_142, %dma_start3A_143] : memref<10240x128xf32, #tpu.memory_space<hbm>> -> memref<10240x128xf32, #tpu.memory_space<hbm>>
      tpu.enqueue_indirect_dma source(%dma_start3A_144 : memref<10240x128xf32, #tpu.memory_space<hbm>>) target(%arg14 : memref<120x128xf32, #tpu.memory_space<vmem>>) offsets(%arg8 : memref<120xi32, #tpu.memory_space<vmem>>) semaphore(%arg18 : memref<!tpu.dma_semaphore, #tpu.memory_space<semaphore_mem>>)
      %add3A_145 = arith.constant 1 : i32
      %add3A_146 = arith.addi %mul3A_107, %add3A_145 : i32
      %dma_wait3A_147 = arith.constant 0 : i32
      %dma_wait3A_148 = arith.constant 0 : i32
      %dma_wait3A_149 = tpu.memref_slice %arg4[%dma_wait3A_147, %dma_wait3A_148] : memref<10240x128xf32, #tpu.memory_space<hbm>> -> memref<10240x128xf32, #tpu.memory_space<hbm>>
      tpu.wait_indirect_dma semaphore(%arg17 : memref<!tpu.dma_semaphore, #tpu.memory_space<semaphore_mem>>) src(%dma_wait3A_149 : memref<10240x128xf32, #tpu.memory_space<hbm>>) dst(%arg13 : memref<120x128xf32, #tpu.memory_space<vmem>>)
      %dma_wait3A_150 = arith.constant 0 : i32
      %dma_wait3A_151 = tpu.memref_slice %arg3[%dma_wait3A_150] : memref<337920xi32, #tpu.memory_space<hbm>> -> memref<120xi32, #tpu.memory_space<hbm>>
      %dma_wait3A_152 = arith.constant 0 : i32
      %dma_wait3A_153 = tpu.memref_slice %arg3[%dma_wait3A_152] : memref<337920xi32, #tpu.memory_space<hbm>> -> memref<120xi32, #tpu.memory_space<hbm>>
      tpu.wait_dma2 semaphore(%arg26 : memref<!tpu.dma_semaphore, #tpu.memory_space<semaphore_mem>>) src(%dma_wait3A_153 : memref<120xi32, #tpu.memory_space<hbm>>) dst(%arg10 : memref<120xi32, #tpu.memory_space<vmem>>)
      %dma_start3A_154 = arith.constant 0 : i32
      %dma_start3A_155 = arith.constant 0 : i32
      %dma_start3A_156 = tpu.memref_slice %arg15[%dma_start3A_154, %dma_start3A_155] : memref<10240x128xf32, #tpu.memory_space<vmem_shared>> -> memref<10240x128xf32, #tpu.memory_space<vmem_shared>>
      tpu.enqueue_indirect_dma source(%arg13 : memref<120x128xf32, #tpu.memory_space<vmem>>) target(%dma_start3A_156 : memref<10240x128xf32, #tpu.memory_space<vmem_shared>>) offsets(%arg10 : memref<120xi32, #tpu.memory_space<vmem>>) semaphore(%arg20 : memref<!tpu.dma_semaphore, #tpu.memory_space<semaphore_mem>>) {add = true}
      %add3A_157 = arith.constant 3 : i32
      %add3A_158 = arith.addi %add3A_146, %add3A_157 : i32
      %mul3A_159 = arith.constant 32 : i32
      %mul3A_160 = arith.muli %mul3A_159, %add3A_158 : i32
      %add3A_161 = arith.addi %add3A, %mul3A_160 : i32
      %mul3A_162 = arith.constant 120 : i32
      %mul3A_163 = arith.muli %add3A_161, %mul3A_162 : i32
      %dma_start3A_164 = tpu.memref_slice %arg2[%mul3A_163] : memref<337920xi32, #tpu.memory_space<hbm>> -> memref<120xi32, #tpu.memory_space<hbm>>
      %dma_start3A_165 = tpu.memref_slice %arg2[%mul3A_163] : memref<337920xi32, #tpu.memory_space<hbm>> -> memref<120xi32, #tpu.memory_space<hbm>>
      tpu.enqueue_dma source(%dma_start3A_165 : memref<120xi32, #tpu.memory_space<hbm>>) target(%arg7 : memref<120xi32, #tpu.memory_space<vmem>>) target_semaphore(%arg23 : memref<!tpu.dma_semaphore, #tpu.memory_space<semaphore_mem>>)
      %dma_wait3A_166 = arith.constant 0 : i32
      %dma_wait3A_167 = arith.constant 0 : i32
      %dma_wait3A_168 = tpu.memref_slice %arg15[%dma_wait3A_166, %dma_wait3A_167] : memref<10240x128xf32, #tpu.memory_space<vmem_shared>> -> memref<10240x128xf32, #tpu.memory_space<vmem_shared>>
      tpu.wait_indirect_dma semaphore(%arg19 : memref<!tpu.dma_semaphore, #tpu.memory_space<semaphore_mem>>) src(%arg12 : memref<120x128xf32, #tpu.memory_space<vmem>>) dst(%dma_wait3A_168 : memref<10240x128xf32, #tpu.memory_space<vmem_shared>>)
      %add3A_169 = arith.constant 2 : i32
      %add3A_170 = arith.addi %add3A_146, %add3A_169 : i32
      %mul3A_171 = arith.constant 32 : i32
      %mul3A_172 = arith.muli %mul3A_171, %add3A_170 : i32
      %add3A_173 = arith.addi %add3A, %mul3A_172 : i32
      %mul3A_174 = arith.constant 120 : i32
      %mul3A_175 = arith.muli %add3A_173, %mul3A_174 : i32
      %dma_start3A_176 = tpu.memref_slice %arg3[%mul3A_175] : memref<337920xi32, #tpu.memory_space<hbm>> -> memref<120xi32, #tpu.memory_space<hbm>>
      %dma_start3A_177 = tpu.memref_slice %arg3[%mul3A_175] : memref<337920xi32, #tpu.memory_space<hbm>> -> memref<120xi32, #tpu.memory_space<hbm>>
      tpu.enqueue_dma source(%dma_start3A_177 : memref<120xi32, #tpu.memory_space<hbm>>) target(%arg9 : memref<120xi32, #tpu.memory_space<vmem>>) target_semaphore(%arg25 : memref<!tpu.dma_semaphore, #tpu.memory_space<semaphore_mem>>)
      %dma_wait3A_178 = arith.constant 0 : i32
      %dma_wait3A_179 = tpu.memref_slice %arg2[%dma_wait3A_178] : memref<337920xi32, #tpu.memory_space<hbm>> -> memref<120xi32, #tpu.memory_space<hbm>>
      %dma_wait3A_180 = arith.constant 0 : i32
      %dma_wait3A_181 = tpu.memref_slice %arg2[%dma_wait3A_180] : memref<337920xi32, #tpu.memory_space<hbm>> -> memref<120xi32, #tpu.memory_space<hbm>>
      tpu.wait_dma2 semaphore(%arg22 : memref<!tpu.dma_semaphore, #tpu.memory_space<semaphore_mem>>) src(%dma_wait3A_181 : memref<120xi32, #tpu.memory_space<hbm>>) dst(%arg6 : memref<120xi32, #tpu.memory_space<vmem>>)
      %dma_start3A_182 = arith.constant 0 : i32
      %dma_start3A_183 = arith.constant 0 : i32
      %dma_start3A_184 = tpu.memref_slice %arg4[%dma_start3A_182, %dma_start3A_183] : memref<10240x128xf32, #tpu.memory_space<hbm>> -> memref<10240x128xf32, #tpu.memory_space<hbm>>
      tpu.enqueue_indirect_dma source(%dma_start3A_184 : memref<10240x128xf32, #tpu.memory_space<hbm>>) target(%arg12 : memref<120x128xf32, #tpu.memory_space<vmem>>) offsets(%arg6 : memref<120xi32, #tpu.memory_space<vmem>>) semaphore(%arg16 : memref<!tpu.dma_semaphore, #tpu.memory_space<semaphore_mem>>)
      %add3A_185 = arith.constant 2 : i32
      %add3A_186 = arith.addi %mul3A_107, %add3A_185 : i32
      %dma_wait3A_187 = arith.constant 0 : i32
      %dma_wait3A_188 = arith.constant 0 : i32
      %dma_wait3A_189 = tpu.memref_slice %arg4[%dma_wait3A_187, %dma_wait3A_188] : memref<10240x128xf32, #tpu.memory_space<hbm>> -> memref<10240x128xf32, #tpu.memory_space<hbm>>
      tpu.wait_indirect_dma semaphore(%arg18 : memref<!tpu.dma_semaphore, #tpu.memory_space<semaphore_mem>>) src(%dma_wait3A_189 : memref<10240x128xf32, #tpu.memory_space<hbm>>) dst(%arg14 : memref<120x128xf32, #tpu.memory_space<vmem>>)
      %dma_wait3A_190 = arith.constant 0 : i32
      %dma_wait3A_191 = tpu.memref_slice %arg3[%dma_wait3A_190] : memref<337920xi32, #tpu.memory_space<hbm>> -> memref<120xi32, #tpu.memory_space<hbm>>
      %dma_wait3A_192 = arith.constant 0 : i32
      %dma_wait3A_193 = tpu.memref_slice %arg3[%dma_wait3A_192] : memref<337920xi32, #tpu.memory_space<hbm>> -> memref<120xi32, #tpu.memory_space<hbm>>
      tpu.wait_dma2 semaphore(%arg27 : memref<!tpu.dma_semaphore, #tpu.memory_space<semaphore_mem>>) src(%dma_wait3A_193 : memref<120xi32, #tpu.memory_space<hbm>>) dst(%arg11 : memref<120xi32, #tpu.memory_space<vmem>>)
      %dma_start3A_194 = arith.constant 0 : i32
      %dma_start3A_195 = arith.constant 0 : i32
      %dma_start3A_196 = tpu.memref_slice %arg15[%dma_start3A_194, %dma_start3A_195] : memref<10240x128xf32, #tpu.memory_space<vmem_shared>> -> memref<10240x128xf32, #tpu.memory_space<vmem_shared>>
      tpu.enqueue_indirect_dma source(%arg14 : memref<120x128xf32, #tpu.memory_space<vmem>>) target(%dma_start3A_196 : memref<10240x128xf32, #tpu.memory_space<vmem_shared>>) offsets(%arg11 : memref<120xi32, #tpu.memory_space<vmem>>) semaphore(%arg21 : memref<!tpu.dma_semaphore, #tpu.memory_space<semaphore_mem>>) {add = true}
      %add3A_197 = arith.constant 3 : i32
      %add3A_198 = arith.addi %add3A_186, %add3A_197 : i32
      %mul3A_199 = arith.constant 32 : i32
      %mul3A_200 = arith.muli %mul3A_199, %add3A_198 : i32
      %add3A_201 = arith.addi %add3A, %mul3A_200 : i32
      %mul3A_202 = arith.constant 120 : i32
      %mul3A_203 = arith.muli %add3A_201, %mul3A_202 : i32
      %dma_start3A_204 = tpu.memref_slice %arg2[%mul3A_203] : memref<337920xi32, #tpu.memory_space<hbm>> -> memref<120xi32, #tpu.memory_space<hbm>>
      %dma_start3A_205 = tpu.memref_slice %arg2[%mul3A_203] : memref<337920xi32, #tpu.memory_space<hbm>> -> memref<120xi32, #tpu.memory_space<hbm>>
      tpu.enqueue_dma source(%dma_start3A_205 : memref<120xi32, #tpu.memory_space<hbm>>) target(%arg8 : memref<120xi32, #tpu.memory_space<vmem>>) target_semaphore(%arg24 : memref<!tpu.dma_semaphore, #tpu.memory_space<semaphore_mem>>)
      %dma_wait3A_206 = arith.constant 0 : i32
      %dma_wait3A_207 = arith.constant 0 : i32
      %dma_wait3A_208 = tpu.memref_slice %arg15[%dma_wait3A_206, %dma_wait3A_207] : memref<10240x128xf32, #tpu.memory_space<vmem_shared>> -> memref<10240x128xf32, #tpu.memory_space<vmem_shared>>
      tpu.wait_indirect_dma semaphore(%arg20 : memref<!tpu.dma_semaphore, #tpu.memory_space<semaphore_mem>>) src(%arg13 : memref<120x128xf32, #tpu.memory_space<vmem>>) dst(%dma_wait3A_208 : memref<10240x128xf32, #tpu.memory_space<vmem_shared>>)
      %add3A_209 = arith.constant 2 : i32
      %add3A_210 = arith.addi %add3A_186, %add3A_209 : i32
      %mul3A_211 = arith.constant 32 : i32
      %mul3A_212 = arith.muli %mul3A_211, %add3A_210 : i32
      %add3A_213 = arith.addi %add3A, %mul3A_212 : i32
      %mul3A_214 = arith.constant 120 : i32
      %mul3A_215 = arith.muli %add3A_213, %mul3A_214 : i32
      %dma_start3A_216 = tpu.memref_slice %arg3[%mul3A_215] : memref<337920xi32, #tpu.memory_space<hbm>> -> memref<120xi32, #tpu.memory_space<hbm>>
      %dma_start3A_217 = tpu.memref_slice %arg3[%mul3A_215] : memref<337920xi32, #tpu.memory_space<hbm>> -> memref<120xi32, #tpu.memory_space<hbm>>
      tpu.enqueue_dma source(%dma_start3A_217 : memref<120xi32, #tpu.memory_space<hbm>>) target(%arg10 : memref<120xi32, #tpu.memory_space<vmem>>) target_semaphore(%arg26 : memref<!tpu.dma_semaphore, #tpu.memory_space<semaphore_mem>>)
      %dma_wait3A_218 = arith.constant 0 : i32
      %dma_wait3A_219 = tpu.memref_slice %arg2[%dma_wait3A_218] : memref<337920xi32, #tpu.memory_space<hbm>> -> memref<120xi32, #tpu.memory_space<hbm>>
      %dma_wait3A_220 = arith.constant 0 : i32
      %dma_wait3A_221 = tpu.memref_slice %arg2[%dma_wait3A_220] : memref<337920xi32, #tpu.memory_space<hbm>> -> memref<120xi32, #tpu.memory_space<hbm>>
      tpu.wait_dma2 semaphore(%arg23 : memref<!tpu.dma_semaphore, #tpu.memory_space<semaphore_mem>>) src(%dma_wait3A_221 : memref<120xi32, #tpu.memory_space<hbm>>) dst(%arg7 : memref<120xi32, #tpu.memory_space<vmem>>)
      %dma_start3A_222 = arith.constant 0 : i32
      %dma_start3A_223 = arith.constant 0 : i32
      %dma_start3A_224 = tpu.memref_slice %arg4[%dma_start3A_222, %dma_start3A_223] : memref<10240x128xf32, #tpu.memory_space<hbm>> -> memref<10240x128xf32, #tpu.memory_space<hbm>>
      tpu.enqueue_indirect_dma source(%dma_start3A_224 : memref<10240x128xf32, #tpu.memory_space<hbm>>) target(%arg13 : memref<120x128xf32, #tpu.memory_space<vmem>>) offsets(%arg7 : memref<120xi32, #tpu.memory_space<vmem>>) semaphore(%arg17 : memref<!tpu.dma_semaphore, #tpu.memory_space<semaphore_mem>>)
    }
    %scan3A_78 = arith.constant 28 : i32
    %dma_wait3A_79 = arith.constant 0 : i32
    %dma_wait3A_80 = arith.constant 0 : i32
    %dma_wait3A_81 = tpu.memref_slice %arg4[%dma_wait3A_79, %dma_wait3A_80] : memref<10240x128xf32, #tpu.memory_space<hbm>> -> memref<10240x128xf32, #tpu.memory_space<hbm>>
    tpu.wait_indirect_dma semaphore(%arg16 : memref<!tpu.dma_semaphore, #tpu.memory_space<semaphore_mem>>) src(%dma_wait3A_81 : memref<10240x128xf32, #tpu.memory_space<hbm>>) dst(%arg12 : memref<120x128xf32, #tpu.memory_space<vmem>>)
    %dma_wait3A_82 = arith.constant 0 : i32
    %dma_wait3A_83 = arith.constant 0 : i32
    %dma_wait3A_84 = tpu.memref_slice %arg4[%dma_wait3A_82, %dma_wait3A_83] : memref<10240x128xf32, #tpu.memory_space<hbm>> -> memref<10240x128xf32, #tpu.memory_space<hbm>>
    tpu.wait_indirect_dma semaphore(%arg17 : memref<!tpu.dma_semaphore, #tpu.memory_space<semaphore_mem>>) src(%dma_wait3A_84 : memref<10240x128xf32, #tpu.memory_space<hbm>>) dst(%arg13 : memref<120x128xf32, #tpu.memory_space<vmem>>)
    %dma_wait3A_85 = arith.constant 0 : i32
    %dma_wait3A_86 = arith.constant 0 : i32
    %dma_wait3A_87 = tpu.memref_slice %arg15[%dma_wait3A_85, %dma_wait3A_86] : memref<10240x128xf32, #tpu.memory_space<vmem_shared>> -> memref<10240x128xf32, #tpu.memory_space<vmem_shared>>
    tpu.wait_indirect_dma semaphore(%arg21 : memref<!tpu.dma_semaphore, #tpu.memory_space<semaphore_mem>>) src(%arg14 : memref<120x128xf32, #tpu.memory_space<vmem>>) dst(%dma_wait3A_87 : memref<10240x128xf32, #tpu.memory_space<vmem_shared>>)
    %dma_wait3A_88 = arith.constant 0 : i32
    %dma_wait3A_89 = tpu.memref_slice %arg2[%dma_wait3A_88] : memref<337920xi32, #tpu.memory_space<hbm>> -> memref<120xi32, #tpu.memory_space<hbm>>
    %dma_wait3A_90 = arith.constant 0 : i32
    %dma_wait3A_91 = tpu.memref_slice %arg2[%dma_wait3A_90] : memref<337920xi32, #tpu.memory_space<hbm>> -> memref<120xi32, #tpu.memory_space<hbm>>
    tpu.wait_dma2 semaphore(%arg24 : memref<!tpu.dma_semaphore, #tpu.memory_space<semaphore_mem>>) src(%dma_wait3A_91 : memref<120xi32, #tpu.memory_space<hbm>>) dst(%arg8 : memref<120xi32, #tpu.memory_space<vmem>>)
    %dma_wait3A_92 = arith.constant 0 : i32
    %dma_wait3A_93 = tpu.memref_slice %arg3[%dma_wait3A_92] : memref<337920xi32, #tpu.memory_space<hbm>> -> memref<120xi32, #tpu.memory_space<hbm>>
    %dma_wait3A_94 = arith.constant 0 : i32
    %dma_wait3A_95 = tpu.memref_slice %arg3[%dma_wait3A_94] : memref<337920xi32, #tpu.memory_space<hbm>> -> memref<120xi32, #tpu.memory_space<hbm>>
    tpu.wait_dma2 semaphore(%arg25 : memref<!tpu.dma_semaphore, #tpu.memory_space<semaphore_mem>>) src(%dma_wait3A_95 : memref<120xi32, #tpu.memory_space<hbm>>) dst(%arg9 : memref<120xi32, #tpu.memory_space<vmem>>)
    %dma_wait3A_96 = arith.constant 0 : i32
    %dma_wait3A_97 = tpu.memref_slice %arg3[%dma_wait3A_96] : memref<337920xi32, #tpu.memory_space<hbm>> -> memref<120xi32, #tpu.memory_space<hbm>>
    %dma_wait3A_98 = arith.constant 0 : i32
    %dma_wait3A_99 = tpu.memref_slice %arg3[%dma_wait3A_98] : memref<337920xi32, #tpu.memory_space<hbm>> -> memref<120xi32, #tpu.memory_space<hbm>>
    tpu.wait_dma2 semaphore(%arg26 : memref<!tpu.dma_semaphore, #tpu.memory_space<semaphore_mem>>) src(%dma_wait3A_99 : memref<120xi32, #tpu.memory_space<hbm>>) dst(%arg10 : memref<120xi32, #tpu.memory_space<vmem>>)
    %barrier3A_100 = arith.constant 0 : index
    tpu.barrier barrier_id(%barrier3A_100)
    %mul3A_101 = arith.constant 640 : i32
    %mul3A_102 = arith.muli %arg1, %mul3A_101 : i32
    %mul3A_103 = arith.constant 640 : i32
    %mul3A_104 = arith.muli %arg1, %mul3A_103 : i32
    "tpu.region"() ({
      %run_scoped3A = tpu.sem_alloc : memref<!tpu.dma_semaphore, #tpu.memory_space<semaphore_mem>>
      %dma_start3A_105 = arith.constant 0 : i32
      %dma_start3A_106 = tpu.memref_slice %arg5[%arg0, %mul3A_104, %dma_start3A_105] : memref<2x10240x128xf32, #tpu.memory_space<hbm>> -> memref<1x640x128xf32, #tpu.memory_space<hbm>>
      %dma_start3A_107 = tpu.memref_squeeze %dma_start3A_106 : memref<1x640x128xf32, #tpu.memory_space<hbm>> -> memref<640x128xf32, #tpu.memory_space<hbm>>
      %dma_start3A_108 = arith.constant 0 : i32
      %dma_start3A_109 = tpu.memref_slice %arg15[%mul3A_102, %dma_start3A_108] : memref<10240x128xf32, #tpu.memory_space<vmem_shared>> -> memref<640x128xf32, #tpu.memory_space<vmem_shared>>
      tpu.enqueue_dma source(%dma_start3A_109 : memref<640x128xf32, #tpu.memory_space<vmem_shared>>) target(%dma_start3A_107 : memref<640x128xf32, #tpu.memory_space<hbm>>) target_semaphore(%run_scoped3A : memref<!tpu.dma_semaphore, #tpu.memory_space<semaphore_mem>>)
      %dma_wait3A_110 = arith.constant 0 : i32
      %dma_wait3A_111 = tpu.memref_slice %arg5[%arg0, %mul3A_104, %dma_wait3A_110] : memref<2x10240x128xf32, #tpu.memory_space<hbm>> -> memref<1x640x128xf32, #tpu.memory_space<hbm>>
      %dma_wait3A_112 = tpu.memref_squeeze %dma_wait3A_111 : memref<1x640x128xf32, #tpu.memory_space<hbm>> -> memref<640x128xf32, #tpu.memory_space<hbm>>
      %dma_wait3A_113 = arith.constant 0 : i32
      %dma_wait3A_114 = tpu.memref_slice %arg15[%mul3A_102, %dma_wait3A_113] : memref<10240x128xf32, #tpu.memory_space<vmem_shared>> -> memref<640x128xf32, #tpu.memory_space<vmem_shared>>
      tpu.wait_dma2 semaphore(%run_scoped3A : memref<!tpu.dma_semaphore, #tpu.memory_space<semaphore_mem>>) src(%dma_wait3A_114 : memref<640x128xf32, #tpu.memory_space<vmem_shared>>) dst(%dma_wait3A_112 : memref<640x128xf32, #tpu.memory_space<hbm>>)
      tpu.yield
    }) : () -> ()
    return
  }
}

module attributes {stable_mosaic.version = 14 : i64} {
  func.func @_m1_body(%arg0: memref<10000x128xf32, #tpu.memory_space<vmem>>, %arg1: memref<128x128xf32, #tpu.memory_space<vmem>>, %arg2: memref<10000x128xf32, #tpu.memory_space<vmem>>) attributes {dimension_semantics = [], scalar_prefetch = 0 : i64, scratch_operands = 0 : i64, tpu.core_type = #tpu.core_type<tc>} {
    %get3A = arith.constant 0 : index
    %get3A_0 = arith.constant 0 : index
    %get3A_1 = vector.load %arg0[%get3A, %get3A_0] : memref<10000x128xf32, #tpu.memory_space<vmem>>, vector<10000x128xf32>
    %get3A_2 = arith.constant 0 : index
    %get3A_3 = arith.constant 0 : index
    %get3A_4 = vector.load %arg1[%get3A_2, %get3A_3] : memref<128x128xf32, #tpu.memory_space<vmem>>, vector<128x128xf32>
    %dot_general3A = arith.constant dense<0.000000e+00> : vector<10000x128xf32>
    %dot_general3A_5 = tpu.matmul %get3A_1, %get3A_4, %dot_general3A {dimension_numbers = #tpu.dot_dimension_numbers<[1], [0], [0], [1], [0, 0, 1, 1], [], []>, transpose_lhs_hint = false} : vector<10000x128xf32>, vector<128x128xf32>, vector<10000x128xf32> -> vector<10000x128xf32>
    %swap3A = arith.constant 0 : index
    %swap3A_6 = arith.constant 0 : index
    %swap3A_7 = vector.load %arg2[%swap3A, %swap3A_6] : memref<10000x128xf32, #tpu.memory_space<vmem>>, vector<10000x128xf32>
    tpu.vector_store %arg2[%swap3A, %swap3A_6], %dot_general3A_5 {strides = array<i32>} : memref<10000x128xf32, #tpu.memory_space<vmem>>, vector<10000x128xf32>,
    return
  }
}

module attributes {stable_mosaic.version = 14 : i64} {
  func.func @_b1_body(%arg0: memref<10000x128xf32, #tpu.memory_space<vmem>>, %arg1: memref<10000x1xf32, #tpu.memory_space<vmem>>, %arg2: memref<10240x128xf32, #tpu.memory_space<vmem>>) attributes {dimension_semantics = [], scalar_prefetch = 0 : i64, scratch_operands = 0 : i64, tpu.core_type = #tpu.core_type<tc>} {
    %get3A = arith.constant 0 : index
    %get3A_0 = arith.constant 0 : index
    %get3A_1 = vector.load %arg0[%get3A, %get3A_0] : memref<10000x128xf32, #tpu.memory_space<vmem>>, vector<10000x128xf32>
    %get3A_2 = arith.constant 0 : index
    %get3A_3 = arith.constant 0 : index
    %get3A_4 = vector.load %arg1[%get3A_2, %get3A_3] : memref<10000x1xf32, #tpu.memory_space<vmem>>, vector<10000x1xf32>
    %max3A = arith.constant 1.000000e+00 : f32
    %max3A_5 = vector.broadcast %max3A : f32 to vector<10000x1xf32>
    %max3A_6 = arith.maximumf %get3A_4, %max3A_5 : vector<10000x1xf32>
    %rsqrt3A = math.rsqrt %max3A_6 : vector<10000x1xf32>
    %mul3A = vector.broadcast %rsqrt3A : vector<10000x1xf32> to vector<10000x128xf32>
    %mul3A_7 = arith.mulf %get3A_1, %mul3A : vector<10000x128xf32>
    %swap3A = arith.constant 0 : index
    %swap3A_8 = arith.constant 0 : index
    %swap3A_9 = vector.load %arg2[%swap3A, %swap3A_8] : memref<10240x128xf32, #tpu.memory_space<vmem>>, vector<10000x128xf32>
    tpu.vector_store %arg2[%swap3A, %swap3A_8], %mul3A_7 {strides = array<i32>} : memref<10240x128xf32, #tpu.memory_space<vmem>>, vector<10000x128xf32>,
    %broadcast_in_dim3A = arith.constant 0.000000e+00 : f32
    %broadcast_in_dim3A_10 = vector.broadcast %broadcast_in_dim3A : f32 to vector<240x128xf32>
    %swap3A_11 = arith.constant 10000 : index
    %swap3A_12 = arith.constant 0 : index
    %swap3A_13 = vector.load %arg2[%swap3A_11, %swap3A_12] : memref<10240x128xf32, #tpu.memory_space<vmem>>, vector<240x128xf32>
    tpu.vector_store %arg2[%swap3A_11, %swap3A_12], %broadcast_in_dim3A_10 {strides = array<i32>} : memref<10240x128xf32, #tpu.memory_space<vmem>>, vector<240x128xf32>,
    return
  }
}

module attributes {stable_mosaic.version = 14 : i64} {
  func.func @_b2_body(%arg0: memref<2x10240x128xf32, #tpu.memory_space<vmem>>, %arg1: memref<128x128xf32, #tpu.memory_space<vmem>>, %arg2: memref<10000x1xf32, #tpu.memory_space<vmem>>, %arg3: memref<10000x1xf32, #tpu.memory_space<vmem>>, %arg4: memref<1x128xf32, #tpu.memory_space<vmem>>, %arg5: memref<10240x128xf32, #tpu.memory_space<vmem>>) attributes {dimension_semantics = [], scalar_prefetch = 0 : i64, scratch_operands = 0 : i64, tpu.core_type = #tpu.core_type<tc>} {
    %get3A = arith.constant 0 : index
    %get3A_0 = arith.constant 0 : index
    %get3A_1 = arith.constant 0 : index
    %get3A_2 = vector.load %arg0[%get3A, %get3A_0, %get3A_1] : memref<2x10240x128xf32, #tpu.memory_space<vmem>>, vector<1x10240x128xf32>
    %get3A_3 = vector.shape_cast %get3A_2 : vector<1x10240x128xf32> to vector<10240x128xf32>
    %get3A_4 = arith.constant 1 : index
    %get3A_5 = arith.constant 0 : index
    %get3A_6 = arith.constant 0 : index
    %get3A_7 = vector.load %arg0[%get3A_4, %get3A_5, %get3A_6] : memref<2x10240x128xf32, #tpu.memory_space<vmem>>, vector<1x10240x128xf32>
    %get3A_8 = vector.shape_cast %get3A_7 : vector<1x10240x128xf32> to vector<10240x128xf32>
    %add3A = arith.addf %get3A_3, %get3A_8 : vector<10240x128xf32>
    %slice3A = vector.extract_strided_slice %add3A {offsets = [0, 0], sizes = [10000, 128], strides = [1, 1]} : vector<10240x128xf32> to vector<10000x128xf32>
    %get3A_9 = arith.constant 0 : index
    %get3A_10 = arith.constant 0 : index
    %get3A_11 = vector.load %arg2[%get3A_9, %get3A_10] : memref<10000x1xf32, #tpu.memory_space<vmem>>, vector<10000x1xf32>
    %max3A = arith.constant 1.000000e+00 : f32
    %max3A_12 = vector.broadcast %max3A : f32 to vector<10000x1xf32>
    %max3A_13 = arith.maximumf %get3A_11, %max3A_12 : vector<10000x1xf32>
    %rsqrt3A = math.rsqrt %max3A_13 : vector<10000x1xf32>
    %mul3A = vector.broadcast %rsqrt3A : vector<10000x1xf32> to vector<10000x128xf32>
    %mul3A_14 = arith.mulf %slice3A, %mul3A : vector<10000x128xf32>
    %get3A_15 = arith.constant 0 : index
    %get3A_16 = arith.constant 0 : index
    %get3A_17 = vector.load %arg4[%get3A_15, %get3A_16] : memref<1x128xf32, #tpu.memory_space<vmem>>, vector<1x128xf32>
    %add3A_18 = vector.broadcast %get3A_17 : vector<1x128xf32> to vector<10000x128xf32>
    %add3A_19 = arith.addf %mul3A_14, %add3A_18 : vector<10000x128xf32>
    %max3A_20 = arith.constant 0.000000e+00 : f32
    %max3A_21 = vector.broadcast %max3A_20 : f32 to vector<10000x128xf32>
    %max3A_22 = arith.maximumf %add3A_19, %max3A_21 : vector<10000x128xf32>
    %get3A_23 = arith.constant 0 : index
    %get3A_24 = arith.constant 0 : index
    %get3A_25 = vector.load %arg1[%get3A_23, %get3A_24] : memref<128x128xf32, #tpu.memory_space<vmem>>, vector<128x128xf32>
    %dot_general3A = arith.constant dense<0.000000e+00> : vector<10000x128xf32>
    %dot_general3A_26 = tpu.matmul %max3A_22, %get3A_25, %dot_general3A {dimension_numbers = #tpu.dot_dimension_numbers<[1], [0], [0], [1], [0, 0, 1, 1], [], []>, transpose_lhs_hint = false} : vector<10000x128xf32>, vector<128x128xf32>, vector<10000x128xf32> -> vector<10000x128xf32>
    %get3A_27 = arith.constant 0 : index
    %get3A_28 = arith.constant 0 : index
    %get3A_29 = vector.load %arg3[%get3A_27, %get3A_28] : memref<10000x1xf32, #tpu.memory_space<vmem>>, vector<10000x1xf32>
    %max3A_30 = arith.constant 1.000000e+00 : f32
    %max3A_31 = vector.broadcast %max3A_30 : f32 to vector<10000x1xf32>
    %max3A_32 = arith.maximumf %get3A_29, %max3A_31 : vector<10000x1xf32>
    %rsqrt3A_33 = math.rsqrt %max3A_32 : vector<10000x1xf32>
    %mul3A_34 = vector.broadcast %rsqrt3A_33 : vector<10000x1xf32> to vector<10000x128xf32>
    %mul3A_35 = arith.mulf %dot_general3A_26, %mul3A_34 : vector<10000x128xf32>
    %swap3A = arith.constant 0 : index
    %swap3A_36 = arith.constant 0 : index
    %swap3A_37 = vector.load %arg5[%swap3A, %swap3A_36] : memref<10240x128xf32, #tpu.memory_space<vmem>>, vector<10000x128xf32>
    tpu.vector_store %arg5[%swap3A, %swap3A_36], %mul3A_35 {strides = array<i32>} : memref<10240x128xf32, #tpu.memory_space<vmem>>, vector<10000x128xf32>,
    %broadcast_in_dim3A = arith.constant 0.000000e+00 : f32
    %broadcast_in_dim3A_38 = vector.broadcast %broadcast_in_dim3A : f32 to vector<240x128xf32>
    %swap3A_39 = arith.constant 10000 : index
    %swap3A_40 = arith.constant 0 : index
    %swap3A_41 = vector.load %arg5[%swap3A_39, %swap3A_40] : memref<10240x128xf32, #tpu.memory_space<vmem>>, vector<240x128xf32>
    tpu.vector_store %arg5[%swap3A_39, %swap3A_40], %broadcast_in_dim3A_38 {strides = array<i32>} : memref<10240x128xf32, #tpu.memory_space<vmem>>, vector<240x128xf32>,
    return
  }
}

module attributes {stable_mosaic.version = 14 : i64} {
  func.func @_b3_body(%arg0: memref<2x10240x128xf32, #tpu.memory_space<vmem>>, %arg1: memref<10000x1xf32, #tpu.memory_space<vmem>>, %arg2: memref<1x128xf32, #tpu.memory_space<vmem>>, %arg3: memref<10000x128xf32, #tpu.memory_space<vmem>>) attributes {dimension_semantics = [], scalar_prefetch = 0 : i64, scratch_operands = 0 : i64, tpu.core_type = #tpu.core_type<tc>} {
    %get3A = arith.constant 0 : index
    %get3A_0 = arith.constant 0 : index
    %get3A_1 = arith.constant 0 : index
    %get3A_2 = vector.load %arg0[%get3A, %get3A_0, %get3A_1] : memref<2x10240x128xf32, #tpu.memory_space<vmem>>, vector<1x10240x128xf32>
    %get3A_3 = vector.shape_cast %get3A_2 : vector<1x10240x128xf32> to vector<10240x128xf32>
    %get3A_4 = arith.constant 1 : index
    %get3A_5 = arith.constant 0 : index
    %get3A_6 = arith.constant 0 : index
    %get3A_7 = vector.load %arg0[%get3A_4, %get3A_5, %get3A_6] : memref<2x10240x128xf32, #tpu.memory_space<vmem>>, vector<1x10240x128xf32>
    %get3A_8 = vector.shape_cast %get3A_7 : vector<1x10240x128xf32> to vector<10240x128xf32>
    %add3A = arith.addf %get3A_3, %get3A_8 : vector<10240x128xf32>
    %slice3A = vector.extract_strided_slice %add3A {offsets = [0, 0], sizes = [10000, 128], strides = [1, 1]} : vector<10240x128xf32> to vector<10000x128xf32>
    %get3A_9 = arith.constant 0 : index
    %get3A_10 = arith.constant 0 : index
    %get3A_11 = vector.load %arg1[%get3A_9, %get3A_10] : memref<10000x1xf32, #tpu.memory_space<vmem>>, vector<10000x1xf32>
    %max3A = arith.constant 1.000000e+00 : f32
    %max3A_12 = vector.broadcast %max3A : f32 to vector<10000x1xf32>
    %max3A_13 = arith.maximumf %get3A_11, %max3A_12 : vector<10000x1xf32>
    %rsqrt3A = math.rsqrt %max3A_13 : vector<10000x1xf32>
    %mul3A = vector.broadcast %rsqrt3A : vector<10000x1xf32> to vector<10000x128xf32>
    %mul3A_14 = arith.mulf %slice3A, %mul3A : vector<10000x128xf32>
    %get3A_15 = arith.constant 0 : index
    %get3A_16 = arith.constant 0 : index
    %get3A_17 = vector.load %arg2[%get3A_15, %get3A_16] : memref<1x128xf32, #tpu.memory_space<vmem>>, vector<1x128xf32>
    %add3A_18 = vector.broadcast %get3A_17 : vector<1x128xf32> to vector<10000x128xf32>
    %add3A_19 = arith.addf %mul3A_14, %add3A_18 : vector<10000x128xf32>
    %max3A_20 = arith.constant 0.000000e+00 : f32
    %max3A_21 = vector.broadcast %max3A_20 : f32 to vector<10000x128xf32>
    %max3A_22 = arith.maximumf %add3A_19, %max3A_21 : vector<10000x128xf32>
    %swap3A = arith.constant 0 : index
    %swap3A_23 = arith.constant 0 : index
    %swap3A_24 = vector.load %arg3[%swap3A, %swap3A_23] : memref<10000x128xf32, #tpu.memory_space<vmem>>, vector<10000x128xf32>
    tpu.vector_store %arg3[%swap3A, %swap3A_23], %max3A_22 {strides = array<i32>} : memref<10000x128xf32, #tpu.memory_space<vmem>>, vector<10000x128xf32>,
    return
  }
}

</mosaic_0001>

<sc_bundles>
// kernel: kernel.12.cloned.1.call-start
scs
__scs_entry_jumppad:
0x0: {  	(pc) =	sbr.rel $0x88, $3  }
0x1: {  	(tag) =	ssettag $0x0;
	lr =	simm.s32 $0x1  }
0x2: {  	[smem:$0x3F9B] =	sst lr;
	_ =	strace $0xD0000000  }
0x3: {  	_ = 	snop  }
0x4: {  	_ = 	snop  }
0x5: {  	_ = 	snop  }
0x6: {  	_ = 	snop  }
0x7: {  	_ = 	snop  }
__scs_overlays_trampoline_lowered:
0x8: {  	[smem:$0x3FAA] =	sst s0  }
0x9: {  	[smem:$0x3FAB] =	sst s1  }
0xa: {  	[smem:$0x3FAC] =	sst s2  }
0xb: {  	[smem:$0x3FAD] =	sst s3  }
0xc: {  	[smem:$0x3FAE] =	sst s4  }
0xd: {  	[smem:$0x3FAF] =	sst s5  }
0xe: {  	[smem:$0x3FB0] =	sst s6  }
0xf: {  	[smem:$0x3FB1] =	sst s7  }
0x10: {  	[smem:$0x3FB2] =	sst s8  }
0x11: {  	[smem:$0x3FB3] =	sst s9;
	s0 =	simm.s32 @!p0 $0x0  }
0x12: {  	s1 =	sld [smem:$0x3F99];
	s0 =	simm.s32 @p0 $0x1  }
0x13: {  	[smem:$0x3FB4] =	sst s0;
	s0 =	simm.s32 @!p1 $0x0  }
0x14: {  	s2 =	sld [smem:$0x3F98];
	s0 =	simm.s32 @p1 $0x1  }
0x15: {  	[smem:$0x3FB5] =	sst s0;
	s0 =	simm.s32 @!p2 $0x0  }
0x16: {  	s3 =	sld [smem:$0x3FDB];
	s0 =	simm.s32 @p2 $0x1  }
0x17: {  	s4 =	simm.s32 $0x1BF5;
	[smem:$0x3FB7] =	sst s0  }
0x18: {  	s0 =	sld [smem:$0x3F9A];
	_ =	swait.ge [sflag:s4], $0x0  }
0x19: {  	s7 =	sld [smem:$0x3F9B]  }
0x1a: {  	s8 =	sadd.s32 $0xFFFFE003, lr  }
0x1b: {  	s9 =	sadd.s32 $0xFFFFFEF7, lr;
	s5 =	simm.s32 $0xFFFFFFFF;
	p2 =	slt.u32 s8, $0xFFFFF086  }
0x1c: {  	p1 =	slt.u32 s9, $0xF7A;
	s5 =	simm.s32 @!p2 $0x0  }
0x1d: {  	s5 =	simm.s32 @p1 $0x1;
	p0 =	seq.s32 s7, s2  }
0x1e: {  	s7 =	smul.u32 @!p0 $0xF7A, s2;
	p2 =	seq.s32 @!p0 s5, $0x0  }
0x1f: {  	s9 =	smul.u32 $0xF7A, s1;
	s8 =	simm.s32 @!p0 $0x1BF5;
	p2 =	por !p2, p0  }
0x20: {  	[sflag:s8] =	ssyncset.s32 @!p0 $0xFFFFF086;
	s6 =	sadd.s32 @!p0 s3, s7;
	s7 =	simm.s32 @!p0 $0x108  }
0x21: {  	s3 =	sadd.s32 s3, s9;
	s6 =	sadd.s32 @!p0 $0x88, s6;
	s7 =	simm.s32 @p2 $0x1082  }
0x22: {  	[simem:s7], [sflag:s8] =	dma.local @!p0 [hbm:s6], $0xF7A  }
0x23: {  	s9 =	sor.u32 $0xD0000000, s2;
	s6 =	simm.s32 $0x108;
	_ =	swait.ge @!p0 [sflag:s8], $0x0  }
0x24: {  	s3 =	sadd.s32 $0x88, s3;
	s6 =	simm.s32 @!p1 $0x1082;
	[sflag:s4] =	ssyncset.s32 $0xFFFFF086  }
0x25: {  	[simem:s6], [sflag:s4] =	dma.local [hbm:s3], $0xF7A  }
0x26: {  	[smem:$0x3F9B] =	sst s1;
	(tag) =	ssettag s2;
	_ =	strace s9  }
0x27: {  	s1 =	sld [smem:$0x3FAB]  }
0x28: {  	s2 =	sld [smem:$0x3FAC]  }
0x29: {  	s4 =	sld [smem:$0x3FAE]  }
0x2a: {  	p0 =	seq.s32 s5, $0x0;
	s5 =	sld [smem:$0x3FAF]  }
0x2b: {  	s6 =	sld [smem:$0x3FB0]  }
0x2c: {  	s7 =	sld [smem:$0x3FB1]  }
0x2d: {  	s3 =	simm.s32 $0x108;
	s8 =	sld [smem:$0x3FB2]  }
0x2e: {  	s3 =	simm.s32 @!p0 $0x1082;
	s9 =	sld [smem:$0x3FB3]  }
0x2f: {  	lr =	sadd.s32 s0, s3;
	s0 =	sld [smem:$0x3FAA]  }
0x30: {  	s3 =	sld [smem:$0x3FAD]  }
0x31: {  	[smem:$0x3FB6] =	sst s10  }
0x32: {  	s10 =	sld [smem:$0x3FB4];
	_ =	sdelay $0x3  }
0x33: {  	p0 =	seq.s32 s10, $0x1;
	s10 =	sld [smem:$0x3FB6];
	_ =	sdelay $0x3  }
0x34: {  	[smem:$0x3FB6] =	sst s10  }
0x35: {  	s10 =	sld [smem:$0x3FB5];
	_ =	sdelay $0x3  }
0x36: {  	p1 =	seq.s32 s10, $0x1;
	s10 =	sld [smem:$0x3FB6];
	_ =	sdelay $0x3  }
0x37: {  	[smem:$0x3FB6] =	sst s10  }
0x38: {  	s10 =	sld [smem:$0x3FB7]  }
0x39: {  	_ = 	snop;
	(pc) =	sbr.ind lr, $3  }
0x3a: {  	_ = 	snop  }
0x3b: {  	_ = 	snop  }
0x3c: {  	p2 =	seq.s32 s10, $0x1;
	s10 =	sld [smem:$0x3FB6]  }
0x3d: {  	_ =	shalt  }
0x3e: {  	_ =	shalt  }
0x3f: {  	_ =	shalt  }
0x40: {  	_ =	shalt  }
0x41: {  	_ =	shalt  }
0x42: {  	_ =	shalt  }
0x43: {  	_ =	shalt  }
0x44: {  	_ =	shalt  }
0x45: {  	_ =	shalt  }
0x46: {  	_ =	shalt  }
0x47: {  	_ =	shalt  }
0x48: {  	_ =	shalt  }
0x49: {  	_ =	shalt  }
0x4a: {  	_ =	shalt  }
0x4b: {  	_ =	shalt  }
0x4c: {  	_ =	shalt  }
0x4d: {  	_ =	shalt  }
0x4e: {  	_ =	shalt  }
0x4f: {  	_ =	shalt  }
0x50: {  	_ =	shalt  }
0x51: {  	_ =	shalt  }
0x52: {  	_ =	shalt  }
0x53: {  	_ =	shalt  }
0x54: {  	_ =	shalt  }
0x55: {  	_ =	shalt  }
0x56: {  	_ =	shalt  }
0x57: {  	_ =	shalt  }
0x58: {  	_ =	shalt  }
0x59: {  	_ =	shalt  }
0x5a: {  	_ =	shalt  }
0x5b: {  	_ =	shalt  }
0x5c: {  	_ =	shalt  }
0x5d: {  	_ =	shalt  }
0x5e: {  	_ =	shalt  }
0x5f: {  	_ =	shalt  }
0x60: {  	_ =	shalt  }
0x61: {  	_ =	shalt  }
0x62: {  	_ =	shalt  }
0x63: {  	_ =	shalt  }
0x64: {  	_ =	shalt  }
0x65: {  	_ =	shalt  }
0x66: {  	_ =	shalt  }
0x67: {  	_ =	shalt  }
0x68: {  	_ =	shalt  }
0x69: {  	_ =	shalt  }
0x6a: {  	_ =	shalt  }
0x6b: {  	_ =	shalt  }
0x6c: {  	_ =	shalt  }
0x6d: {  	_ =	shalt  }
0x6e: {  	_ =	shalt  }
0x6f: {  	_ =	shalt  }
0x70: {  	_ =	shalt  }
0x71: {  	_ =	shalt  }
0x72: {  	_ =	shalt  }
0x73: {  	_ =	shalt  }
0x74: {  	_ =	shalt  }
0x75: {  	_ =	shalt  }
0x76: {  	_ =	shalt  }
0x77: {  	_ =	shalt  }
0x78: {  	_ =	shalt  }
0x79: {  	_ =	shalt  }
0x7a: {  	_ =	shalt  }
0x7b: {  	_ =	shalt  }
0x7c: {  	_ =	shalt  }
0x7d: {  	_ =	shalt  }
0x7e: {  	_ =	shalt  }
0x7f: {  	_ =	shalt  }
0x80: {  	_ =	shalt  }
0x81: {  	_ =	shalt  }
0x82: {  	_ =	shalt  }
0x83: {  	_ =	shalt  }
0x84: {  	_ =	shalt  }
0x85: {  	_ =	shalt  }
0x86: {  	_ =	shalt  }
0x87: {  	_ =	shalt  }
.Lfunc_end0:
.L_simem_size_0:
called_computation.1_lowered:
.L_overlay_start_0:
0x88: {  	s2 =	sld [smem:$0x3FD9]  }
0x89: {  	s3 =	sld [smem:$0x3FFE];
	_ =	sdelay $0x1  }
0x8a: {  	s1 =	srdreg.scid  }
0x8b: {  	s0 =	sand.u32 $0x1, s1  }
0x8c: {  	s17 =	sshll.u32 s0, $0xA;
	s2 =	sadd.s32 s3, s2  }
0x8d: {  	s2 =	sadd.s32 s2, s17  }
0x8e: {  	[smem:$0x3FC2] =	sst s2  }
0x8f: {  	_ = 	snop  }
0x90: {  	s2 =	sld [smem:$0x3FD0];
	(tm) =	ssettm $0x1  }
0x91: {  	s18 =	sld [smem:$0x3FFB];
	_ =	sdelay $0x3  }
0x92: {  	_ =	strace s18  }
0x93: {  	s3 =	sld [smem:$0x3FFC];
	_ =	sdelay $0x3  }
0x94: {  	_ =	strace s3  }
0x95: {  	s3 =	sld [smem:$0x3FFD];
	_ =	sdelay $0x3  }
0x96: {  	_ =	strace s3  }
0x97: {  	_ =	strace $0x8FFFFFFF  }
0x98: {  	s19 =	sld [smem:$0x3FDB];
	_ =	sdelay $0x1  }
0x99: {  	s4 =	simm.s32 $_scs_section_size  }
0x9a: {  	s5 =	simm.s32 $_size__tile_overlayer_lowered;
	s6 =	simm.s32 $_tile_overlayer_lowered  }
0x9b: {  	s22 =	simm.s32 $0x1BFF;
	s21 =	sshll.u32 s6, $0x1;
	s3 =	sadd.s32 s4, s19  }
0x9c: {  	s7 =	simm.s32 $0x0;
	s20 =	sshll.u32 s5, $0x1;
	s5 =	sadd.s32 s21, s3  }
0x9d: {  	[timem:s7], [sflag:s22] =	dma.local [hbm:s5], s20  }
0x9e: {  	_ =	swait.ge [sflag:s22], s20  }
0x9f: {  	s4 =	ssub.s32 $0x0, s20;
	[sflag:s22] =	ssyncset.done $0x0  }
0xa0: {  	[sflag:s22] =	ssyncadd.s32 s4;
	_ =	sdelay $0x1  }
0xa1: {  	s23 =	simm.s32 $0x1B8B  }
0xa2: {  	_ =	swait.ge [sflag:s23], $0x1  }
0xa3: {  	[sflag:s23] =	ssyncset.done $0x0  }
0xa4: {  	s25 =	simm.s32 $0x1B8E;
	s24 =	sld [smem:$0x3FFE];
	[sflag:s23] =	ssyncadd.s32 $0xFFFFFFFF  }
0xa5: {  	s26 =	simm.s32 $execute0_lowered;
	[smem:$0x3FD2] =	sst s25  }
0xa6: {  	s5 =	sshll.u32 s26, $0x1;
	_ =	strace $0x80000049;
	[dreg:$0x1] =	wrdreg $0xFFFFFFFF  }
0xa7: {  	s28 =	simm.s32 $_size_execute0_lowered;
	s3 =	sadd.s32 s3, s5;
	[dreg:$0x0] =	wrdreg $0x0  }
0xa8: {  	s5 =	sshll.u32 s28, $0x1;
	[dreg:$0x2] =	wrdreg s3  }
0xa9: {  	[dreg:$0x3] =	wrdreg s5  }
0xaa: {  	[dreg:$0x4] =	wrdreg $0xC0  }
0xab: {  	_ =	task [dreg:s7], $0x5FFFF  }
0xac: {  	[dreg:$0x1] =	wrdreg $0xFFFFFFFF  }
0xad: {  	[dreg:$0x0] =	wrdreg $0x60  }
0xae: {  	[dreg:$0x2] =	wrdreg s24  }
0xaf: {  	[dreg:$0x3] =	wrdreg s2  }
0xb0: {  	[dreg:$0x4] =	wrdreg $0xB7000  }
0xb1: {  	[dreg:$0x5] =	wrdreg $0x9  }
0xb2: {  	_ =	task.clear_ibuf [dreg:s7], $0x6FFFF;
	_ =	strace $0x90000049  }
0xb3: {  	s29 =	simm.s32 $0x9;
	_ =	strace $0x8000004B  }
0xb4: {  	_ =	swait.ge [sflag:s29], $0x1  }
0xb5: {  	[sflag:s29] =	ssyncadd.s32 $0xFFFFFFFF  }
0xb6: {  	_ =	strace $0x9000004B  }
0xb7: {  	_ =	sfence  }
0xb8: {  	s30 =	sld [smem:$0x0];
	_ =	sdelay $0x2  }
0xb9: {  	s31 =	sshll.u32 s1, $0xD;
	s1 =	sshrl.u32 s1, $0x2  }
0xba: {  	s3 =	sand.u32 $0x4000, s31;
	s1 =	sadd.s32 s1, s30  }
0xbb: {  	s0 =	sor.u32 s3, s0;
	s1 =	sshll.u32 s1, $0x11  }
0xbc: {  	s0 =	sor.u32 s1, s0  }
0xbd: {  	s0 =	sadd.s32 $0x8F2B, s0  }
0xbe: {  	[sflag:s0] =	ssyncadd.remote.s32 $0x1  }
0xbf: {  	_ =	sfence.sel $0xFFFF  }
0xc0: {  	[dreg:$0x0] =	wrdreg $0xFFFFFFFF;
	(pc) =	sbr.abs _section_cstart, $3  }
0xc1: {  	[dreg:$0x1] =	wrdreg $0xFFFFFFFF  }
0xc2: {  	_ =	task.clear_ibuf [dreg:s7], $0x2FFFF;
	_ =	strace $0x9FFFFFFF  }
0xc3: {  	(tm) =	ssettm $0x7FFFFFFF  }
tec
execute0_lowered:
.L_overlay_start_1:
0x0: {  	(tag) =	ssettag $0x1  }
0x1: {  	s0 =	rddreg [dreg:$0x0]  }
0x2: {  	s2 =	rddreg [dreg:$0x1]  }
0x3: {  	s1 =	rddreg [dreg:$0x2]  }
0x4: {  	s3 =	srdreg.scid;
	s12 =	stileid.u32  }
0x5: {  	s28 =	simm.s32 $0x8;
	s29 =	simm.s32 $0x3F00;
	s6 =	smul.u32 $0x14000, s12  }
0x6: {  	s30 =	simm.s32 $0x1;
	s31 =	simm.s32 $0xA;
	s11 =	smul.u32 $0x50000, s12  }
0x7: {  	s5 =	sand.u32 $0x1, s3;
	s3 =	simm.s32 $0x0;
	s20 =	smul.u32 $0x1E, s12  }
0x8: {  	s7 =	sshll.u32 s12, $0x1;
	s4 =	smul.u32 $0x140000, s5;
	[smem:$0x7FF] =	sst s3  }
0x9: {  	s7 =	sor.u32 s5, s7;
	s15 =	ssub.s32 $0x2, s5;
	s5 =	smul.u32 $0xF, s5  }
0xa: {  	s8 =	sadd.s32 $0x2000, s0;
	_ =	strace $0x8000004A;
	s9 =	smul.u32 $0x78, s7  }
0xb: {  	s7 =	smul.u32 $0xF, s7;
	s10 =	sshrl.u32 s15, $0x1;
	s6 =	sadd.s32 s6, s4  }
0xc: {  	s11 =	sshrl.u32 s11, $0x2;
	s4 =	sadd.s32 $0xC600, s0;
	s6 =	sshrl.u32 s6, $0x3  }
0xd: {  	s9 =	sshrl.u32 s9, $0x3;
	s16 =	sadd.s32 s8, s7;
	s7 =	sadd.s32 s2, s7  }
0xe: {  	s0 =	sadd.s32 s6, s0;
	s6 =	ssub.s32 s15, s10;
	[dreg:$0x6] =	wrdreg s16  }
0xf: {  	s17 =	sadd.s32 $0x1E0, s9;
	s9 =	sadd.s32 s8, s9;
	[dreg:$0x9] =	wrdreg s7  }
0x10: {  	s7 =	simm.s32 $0x4;
	s10 =	simm.s32 $0xC;
	s13 =	sadd.s32 s8, s17  }
0x11: {  	s9 =	sadd.s32 $0x3C0, s9;
	s18 =	sadd.s32 s2, s17;
	[dreg:$0x7] =	wrdreg s13  }
0x12: {  	s8 =	sadd.s32 s20, s8;
	s0 =	sadd.s32 $0x34600, s0;
	[dreg:$0x8] =	wrdreg s9  }
0x13: {  	s2 =	sadd.s32 s20, s2;
	s6 =	smax.u32 s6, $0x1;
	[dreg:$0xa] =	wrdreg s18  }
0x14: {  	s20 =	simm.s32 $0x180;
	s9 =	sadd.s32 s11, s1;
	[dreg:$0x10] =	wrdreg s0  }
0x15: {  	s25 =	sadd.s32 s5, s8;
	[dreg:$0x11] =	wrdreg s6;
	s26 =	sadd.s32 s5, s2  }
0x16: {  	s18 =	simm.s32 $0x80;
	s0 =	simm.s32 $0x280;
	s2 =	simm.s32 $0x9  }
0x17: {  	s5 =	simm.s32 $0x2;
	s6 =	simm.s32 $0xB;
	[dreg:$0x4] =	wrdreg s25  }
0x18: {  	s8 =	simm.s32 $0x3;
	s19 =	sadd.s32 $0x3C00, s9;
	[dreg:$0x5] =	wrdreg s26  }
0x19: {  	s11 =	simm.s32 $0x5;
	s21 =	sadd.s32 $0x7800, s9;
	[dreg:$0xb] =	wrdreg s19  }
0x1a: {  	s13 =	simm.s32 $0x0;
	s22 =	sadd.s32 $0xB400, s9;
	[dreg:$0xc] =	wrdreg s21  }
0x1b: {  	s23 =	sadd.s32 $0xF000, s9;
	s24 =	sadd.s32 $0x12C00, s9;
	[dreg:$0xd] =	wrdreg s22  }
0x1c: {  	s25 =	simm.s32 $0x78;
	s26 =	simm.s32 $0x300;
	[dreg:$0xe] =	wrdreg s23  }
0x1d: {  	[dreg:$0xf] =	wrdreg s24;
	s19 =	simm.s32 $0x100;
	s21 =	simm.s32 $0x200  }
0x1e: {  	v0 =	vimm.f32 $0.0e+00;
	s22 =	simm.s32 $0x7B00;
	s23 =	simm.s32 $0xD;
	s24 =	simm.s32 $0x7  }
.LBB2_1:
0x1f: {  	s12 =	rddreg [dreg:$0x6]  }
0x20: {  	[tilespmem:s3], [sflag:$0x7] =	stream.linear.gather [hbm4b:s12+s3], $0x78, $0x38;
	[tilespmem:$0x1F700] =	vst v63  }
0x21: {  	s14 =	rddreg [dreg:$0x7]  }
0x22: {  	[tilespmem:s18], [sflag:$0x8] =	stream.linear.gather [hbm4b:s14+s3], $0x78, $0x38;
	[tilespmem:$0x1F700] =	vst v63  }
0x23: {  	s15 =	rddreg [dreg:$0x8]  }
0x24: {  	[tilespmem:s19], [sflag:$0x9] =	stream.linear.gather [hbm4b:s15+s3], $0x78, $0x38;
	[tilespmem:$0x1F700] =	vst v63  }
0x25: {  	s16 =	rddreg [dreg:$0x9]  }
0x26: {  	[tilespmem:s20], [sflag:$0xA] =	stream.linear.gather [hbm4b:s16+s3], $0x78, $0x38;
	[tilespmem:$0x1F700] =	vst v63  }
0x27: {  	s17 =	rddreg [dreg:$0xa];
	s14 =	simm.s32 $0x0;
	s15 =	simm.s32 $0x200  }
0x28: {  	[tilespmem:s21], [sflag:$0xB] =	stream.linear.gather [hbm4b:s17+s3], $0x78, $0x38;
	[tilespmem:$0x1F700] =	vst v63  }
.LBB2_2:
0x29: {  	p0 =	sne.s32 s15, $0xEE00;
	[tilespmem:s14+$0x7B70] =	vst v0  }
0x2a: {  	[tilespmem:s14+$0x7B00] =	vst v0  }
0x2b: {  	[tilespmem:s14+$0x7B10] =	vst v0  }
.Ltmp0:
0x2c: {  	[tilespmem:s14+$0x7B20] =	vst v0;
	(pc) =	sbr.rel @p0 .LBB2_2-.Ltmp0, $4  }
0x2d: {  	[tilespmem:s14+$0x7B30] =	vst v0  }
0x2e: {  	[tilespmem:s14+$0x7B40] =	vst v0  }
0x2f: {  	[tilespmem:s14+$0x7B50] =	vst v0  }
0x30: {  	[tilespmem:s14+$0x7B60] =	vst v0;
	s14 =	sshra.s32 s15, $0x2;
	s15 =	sadd.s32 $0x200, s15  }
0x31: {  	[tilespmem:s14+$0x7B70] =	vst v0  }
0x32: {  	[tilespmem:s14+$0x7B00] =	vst v0  }
0x33: {  	[tilespmem:s14+$0x7B10] =	vst v0  }
0x34: {  	[tilespmem:s14+$0x7B20] =	vst v0  }
0x35: {  	[tilespmem:s14+$0x7B30] =	vst v0  }
0x36: {  	[tilespmem:s14+$0x7B40] =	vst v0  }
0x37: {  	[tilespmem:s14+$0x7B50] =	vst v0  }
0x38: {  	[tilespmem:s14+$0x7B60] =	vst v0  }
0x39: {  	[spmem:s9] =	stream.linear.scatter [tilespmem:s22], [sflag:$0xD], $0x3C00, $0x38;
	[tilespmem:$0x1F700] =	vst v63  }
0x3a: {  	_ =	swait.ge [sflag:s23], $0x3C00  }
0x3b: {  	[sflag:s23] =	ssyncset.done $0x0  }
0x3c: {  	s12 =	rddreg [dreg:$0xb];
	[sflag:s23] =	ssyncadd.s32 $0xFFFFC400  }
0x3d: {  	[spmem:s12] =	stream.linear.scatter [tilespmem:s22], [sflag:$0xD], $0x3C00, $0x38;
	[tilespmem:$0x1F700] =	vst v63  }
0x3e: {  	_ =	swait.ge [sflag:s23], $0x3C00  }
0x3f: {  	[sflag:s23] =	ssyncset.done $0x0  }
0x40: {  	s15 =	rddreg [dreg:$0xc];
	[sflag:s23] =	ssyncadd.s32 $0xFFFFC400  }
0x41: {  	[spmem:s15] =	stream.linear.scatter [tilespmem:s22], [sflag:$0xD], $0x3C00, $0x38;
	[tilespmem:$0x1F700] =	vst v63  }
0x42: {  	_ =	swait.ge [sflag:s23], $0x3C00  }
0x43: {  	[sflag:s23] =	ssyncset.done $0x0  }
0x44: {  	s16 =	rddreg [dreg:$0xd];
	[sflag:s23] =	ssyncadd.s32 $0xFFFFC400  }
0x45: {  	[spmem:s16] =	stream.linear.scatter [tilespmem:s22], [sflag:$0xD], $0x3C00, $0x38;
	[tilespmem:$0x1F700] =	vst v63  }
0x46: {  	_ =	swait.ge [sflag:s23], $0x3C00  }
0x47: {  	[sflag:s23] =	ssyncset.done $0x0  }
0x48: {  	s17 =	rddreg [dreg:$0xe];
	[sflag:s23] =	ssyncadd.s32 $0xFFFFC400  }
0x49: {  	[spmem:s17] =	stream.linear.scatter [tilespmem:s22], [sflag:$0xD], $0x3C00, $0x38;
	[tilespmem:$0x1F700] =	vst v63  }
0x4a: {  	_ =	swait.ge [sflag:s23], $0x3C00  }
0x4b: {  	[sflag:s23] =	ssyncset.done $0x0  }
0x4c: {  	s14 =	rddreg [dreg:$0xf];
	[sflag:s23] =	ssyncadd.s32 $0xFFFFC400  }
0x4d: {  	[spmem:s14] =	stream.linear.scatter [tilespmem:s22], [sflag:$0xD], $0x1400, $0x38;
	[tilespmem:$0x1F700] =	vst v63  }
0x4e: {  	_ =	swait.ge [sflag:s23], $0x1400  }
0x4f: {  	[sflag:s23] =	ssyncset.done $0x0  }
0x50: {  	[sflag:s23] =	ssyncadd.s32 $0xFFFFEC00  }
0x51: {  	_ =	swait.ge [sflag:s24], $0x78  }
0x52: {  	[sflag:s24] =	ssyncset.done $0x0  }
0x53: {  	s15 =	simm.s32 $0x0;
	[sflag:s24] =	ssyncadd.s32 $0xFFFFFF88  }
0x54: {  	[tilespmem:s26], [sflag:$0x1] =	stream.indirect.gather [hbm4b:s4+s25], $0x80, s15, s25, $0xb8;
	[tilespmem:$0x1F700] =	vst v63  }
0x55: {  	_ =	swait.ge [sflag:s28], $0x78  }
0x56: {  	[sflag:s28] =	ssyncset.done $0x0  }
0x57: {  	[sflag:s28] =	ssyncadd.s32 $0xFFFFFF88  }
0x58: {  	[tilespmem:s29], [sflag:$0x2] =	stream.indirect.gather [hbm4b:s4+s25], $0x80, s18, s25, $0xb8;
	[tilespmem:$0x1F700] =	vst v63  }
0x59: {  	[bflag:$0x0] =	sbarrier.arrive $0xFFFF  }
0x5a: {  	_ =	swait.ge [sflag:s30], $0x3C00  }
0x5b: {  	[sflag:s30] =	ssyncset.done $0x0  }
0x5c: {  	[sflag:s30] =	ssyncadd.s32 $0xFFFFC400  }
0x5d: {  	_ =	swait.ge [sflag:s31], $0x78  }
0x5e: {  	[sflag:s31] =	ssyncset.done $0x0;
	s16 =	rddreg [dreg:$0x4]  }
0x5f: {  	p0 =	por $0x1, $0x1;
	[sflag:s31] =	ssyncadd.s32 $0xFFFFFF88;
	s14 =	sadd.s32 $0x0, s16  }
0x60: {  	[spmem:s1] =	stream.indirect.scatter.add.f32 [tilespmem:s26], [sflag:$0x4], $0x80, s20, s25, $0xb8;
	[tilespmem:$0x1F700] =	vst v63  }
0x61: {  	s16 =	simm.s32 @!p0 $0x6;
	s15 =	sadd.s32 $0x5A0, s14  }
0x62: {  	[tilespmem:s3], [sflag:$0x7] =	stream.linear.gather [hbm4b:s15+s3], $0x78, $0x38;
	[tilespmem:$0x1F700] =	vst v63  }
0x63: {  	_ =	swait.ge @!p0 [sflag:s16], $0x3C00  }
0x64: {  	s17 =	rddreg [dreg:$0x5]  }
0x65: {  	[sflag:s16] =	ssyncset.done @!p0 $0x0;
	s15 =	sadd.s32 $0x0, s17  }
0x66: {  	[sflag:s16] =	ssyncadd.s32 @!p0 $0xFFFFC400;
	s12 =	sadd.s32 $0x3C0, s15  }
0x67: {  	[tilespmem:s0], [sflag:$0xC] =	stream.linear.gather [hbm4b:s12+s3], $0x78, $0x38;
	[tilespmem:$0x1F700] =	vst v63  }
0x68: {  	_ =	swait.ge [sflag:s2], $0x78  }
0x69: {  	[sflag:s2] =	ssyncset.done $0x0  }
0x6a: {  	[sflag:s2] =	ssyncadd.s32 $0xFFFFFF88  }
0x6b: {  	[tilespmem:s22], [sflag:$0x3] =	stream.indirect.gather [hbm4b:s4+s25], $0x80, s19, s25, $0xb8;
	[tilespmem:$0x1F700] =	vst v63  }
0x6c: {  	_ =	swait.ge [sflag:s5], $0x3C00  }
0x6d: {  	[sflag:s5] =	ssyncset.done $0x0  }
0x6e: {  	[sflag:s5] =	ssyncadd.s32 $0xFFFFC400  }
0x6f: {  	_ =	swait.ge [sflag:s6], $0x78  }
0x70: {  	[sflag:s6] =	ssyncset.done $0x0  }
0x71: {  	[sflag:s6] =	ssyncadd.s32 $0xFFFFFF88  }
0x72: {  	[spmem:s1] =	stream.indirect.scatter.add.f32 [tilespmem:s29], [sflag:$0x5], $0x80, s21, s25, $0xb8;
	[tilespmem:$0x1F700] =	vst v63  }
0x73: {  	s17 =	sadd.s32 $0x780, s14  }
0x74: {  	[tilespmem:s18], [sflag:$0x8] =	stream.linear.gather [hbm4b:s17+s3], $0x78, $0x38;
	[tilespmem:$0x1F700] =	vst v63  }
0x75: {  	_ =	swait.ge [sflag:s7], $0x3C00  }
0x76: {  	[sflag:s7] =	ssyncset.done $0x0  }
0x77: {  	s12 =	sadd.s32 $0x5A0, s15;
	[sflag:s7] =	ssyncadd.s32 $0xFFFFC400  }
0x78: {  	[tilespmem:s20], [sflag:$0xA] =	stream.linear.gather [hbm4b:s12+s3], $0x78, $0x38;
	[tilespmem:$0x1F700] =	vst v63  }
0x79: {  	_ =	swait.ge [sflag:s24], $0x78  }
0x7a: {  	[sflag:s24] =	ssyncset.done $0x0  }
0x7b: {  	[sflag:s24] =	ssyncadd.s32 $0xFFFFFF88  }
0x7c: {  	[tilespmem:s26], [sflag:$0x1] =	stream.indirect.gather [hbm4b:s4+s25], $0x80, s3, s25, $0xb8;
	[tilespmem:$0x1F700] =	vst v63  }
0x7d: {  	_ =	swait.ge [sflag:s8], $0x3C00  }
0x7e: {  	[sflag:s8] =	ssyncset.done $0x0  }
0x7f: {  	[sflag:s8] =	ssyncadd.s32 $0xFFFFC400  }
0x80: {  	_ =	swait.ge [sflag:s10], $0x78  }
0x81: {  	[sflag:s10] =	ssyncset.done $0x0  }
0x82: {  	[sflag:s10] =	ssyncadd.s32 $0xFFFFFF88  }
0x83: {  	[spmem:s1] =	stream.indirect.scatter.add.f32 [tilespmem:s22], [sflag:$0x6], $0x80, s0, s25, $0xb8;
	[tilespmem:$0x1F700] =	vst v63  }
0x84: {  	s14 =	sadd.s32 $0x960, s14  }
0x85: {  	[tilespmem:s19], [sflag:$0x9] =	stream.linear.gather [hbm4b:s14+s3], $0x78, $0x38;
	[tilespmem:$0x1F700] =	vst v63  }
0x86: {  	_ =	swait.ge [sflag:s11], $0x3C00  }
0x87: {  	[sflag:s11] =	ssyncset.done $0x0  }
0x88: {  	s17 =	sadd.s32 $0x780, s15;
	[sflag:s11] =	ssyncadd.s32 $0xFFFFC400  }
0x89: {  	[tilespmem:s21], [sflag:$0xB] =	stream.linear.gather [hbm4b:s17+s3], $0x78, $0x38;
	[tilespmem:$0x1F700] =	vst v63  }
0x8a: {  	_ =	swait.ge [sflag:s28], $0x78  }
0x8b: {  	s14 =	simm.s32 $0x5A0;
	[sflag:s28] =	ssyncset.done $0x0  }
.LBB2_4:
0x8c: {  	[sflag:s28] =	ssyncadd.s32 $0xFFFFFF88  }
0x8d: {  	[tilespmem:s29], [sflag:$0x2] =	stream.indirect.gather [hbm4b:s4+s25], $0x80, s18, s25, $0xb8;
	[tilespmem:$0x1F700] =	vst v63  }
0x8e: {  	_ =	swait.ge [sflag:s30], $0x3C00  }
0x8f: {  	[sflag:s30] =	ssyncset.done $0x0  }
0x90: {  	[sflag:s30] =	ssyncadd.s32 $0xFFFFC400  }
0x91: {  	_ =	swait.ge [sflag:s31], $0x78  }
0x92: {  	s16 =	smov.u32 s14;
	[sflag:s31] =	ssyncset.done $0x0;
	s15 =	rddreg [dreg:$0x4]  }
0x93: {  	p1 =	seq.s32 s16, $0x0;
	[sflag:s31] =	ssyncadd.s32 $0xFFFFFF88;
	s15 =	sadd.s32 s16, s15  }
0x94: {  	[spmem:s1] =	stream.indirect.scatter.add.f32 [tilespmem:s26], [sflag:$0x4], $0x80, s20, s25, $0xb8;
	[tilespmem:$0x1F700] =	vst v63  }
0x95: {  	s12 =	simm.s32 @!p1 $0x6;
	s17 =	sadd.s32 $0x5A0, s15  }
0x96: {  	[tilespmem:s3], [sflag:$0x7] =	stream.linear.gather [hbm4b:s17+s3], $0x78, $0x38;
	[tilespmem:$0x1F700] =	vst v63  }
0x97: {  	_ =	swait.ge @!p1 [sflag:s12], $0x3C00  }
0x98: {  	s17 =	rddreg [dreg:$0x5]  }
0x99: {  	[sflag:s12] =	ssyncset.done @!p1 $0x0;
	s16 =	sadd.s32 s16, s17  }
0x9a: {  	[sflag:s12] =	ssyncadd.s32 @!p1 $0xFFFFC400;
	s17 =	sadd.s32 $0x3C0, s16  }
0x9b: {  	[tilespmem:s0], [sflag:$0xC] =	stream.linear.gather [hbm4b:s17+s3], $0x78, $0x38;
	[tilespmem:$0x1F700] =	vst v63  }
0x9c: {  	_ =	swait.ge [sflag:s2], $0x78  }
0x9d: {  	[sflag:s2] =	ssyncset.done $0x0  }
0x9e: {  	[sflag:s2] =	ssyncadd.s32 $0xFFFFFF88  }
0x9f: {  	[tilespmem:s22], [sflag:$0x3] =	stream.indirect.gather [hbm4b:s4+s25], $0x80, s19, s25, $0xb8;
	[tilespmem:$0x1F700] =	vst v63  }
0xa0: {  	_ =	swait.ge [sflag:s5], $0x3C00  }
0xa1: {  	[sflag:s5] =	ssyncset.done $0x0  }
0xa2: {  	[sflag:s5] =	ssyncadd.s32 $0xFFFFC400  }
0xa3: {  	_ =	swait.ge [sflag:s6], $0x78  }
0xa4: {  	[sflag:s6] =	ssyncset.done $0x0  }
0xa5: {  	[sflag:s6] =	ssyncadd.s32 $0xFFFFFF88  }
0xa6: {  	[spmem:s1] =	stream.indirect.scatter.add.f32 [tilespmem:s29], [sflag:$0x5], $0x80, s21, s25, $0xb8;
	[tilespmem:$0x1F700] =	vst v63  }
0xa7: {  	s17 =	sadd.s32 $0x780, s15  }
0xa8: {  	[tilespmem:s18], [sflag:$0x8] =	stream.linear.gather [hbm4b:s17+s3], $0x78, $0x38;
	[tilespmem:$0x1F700] =	vst v63  }
0xa9: {  	_ =	swait.ge [sflag:s7], $0x3C00  }
0xaa: {  	[sflag:s7] =	ssyncset.done $0x0  }
0xab: {  	s17 =	sadd.s32 $0x5A0, s16;
	[sflag:s7] =	ssyncadd.s32 $0xFFFFC400  }
0xac: {  	[tilespmem:s20], [sflag:$0xA] =	stream.linear.gather [hbm4b:s17+s3], $0x78, $0x38;
	[tilespmem:$0x1F700] =	vst v63  }
0xad: {  	_ =	swait.ge [sflag:s24], $0x78  }
0xae: {  	[sflag:s24] =	ssyncset.done $0x0  }
0xaf: {  	[sflag:s24] =	ssyncadd.s32 $0xFFFFFF88  }
0xb0: {  	[tilespmem:s26], [sflag:$0x1] =	stream.indirect.gather [hbm4b:s4+s25], $0x80, s3, s25, $0xb8;
	[tilespmem:$0x1F700] =	vst v63  }
0xb1: {  	_ =	swait.ge [sflag:s8], $0x3C00  }
0xb2: {  	[sflag:s8] =	ssyncset.done $0x0  }
0xb3: {  	[sflag:s8] =	ssyncadd.s32 $0xFFFFC400  }
0xb4: {  	_ =	swait.ge [sflag:s10], $0x78  }
0xb5: {  	[sflag:s10] =	ssyncset.done $0x0  }
0xb6: {  	[sflag:s10] =	ssyncadd.s32 $0xFFFFFF88  }
0xb7: {  	[spmem:s1] =	stream.indirect.scatter.add.f32 [tilespmem:s22], [sflag:$0x6], $0x80, s0, s25, $0xb8;
	[tilespmem:$0x1F700] =	vst v63  }
0xb8: {  	s14 =	sadd.s32 $0x5A0, s14;
	s15 =	sadd.s32 $0x960, s15  }
0xb9: {  	[tilespmem:s19], [sflag:$0x9] =	stream.linear.gather [hbm4b:s15+s3], $0x78, $0x38;
	[tilespmem:$0x1F700] =	vst v63  }
0xba: {  	p0 =	sne.s32 s14, $0x9D80;
	_ =	swait.ge [sflag:s11], $0x3C00  }
.Ltmp1:
0xbb: {  	[sflag:s11] =	ssyncset.done $0x0;
	(pc) =	sbr.rel @p0 .LBB2_4-.Ltmp1, $4  }
0xbc: {  	s17 =	sadd.s32 $0x780, s16;
	[sflag:s11] =	ssyncadd.s32 $0xFFFFC400  }
0xbd: {  	[tilespmem:s21], [sflag:$0xB] =	stream.linear.gather [hbm4b:s17+s3], $0x78, $0x38;
	[tilespmem:$0x1F700] =	vst v63  }
0xbe: {  	_ =	swait.ge [sflag:s28], $0x78  }
0xbf: {  	[sflag:s28] =	ssyncset.done $0x0  }
0xc0: {  	[sflag:s28] =	ssyncadd.s32 $0xFFFFFF88  }
0xc1: {  	[tilespmem:s29], [sflag:$0x2] =	stream.indirect.gather [hbm4b:s4+s25], $0x80, s18, s25, $0xb8;
	[tilespmem:$0x1F700] =	vst v63  }
0xc2: {  	_ =	swait.ge [sflag:s30], $0x3C00  }
0xc3: {  	[sflag:s30] =	ssyncset.done $0x0  }
0xc4: {  	[sflag:s30] =	ssyncadd.s32 $0xFFFFC400  }
0xc5: {  	_ =	swait.ge [sflag:s5], $0x3C00  }
0xc6: {  	[sflag:s5] =	ssyncset.done $0x0  }
0xc7: {  	s12 =	simm.s32 $0x6;
	[sflag:s5] =	ssyncadd.s32 $0xFFFFC400  }
0xc8: {  	_ =	swait.ge [sflag:s12], $0x3C00  }
0xc9: {  	[sflag:s12] =	ssyncset.done $0x0  }
0xca: {  	[sflag:s12] =	ssyncadd.s32 $0xFFFFC400  }
0xcb: {  	_ =	swait.ge [sflag:s2], $0x78  }
0xcc: {  	[sflag:s2] =	ssyncset.done $0x0  }
0xcd: {  	[sflag:s2] =	ssyncadd.s32 $0xFFFFFF88  }
0xce: {  	_ =	swait.ge [sflag:s31], $0x78  }
0xcf: {  	[sflag:s31] =	ssyncset.done $0x0  }
0xd0: {  	[sflag:s31] =	ssyncadd.s32 $0xFFFFFF88  }
0xd1: {  	_ =	swait.ge [sflag:s6], $0x78  }
0xd2: {  	[sflag:s6] =	ssyncset.done $0x0  }
0xd3: {  	s16 =	stileid.u32;
	[sflag:s6] =	ssyncadd.s32 $0xFFFFFF88  }
0xd4: {  	s12 =	sshll.u32 s16, $0x6;
	[bflag:$0x0] =	sbarrier.arrive $0xFFFF  }
0xd5: {  	s14 =	sshrl.u32 s9, $0x3;
	s12 =	sor.u32 $0x1C0D, s12;
	s15 =	rddreg [dreg:$0x10]  }
0xd6: {  	[hbm:s15], [sflag:s12] =	dma.local [spmem:s14], $0x2800  }
0xd7: {  	_ =	swait.ge [sflag:s23], $0x2800  }
0xd8: {  	s13 =	sadd.s32 $0x1, s13;
	s17 =	rddreg [dreg:$0x11]  }
0xd9: {  	p0 =	sne.s32 s13, s17  }
.Ltmp2:
0xda: {  	_ = 	snop;
	(pc) =	sbr.rel @p0 .LBB2_1-.Ltmp2, $3  }
0xdb: {  	_ =	sdelay $0x1  }
0xdc: {  	[sflag:s23] =	ssyncset.done $0x0  }
0xdd: {  	[sflag:s23] =	ssyncadd.s32 $0xFFFFD800  }
0xde: {  	_ =	sfence.sel $0x180000  }
0xdf: {  	[bflag:$0x0] =	sbarrier.arrive $0xFFFF  }
0xe0: {  	_ =	strace $0x9000004A  }
0xe1: {  	s0 =	stileid.u32;
	[bflag:$0x2] =	sbarrier.arrive $0xFFFF  }
0xe2: {  	p0 =	sne.s32 s0, $0x0;
	s0 =	rddreg [dreg:$0x3]  }
0xe3: {  	s0 =	sadd.s32 @!p0 $0x100000, s0  }
0xe4: {  	[sflag:s0] =	ssyncadd.tile.s32 @!p0 $0x1;
	_ =	shalt  }
.Lfunc_end2:
_tile_overlayer_lowered:
.L_overlay_start_2:
0xe5: {  	(tag) =	ssettag $0x2  }
0xe6: {  	s0 =	rddreg [dreg:$0x0];
	s2 =	stileid.u32  }
0xe7: {  	s1 =	rddreg [dreg:$0x1];
	p0 =	sne.s32 s2, $0x0  }
0xe8: {  	s3 =	rddreg [dreg:$0x2];
	[bflag:$0x3] =	sbarrier.arrive $0xFFFF;
	s2 =	simm.s32 @!p0 $0x1C0D  }
0xe9: {  	[timem:s3], [sflag:s2] =	dma.local @!p0 [hbm:s0], s1  }
0xea: {  	s0 =	simm.s32 @!p0 $0xD  }
0xeb: {  	_ =	swait.ge @!p0 [sflag:s0], s1  }
0xec: {  	s1 =	ssub.s32 @!p0 $0x0, s1;
	[sflag:s0] =	ssyncset.done @!p0 $0x0  }
0xed: {  	[sflag:s0] =	ssyncadd.s32 @!p0 s1  }
0xee: {  	[bflag:$0x3] =	sbarrier.arrive $0xFFFF  }
0xef: {  	_ =	shalt  }

// kernel: kernel.15.cloned.1.call-start
scs
__scs_entry_jumppad:
0x0: {  	(pc) =	sbr.rel $0x88, $3  }
0x1: {  	(tag) =	ssettag $0x0;
	lr =	simm.s32 $0x1  }
0x2: {  	[smem:$0x3F9B] =	sst lr;
	_ =	strace $0xD0000000  }
0x3: {  	_ = 	snop  }
0x4: {  	_ = 	snop  }
0x5: {  	_ = 	snop  }
0x6: {  	_ = 	snop  }
0x7: {  	_ = 	snop  }
__scs_overlays_trampoline_lowered:
0x8: {  	[smem:$0x3FAA] =	sst s0  }
0x9: {  	[smem:$0x3FAB] =	sst s1  }
0xa: {  	[smem:$0x3FAC] =	sst s2  }
0xb: {  	[smem:$0x3FAD] =	sst s3  }
0xc: {  	[smem:$0x3FAE] =	sst s4  }
0xd: {  	[smem:$0x3FAF] =	sst s5  }
0xe: {  	[smem:$0x3FB0] =	sst s6  }
0xf: {  	[smem:$0x3FB1] =	sst s7  }
0x10: {  	[smem:$0x3FB2] =	sst s8  }
0x11: {  	[smem:$0x3FB3] =	sst s9;
	s0 =	simm.s32 @!p0 $0x0  }
0x12: {  	s1 =	sld [smem:$0x3F99];
	s0 =	simm.s32 @p0 $0x1  }
0x13: {  	[smem:$0x3FB4] =	sst s0;
	s0 =	simm.s32 @!p1 $0x0  }
0x14: {  	s2 =	sld [smem:$0x3F98];
	s0 =	simm.s32 @p1 $0x1  }
0x15: {  	[smem:$0x3FB5] =	sst s0;
	s0 =	simm.s32 @!p2 $0x0  }
0x16: {  	s3 =	sld [smem:$0x3FDB];
	s0 =	simm.s32 @p2 $0x1  }
0x17: {  	s4 =	simm.s32 $0x1BF5;
	[smem:$0x3FB7] =	sst s0  }
0x18: {  	s0 =	sld [smem:$0x3F9A];
	_ =	swait.ge [sflag:s4], $0x0  }
0x19: {  	s7 =	sld [smem:$0x3F9B]  }
0x1a: {  	s8 =	sadd.s32 $0xFFFFE003, lr  }
0x1b: {  	s9 =	sadd.s32 $0xFFFFFEF7, lr;
	s5 =	simm.s32 $0xFFFFFFFF;
	p2 =	slt.u32 s8, $0xFFFFF086  }
0x1c: {  	p1 =	slt.u32 s9, $0xF7A;
	s5 =	simm.s32 @!p2 $0x0  }
0x1d: {  	s5 =	simm.s32 @p1 $0x1;
	p0 =	seq.s32 s7, s2  }
0x1e: {  	s7 =	smul.u32 @!p0 $0xF7A, s2;
	p2 =	seq.s32 @!p0 s5, $0x0  }
0x1f: {  	s9 =	smul.u32 $0xF7A, s1;
	s8 =	simm.s32 @!p0 $0x1BF5;
	p2 =	por !p2, p0  }
0x20: {  	[sflag:s8] =	ssyncset.s32 @!p0 $0xFFFFF086;
	s6 =	sadd.s32 @!p0 s3, s7;
	s7 =	simm.s32 @!p0 $0x108  }
0x21: {  	s3 =	sadd.s32 s3, s9;
	s6 =	sadd.s32 @!p0 $0x88, s6;
	s7 =	simm.s32 @p2 $0x1082  }
0x22: {  	[simem:s7], [sflag:s8] =	dma.local @!p0 [hbm:s6], $0xF7A  }
0x23: {  	s9 =	sor.u32 $0xD0000000, s2;
	s6 =	simm.s32 $0x108;
	_ =	swait.ge @!p0 [sflag:s8], $0x0  }
0x24: {  	s3 =	sadd.s32 $0x88, s3;
	s6 =	simm.s32 @!p1 $0x1082;
	[sflag:s4] =	ssyncset.s32 $0xFFFFF086  }
0x25: {  	[simem:s6], [sflag:s4] =	dma.local [hbm:s3], $0xF7A  }
0x26: {  	[smem:$0x3F9B] =	sst s1;
	(tag) =	ssettag s2;
	_ =	strace s9  }
0x27: {  	s1 =	sld [smem:$0x3FAB]  }
0x28: {  	s2 =	sld [smem:$0x3FAC]  }
0x29: {  	s4 =	sld [smem:$0x3FAE]  }
0x2a: {  	p0 =	seq.s32 s5, $0x0;
	s5 =	sld [smem:$0x3FAF]  }
0x2b: {  	s6 =	sld [smem:$0x3FB0]  }
0x2c: {  	s7 =	sld [smem:$0x3FB1]  }
0x2d: {  	s3 =	simm.s32 $0x108;
	s8 =	sld [smem:$0x3FB2]  }
0x2e: {  	s3 =	simm.s32 @!p0 $0x1082;
	s9 =	sld [smem:$0x3FB3]  }
0x2f: {  	lr =	sadd.s32 s0, s3;
	s0 =	sld [smem:$0x3FAA]  }
0x30: {  	s3 =	sld [smem:$0x3FAD]  }
0x31: {  	[smem:$0x3FB6] =	sst s10  }
0x32: {  	s10 =	sld [smem:$0x3FB4];
	_ =	sdelay $0x3  }
0x33: {  	p0 =	seq.s32 s10, $0x1;
	s10 =	sld [smem:$0x3FB6];
	_ =	sdelay $0x3  }
0x34: {  	[smem:$0x3FB6] =	sst s10  }
0x35: {  	s10 =	sld [smem:$0x3FB5];
	_ =	sdelay $0x3  }
0x36: {  	p1 =	seq.s32 s10, $0x1;
	s10 =	sld [smem:$0x3FB6];
	_ =	sdelay $0x3  }
0x37: {  	[smem:$0x3FB6] =	sst s10  }
0x38: {  	s10 =	sld [smem:$0x3FB7]  }
0x39: {  	_ = 	snop;
	(pc) =	sbr.ind lr, $3  }
0x3a: {  	_ = 	snop  }
0x3b: {  	_ = 	snop  }
0x3c: {  	p2 =	seq.s32 s10, $0x1;
	s10 =	sld [smem:$0x3FB6]  }
0x3d: {  	_ =	shalt  }
0x3e: {  	_ =	shalt  }
0x3f: {  	_ =	shalt  }
0x40: {  	_ =	shalt  }
0x41: {  	_ =	shalt  }
0x42: {  	_ =	shalt  }
0x43: {  	_ =	shalt  }
0x44: {  	_ =	shalt  }
0x45: {  	_ =	shalt  }
0x46: {  	_ =	shalt  }
0x47: {  	_ =	shalt  }
0x48: {  	_ =	shalt  }
0x49: {  	_ =	shalt  }
0x4a: {  	_ =	shalt  }
0x4b: {  	_ =	shalt  }
0x4c: {  	_ =	shalt  }
0x4d: {  	_ =	shalt  }
0x4e: {  	_ =	shalt  }
0x4f: {  	_ =	shalt  }
0x50: {  	_ =	shalt  }
0x51: {  	_ =	shalt  }
0x52: {  	_ =	shalt  }
0x53: {  	_ =	shalt  }
0x54: {  	_ =	shalt  }
0x55: {  	_ =	shalt  }
0x56: {  	_ =	shalt  }
0x57: {  	_ =	shalt  }
0x58: {  	_ =	shalt  }
0x59: {  	_ =	shalt  }
0x5a: {  	_ =	shalt  }
0x5b: {  	_ =	shalt  }
0x5c: {  	_ =	shalt  }
0x5d: {  	_ =	shalt  }
0x5e: {  	_ =	shalt  }
0x5f: {  	_ =	shalt  }
0x60: {  	_ =	shalt  }
0x61: {  	_ =	shalt  }
0x62: {  	_ =	shalt  }
0x63: {  	_ =	shalt  }
0x64: {  	_ =	shalt  }
0x65: {  	_ =	shalt  }
0x66: {  	_ =	shalt  }
0x67: {  	_ =	shalt  }
0x68: {  	_ =	shalt  }
0x69: {  	_ =	shalt  }
0x6a: {  	_ =	shalt  }
0x6b: {  	_ =	shalt  }
0x6c: {  	_ =	shalt  }
0x6d: {  	_ =	shalt  }
0x6e: {  	_ =	shalt  }
0x6f: {  	_ =	shalt  }
0x70: {  	_ =	shalt  }
0x71: {  	_ =	shalt  }
0x72: {  	_ =	shalt  }
0x73: {  	_ =	shalt  }
0x74: {  	_ =	shalt  }
0x75: {  	_ =	shalt  }
0x76: {  	_ =	shalt  }
0x77: {  	_ =	shalt  }
0x78: {  	_ =	shalt  }
0x79: {  	_ =	shalt  }
0x7a: {  	_ =	shalt  }
0x7b: {  	_ =	shalt  }
0x7c: {  	_ =	shalt  }
0x7d: {  	_ =	shalt  }
0x7e: {  	_ =	shalt  }
0x7f: {  	_ =	shalt  }
0x80: {  	_ =	shalt  }
0x81: {  	_ =	shalt  }
0x82: {  	_ =	shalt  }
0x83: {  	_ =	shalt  }
0x84: {  	_ =	shalt  }
0x85: {  	_ =	shalt  }
0x86: {  	_ =	shalt  }
0x87: {  	_ =	shalt  }
.Lfunc_end0:
.L_simem_size_0:
called_computation.2_lowered:
.L_overlay_start_0:
0x88: {  	s2 =	sld [smem:$0x3FD9]  }
0x89: {  	s3 =	sld [smem:$0x3FFE];
	_ =	sdelay $0x1  }
0x8a: {  	s1 =	srdreg.scid  }
0x8b: {  	s0 =	sand.u32 $0x1, s1  }
0x8c: {  	s17 =	sshll.u32 s0, $0xA;
	s2 =	sadd.s32 s3, s2  }
0x8d: {  	s2 =	sadd.s32 s2, s17  }
0x8e: {  	[smem:$0x3FC2] =	sst s2  }
0x8f: {  	_ = 	snop  }
0x90: {  	s2 =	sld [smem:$0x3FD0];
	(tm) =	ssettm $0x1  }
0x91: {  	s18 =	sld [smem:$0x3FFB];
	_ =	sdelay $0x3  }
0x92: {  	_ =	strace s18  }
0x93: {  	s3 =	sld [smem:$0x3FFC];
	_ =	sdelay $0x3  }
0x94: {  	_ =	strace s3  }
0x95: {  	s3 =	sld [smem:$0x3FFD];
	_ =	sdelay $0x3  }
0x96: {  	_ =	strace s3  }
0x97: {  	_ =	strace $0x8FFFFFFF  }
0x98: {  	s19 =	sld [smem:$0x3FDB];
	_ =	sdelay $0x1  }
0x99: {  	s4 =	simm.s32 $_scs_section_size  }
0x9a: {  	s5 =	simm.s32 $_size__tile_overlayer_lowered;
	s6 =	simm.s32 $_tile_overlayer_lowered  }
0x9b: {  	s22 =	simm.s32 $0x1BFF;
	s21 =	sshll.u32 s6, $0x1;
	s3 =	sadd.s32 s4, s19  }
0x9c: {  	s7 =	simm.s32 $0x0;
	s20 =	sshll.u32 s5, $0x1;
	s5 =	sadd.s32 s21, s3  }
0x9d: {  	[timem:s7], [sflag:s22] =	dma.local [hbm:s5], s20  }
0x9e: {  	_ =	swait.ge [sflag:s22], s20  }
0x9f: {  	s4 =	ssub.s32 $0x0, s20;
	[sflag:s22] =	ssyncset.done $0x0  }
0xa0: {  	[sflag:s22] =	ssyncadd.s32 s4;
	_ =	sdelay $0x1  }
0xa1: {  	s23 =	simm.s32 $0x1B8B  }
0xa2: {  	_ =	swait.ge [sflag:s23], $0x1  }
0xa3: {  	[sflag:s23] =	ssyncset.done $0x0  }
0xa4: {  	s25 =	simm.s32 $0x1B8E;
	s24 =	sld [smem:$0x3FFE];
	[sflag:s23] =	ssyncadd.s32 $0xFFFFFFFF  }
0xa5: {  	s26 =	simm.s32 $execute0_lowered;
	[smem:$0x3FD2] =	sst s25  }
0xa6: {  	s5 =	sshll.u32 s26, $0x1;
	_ =	strace $0x8000004C;
	[dreg:$0x1] =	wrdreg $0xFFFFFFFF  }
0xa7: {  	s28 =	simm.s32 $_size_execute0_lowered;
	s3 =	sadd.s32 s3, s5;
	[dreg:$0x0] =	wrdreg $0x0  }
0xa8: {  	s5 =	sshll.u32 s28, $0x1;
	[dreg:$0x2] =	wrdreg s3  }
0xa9: {  	[dreg:$0x3] =	wrdreg s5  }
0xaa: {  	[dreg:$0x4] =	wrdreg $0xC0  }
0xab: {  	_ =	task [dreg:s7], $0x5FFFF  }
0xac: {  	[dreg:$0x1] =	wrdreg $0xFFFFFFFF  }
0xad: {  	[dreg:$0x0] =	wrdreg $0x60  }
0xae: {  	[dreg:$0x2] =	wrdreg s24  }
0xaf: {  	[dreg:$0x3] =	wrdreg s2  }
0xb0: {  	[dreg:$0x4] =	wrdreg $0xB7000  }
0xb1: {  	[dreg:$0x5] =	wrdreg $0x9  }
0xb2: {  	_ =	task.clear_ibuf [dreg:s7], $0x6FFFF;
	_ =	strace $0x9000004C  }
0xb3: {  	s29 =	simm.s32 $0x9;
	_ =	strace $0x8000004E  }
0xb4: {  	_ =	swait.ge [sflag:s29], $0x1  }
0xb5: {  	[sflag:s29] =	ssyncadd.s32 $0xFFFFFFFF  }
0xb6: {  	_ =	strace $0x9000004E  }
0xb7: {  	_ =	sfence  }
0xb8: {  	s30 =	sld [smem:$0x0];
	_ =	sdelay $0x2  }
0xb9: {  	s31 =	sshll.u32 s1, $0xD;
	s1 =	sshrl.u32 s1, $0x2  }
0xba: {  	s3 =	sand.u32 $0x4000, s31;
	s1 =	sadd.s32 s1, s30  }
0xbb: {  	s0 =	sor.u32 s3, s0;
	s1 =	sshll.u32 s1, $0x11  }
0xbc: {  	s0 =	sor.u32 s1, s0  }
0xbd: {  	s0 =	sadd.s32 $0x8F2B, s0  }
0xbe: {  	[sflag:s0] =	ssyncadd.remote.s32 $0x1  }
0xbf: {  	_ =	sfence.sel $0xFFFF  }
0xc0: {  	[dreg:$0x0] =	wrdreg $0xFFFFFFFF;
	(pc) =	sbr.abs _section_cstart, $3  }
0xc1: {  	[dreg:$0x1] =	wrdreg $0xFFFFFFFF  }
0xc2: {  	_ =	task.clear_ibuf [dreg:s7], $0x2FFFF;
	_ =	strace $0x9FFFFFFF  }
0xc3: {  	(tm) =	ssettm $0x7FFFFFFF  }
tec
execute0_lowered:
.L_overlay_start_1:
0x0: {  	(tag) =	ssettag $0x1  }
0x1: {  	s0 =	rddreg [dreg:$0x0]  }
0x2: {  	s2 =	rddreg [dreg:$0x1]  }
0x3: {  	s1 =	rddreg [dreg:$0x2]  }
0x4: {  	s3 =	srdreg.scid;
	s12 =	stileid.u32  }
0x5: {  	s28 =	simm.s32 $0x8;
	s29 =	simm.s32 $0x3F00;
	s6 =	smul.u32 $0x14000, s12  }
0x6: {  	s30 =	simm.s32 $0x1;
	s31 =	simm.s32 $0xA;
	s11 =	smul.u32 $0x50000, s12  }
0x7: {  	s5 =	sand.u32 $0x1, s3;
	s3 =	simm.s32 $0x0;
	s20 =	smul.u32 $0x1E, s12  }
0x8: {  	s7 =	sshll.u32 s12, $0x1;
	s4 =	smul.u32 $0x140000, s5;
	[smem:$0x7FF] =	sst s3  }
0x9: {  	s7 =	sor.u32 s5, s7;
	s15 =	ssub.s32 $0x2, s5;
	s5 =	smul.u32 $0xF, s5  }
0xa: {  	s8 =	sadd.s32 $0x2000, s0;
	_ =	strace $0x8000004D;
	s9 =	smul.u32 $0x78, s7  }
0xb: {  	s7 =	smul.u32 $0xF, s7;
	s10 =	sshrl.u32 s15, $0x1;
	s6 =	sadd.s32 s6, s4  }
0xc: {  	s11 =	sshrl.u32 s11, $0x2;
	s4 =	sadd.s32 $0xC600, s0;
	s6 =	sshrl.u32 s6, $0x3  }
0xd: {  	s9 =	sshrl.u32 s9, $0x3;
	s16 =	sadd.s32 s8, s7;
	s7 =	sadd.s32 s2, s7  }
0xe: {  	s0 =	sadd.s32 s6, s0;
	s6 =	ssub.s32 s15, s10;
	[dreg:$0x6] =	wrdreg s16  }
0xf: {  	s17 =	sadd.s32 $0x1E0, s9;
	s9 =	sadd.s32 s8, s9;
	[dreg:$0x9] =	wrdreg s7  }
0x10: {  	s7 =	simm.s32 $0x4;
	s10 =	simm.s32 $0xC;
	s13 =	sadd.s32 s8, s17  }
0x11: {  	s9 =	sadd.s32 $0x3C0, s9;
	s18 =	sadd.s32 s2, s17;
	[dreg:$0x7] =	wrdreg s13  }
0x12: {  	s8 =	sadd.s32 s20, s8;
	s0 =	sadd.s32 $0x34600, s0;
	[dreg:$0x8] =	wrdreg s9  }
0x13: {  	s2 =	sadd.s32 s20, s2;
	s6 =	smax.u32 s6, $0x1;
	[dreg:$0xa] =	wrdreg s18  }
0x14: {  	s20 =	simm.s32 $0x180;
	s9 =	sadd.s32 s11, s1;
	[dreg:$0x10] =	wrdreg s0  }
0x15: {  	s25 =	sadd.s32 s5, s8;
	[dreg:$0x11] =	wrdreg s6;
	s26 =	sadd.s32 s5, s2  }
0x16: {  	s18 =	simm.s32 $0x80;
	s0 =	simm.s32 $0x280;
	s2 =	simm.s32 $0x9  }
0x17: {  	s5 =	simm.s32 $0x2;
	s6 =	simm.s32 $0xB;
	[dreg:$0x4] =	wrdreg s25  }
0x18: {  	s8 =	simm.s32 $0x3;
	s19 =	sadd.s32 $0x3C00, s9;
	[dreg:$0x5] =	wrdreg s26  }
0x19: {  	s11 =	simm.s32 $0x5;
	s21 =	sadd.s32 $0x7800, s9;
	[dreg:$0xb] =	wrdreg s19  }
0x1a: {  	s13 =	simm.s32 $0x0;
	s22 =	sadd.s32 $0xB400, s9;
	[dreg:$0xc] =	wrdreg s21  }
0x1b: {  	s23 =	sadd.s32 $0xF000, s9;
	s24 =	sadd.s32 $0x12C00, s9;
	[dreg:$0xd] =	wrdreg s22  }
0x1c: {  	s25 =	simm.s32 $0x78;
	s26 =	simm.s32 $0x300;
	[dreg:$0xe] =	wrdreg s23  }
0x1d: {  	[dreg:$0xf] =	wrdreg s24;
	s19 =	simm.s32 $0x100;
	s21 =	simm.s32 $0x200  }
0x1e: {  	v0 =	vimm.f32 $0.0e+00;
	s22 =	simm.s32 $0x7B00;
	s23 =	simm.s32 $0xD;
	s24 =	simm.s32 $0x7  }
.LBB2_1:
0x1f: {  	s12 =	rddreg [dreg:$0x6]  }
0x20: {  	[tilespmem:s3], [sflag:$0x7] =	stream.linear.gather [hbm4b:s12+s3], $0x78, $0x38;
	[tilespmem:$0x1F700] =	vst v63  }
0x21: {  	s14 =	rddreg [dreg:$0x7]  }
0x22: {  	[tilespmem:s18], [sflag:$0x8] =	stream.linear.gather [hbm4b:s14+s3], $0x78, $0x38;
	[tilespmem:$0x1F700] =	vst v63  }
0x23: {  	s15 =	rddreg [dreg:$0x8]  }
0x24: {  	[tilespmem:s19], [sflag:$0x9] =	stream.linear.gather [hbm4b:s15+s3], $0x78, $0x38;
	[tilespmem:$0x1F700] =	vst v63  }
0x25: {  	s16 =	rddreg [dreg:$0x9]  }
0x26: {  	[tilespmem:s20], [sflag:$0xA] =	stream.linear.gather [hbm4b:s16+s3], $0x78, $0x38;
	[tilespmem:$0x1F700] =	vst v63  }
0x27: {  	s17 =	rddreg [dreg:$0xa];
	s14 =	simm.s32 $0x0;
	s15 =	simm.s32 $0x200  }
0x28: {  	[tilespmem:s21], [sflag:$0xB] =	stream.linear.gather [hbm4b:s17+s3], $0x78, $0x38;
	[tilespmem:$0x1F700] =	vst v63  }
.LBB2_2:
0x29: {  	p0 =	sne.s32 s15, $0xEE00;
	[tilespmem:s14+$0x7B70] =	vst v0  }
0x2a: {  	[tilespmem:s14+$0x7B00] =	vst v0  }
0x2b: {  	[tilespmem:s14+$0x7B10] =	vst v0  }
.Ltmp0:
0x2c: {  	[tilespmem:s14+$0x7B20] =	vst v0;
	(pc) =	sbr.rel @p0 .LBB2_2-.Ltmp0, $4  }
0x2d: {  	[tilespmem:s14+$0x7B30] =	vst v0  }
0x2e: {  	[tilespmem:s14+$0x7B40] =	vst v0  }
0x2f: {  	[tilespmem:s14+$0x7B50] =	vst v0  }
0x30: {  	[tilespmem:s14+$0x7B60] =	vst v0;
	s14 =	sshra.s32 s15, $0x2;
	s15 =	sadd.s32 $0x200, s15  }
0x31: {  	[tilespmem:s14+$0x7B70] =	vst v0  }
0x32: {  	[tilespmem:s14+$0x7B00] =	vst v0  }
0x33: {  	[tilespmem:s14+$0x7B10] =	vst v0  }
0x34: {  	[tilespmem:s14+$0x7B20] =	vst v0  }
0x35: {  	[tilespmem:s14+$0x7B30] =	vst v0  }
0x36: {  	[tilespmem:s14+$0x7B40] =	vst v0  }
0x37: {  	[tilespmem:s14+$0x7B50] =	vst v0  }
0x38: {  	[tilespmem:s14+$0x7B60] =	vst v0  }
0x39: {  	[spmem:s9] =	stream.linear.scatter [tilespmem:s22], [sflag:$0xD], $0x3C00, $0x38;
	[tilespmem:$0x1F700] =	vst v63  }
0x3a: {  	_ =	swait.ge [sflag:s23], $0x3C00  }
0x3b: {  	[sflag:s23] =	ssyncset.done $0x0  }
0x3c: {  	s12 =	rddreg [dreg:$0xb];
	[sflag:s23] =	ssyncadd.s32 $0xFFFFC400  }
0x3d: {  	[spmem:s12] =	stream.linear.scatter [tilespmem:s22], [sflag:$0xD], $0x3C00, $0x38;
	[tilespmem:$0x1F700] =	vst v63  }
0x3e: {  	_ =	swait.ge [sflag:s23], $0x3C00  }
0x3f: {  	[sflag:s23] =	ssyncset.done $0x0  }
0x40: {  	s15 =	rddreg [dreg:$0xc];
	[sflag:s23] =	ssyncadd.s32 $0xFFFFC400  }
0x41: {  	[spmem:s15] =	stream.linear.scatter [tilespmem:s22], [sflag:$0xD], $0x3C00, $0x38;
	[tilespmem:$0x1F700] =	vst v63  }
0x42: {  	_ =	swait.ge [sflag:s23], $0x3C00  }
0x43: {  	[sflag:s23] =	ssyncset.done $0x0  }
0x44: {  	s16 =	rddreg [dreg:$0xd];
	[sflag:s23] =	ssyncadd.s32 $0xFFFFC400  }
0x45: {  	[spmem:s16] =	stream.linear.scatter [tilespmem:s22], [sflag:$0xD], $0x3C00, $0x38;
	[tilespmem:$0x1F700] =	vst v63  }
0x46: {  	_ =	swait.ge [sflag:s23], $0x3C00  }
0x47: {  	[sflag:s23] =	ssyncset.done $0x0  }
0x48: {  	s17 =	rddreg [dreg:$0xe];
	[sflag:s23] =	ssyncadd.s32 $0xFFFFC400  }
0x49: {  	[spmem:s17] =	stream.linear.scatter [tilespmem:s22], [sflag:$0xD], $0x3C00, $0x38;
	[tilespmem:$0x1F700] =	vst v63  }
0x4a: {  	_ =	swait.ge [sflag:s23], $0x3C00  }
0x4b: {  	[sflag:s23] =	ssyncset.done $0x0  }
0x4c: {  	s14 =	rddreg [dreg:$0xf];
	[sflag:s23] =	ssyncadd.s32 $0xFFFFC400  }
0x4d: {  	[spmem:s14] =	stream.linear.scatter [tilespmem:s22], [sflag:$0xD], $0x1400, $0x38;
	[tilespmem:$0x1F700] =	vst v63  }
0x4e: {  	_ =	swait.ge [sflag:s23], $0x1400  }
0x4f: {  	[sflag:s23] =	ssyncset.done $0x0  }
0x50: {  	[sflag:s23] =	ssyncadd.s32 $0xFFFFEC00  }
0x51: {  	_ =	swait.ge [sflag:s24], $0x78  }
0x52: {  	[sflag:s24] =	ssyncset.done $0x0  }
0x53: {  	s15 =	simm.s32 $0x0;
	[sflag:s24] =	ssyncadd.s32 $0xFFFFFF88  }
0x54: {  	[tilespmem:s26], [sflag:$0x1] =	stream.indirect.gather [hbm4b:s4+s25], $0x80, s15, s25, $0xb8;
	[tilespmem:$0x1F700] =	vst v63  }
0x55: {  	_ =	swait.ge [sflag:s28], $0x78  }
0x56: {  	[sflag:s28] =	ssyncset.done $0x0  }
0x57: {  	[sflag:s28] =	ssyncadd.s32 $0xFFFFFF88  }
0x58: {  	[tilespmem:s29], [sflag:$0x2] =	stream.indirect.gather [hbm4b:s4+s25], $0x80, s18, s25, $0xb8;
	[tilespmem:$0x1F700] =	vst v63  }
0x59: {  	[bflag:$0x0] =	sbarrier.arrive $0xFFFF  }
0x5a: {  	_ =	swait.ge [sflag:s30], $0x3C00  }
0x5b: {  	[sflag:s30] =	ssyncset.done $0x0  }
0x5c: {  	[sflag:s30] =	ssyncadd.s32 $0xFFFFC400  }
0x5d: {  	_ =	swait.ge [sflag:s31], $0x78  }
0x5e: {  	[sflag:s31] =	ssyncset.done $0x0;
	s16 =	rddreg [dreg:$0x4]  }
0x5f: {  	p0 =	por $0x1, $0x1;
	[sflag:s31] =	ssyncadd.s32 $0xFFFFFF88;
	s14 =	sadd.s32 $0x0, s16  }
0x60: {  	[spmem:s1] =	stream.indirect.scatter.add.f32 [tilespmem:s26], [sflag:$0x4], $0x80, s20, s25, $0xb8;
	[tilespmem:$0x1F700] =	vst v63  }
0x61: {  	s16 =	simm.s32 @!p0 $0x6;
	s15 =	sadd.s32 $0x5A0, s14  }
0x62: {  	[tilespmem:s3], [sflag:$0x7] =	stream.linear.gather [hbm4b:s15+s3], $0x78, $0x38;
	[tilespmem:$0x1F700] =	vst v63  }
0x63: {  	_ =	swait.ge @!p0 [sflag:s16], $0x3C00  }
0x64: {  	s17 =	rddreg [dreg:$0x5]  }
0x65: {  	[sflag:s16] =	ssyncset.done @!p0 $0x0;
	s15 =	sadd.s32 $0x0, s17  }
0x66: {  	[sflag:s16] =	ssyncadd.s32 @!p0 $0xFFFFC400;
	s12 =	sadd.s32 $0x3C0, s15  }
0x67: {  	[tilespmem:s0], [sflag:$0xC] =	stream.linear.gather [hbm4b:s12+s3], $0x78, $0x38;
	[tilespmem:$0x1F700] =	vst v63  }
0x68: {  	_ =	swait.ge [sflag:s2], $0x78  }
0x69: {  	[sflag:s2] =	ssyncset.done $0x0  }
0x6a: {  	[sflag:s2] =	ssyncadd.s32 $0xFFFFFF88  }
0x6b: {  	[tilespmem:s22], [sflag:$0x3] =	stream.indirect.gather [hbm4b:s4+s25], $0x80, s19, s25, $0xb8;
	[tilespmem:$0x1F700] =	vst v63  }
0x6c: {  	_ =	swait.ge [sflag:s5], $0x3C00  }
0x6d: {  	[sflag:s5] =	ssyncset.done $0x0  }
0x6e: {  	[sflag:s5] =	ssyncadd.s32 $0xFFFFC400  }
0x6f: {  	_ =	swait.ge [sflag:s6], $0x78  }
0x70: {  	[sflag:s6] =	ssyncset.done $0x0  }
0x71: {  	[sflag:s6] =	ssyncadd.s32 $0xFFFFFF88  }
0x72: {  	[spmem:s1] =	stream.indirect.scatter.add.f32 [tilespmem:s29], [sflag:$0x5], $0x80, s21, s25, $0xb8;
	[tilespmem:$0x1F700] =	vst v63  }
0x73: {  	s17 =	sadd.s32 $0x780, s14  }
0x74: {  	[tilespmem:s18], [sflag:$0x8] =	stream.linear.gather [hbm4b:s17+s3], $0x78, $0x38;
	[tilespmem:$0x1F700] =	vst v63  }
0x75: {  	_ =	swait.ge [sflag:s7], $0x3C00  }
0x76: {  	[sflag:s7] =	ssyncset.done $0x0  }
0x77: {  	s12 =	sadd.s32 $0x5A0, s15;
	[sflag:s7] =	ssyncadd.s32 $0xFFFFC400  }
0x78: {  	[tilespmem:s20], [sflag:$0xA] =	stream.linear.gather [hbm4b:s12+s3], $0x78, $0x38;
	[tilespmem:$0x1F700] =	vst v63  }
0x79: {  	_ =	swait.ge [sflag:s24], $0x78  }
0x7a: {  	[sflag:s24] =	ssyncset.done $0x0  }
0x7b: {  	[sflag:s24] =	ssyncadd.s32 $0xFFFFFF88  }
0x7c: {  	[tilespmem:s26], [sflag:$0x1] =	stream.indirect.gather [hbm4b:s4+s25], $0x80, s3, s25, $0xb8;
	[tilespmem:$0x1F700] =	vst v63  }
0x7d: {  	_ =	swait.ge [sflag:s8], $0x3C00  }
0x7e: {  	[sflag:s8] =	ssyncset.done $0x0  }
0x7f: {  	[sflag:s8] =	ssyncadd.s32 $0xFFFFC400  }
0x80: {  	_ =	swait.ge [sflag:s10], $0x78  }
0x81: {  	[sflag:s10] =	ssyncset.done $0x0  }
0x82: {  	[sflag:s10] =	ssyncadd.s32 $0xFFFFFF88  }
0x83: {  	[spmem:s1] =	stream.indirect.scatter.add.f32 [tilespmem:s22], [sflag:$0x6], $0x80, s0, s25, $0xb8;
	[tilespmem:$0x1F700] =	vst v63  }
0x84: {  	s14 =	sadd.s32 $0x960, s14  }
0x85: {  	[tilespmem:s19], [sflag:$0x9] =	stream.linear.gather [hbm4b:s14+s3], $0x78, $0x38;
	[tilespmem:$0x1F700] =	vst v63  }
0x86: {  	_ =	swait.ge [sflag:s11], $0x3C00  }
0x87: {  	[sflag:s11] =	ssyncset.done $0x0  }
0x88: {  	s17 =	sadd.s32 $0x780, s15;
	[sflag:s11] =	ssyncadd.s32 $0xFFFFC400  }
0x89: {  	[tilespmem:s21], [sflag:$0xB] =	stream.linear.gather [hbm4b:s17+s3], $0x78, $0x38;
	[tilespmem:$0x1F700] =	vst v63  }
0x8a: {  	_ =	swait.ge [sflag:s28], $0x78  }
0x8b: {  	s14 =	simm.s32 $0x5A0;
	[sflag:s28] =	ssyncset.done $0x0  }
.LBB2_4:
0x8c: {  	[sflag:s28] =	ssyncadd.s32 $0xFFFFFF88  }
0x8d: {  	[tilespmem:s29], [sflag:$0x2] =	stream.indirect.gather [hbm4b:s4+s25], $0x80, s18, s25, $0xb8;
	[tilespmem:$0x1F700] =	vst v63  }
0x8e: {  	_ =	swait.ge [sflag:s30], $0x3C00  }
0x8f: {  	[sflag:s30] =	ssyncset.done $0x0  }
0x90: {  	[sflag:s30] =	ssyncadd.s32 $0xFFFFC400  }
0x91: {  	_ =	swait.ge [sflag:s31], $0x78  }
0x92: {  	s16 =	smov.u32 s14;
	[sflag:s31] =	ssyncset.done $0x0;
	s15 =	rddreg [dreg:$0x4]  }
0x93: {  	p1 =	seq.s32 s16, $0x0;
	[sflag:s31] =	ssyncadd.s32 $0xFFFFFF88;
	s15 =	sadd.s32 s16, s15  }
0x94: {  	[spmem:s1] =	stream.indirect.scatter.add.f32 [tilespmem:s26], [sflag:$0x4], $0x80, s20, s25, $0xb8;
	[tilespmem:$0x1F700] =	vst v63  }
0x95: {  	s12 =	simm.s32 @!p1 $0x6;
	s17 =	sadd.s32 $0x5A0, s15  }
0x96: {  	[tilespmem:s3], [sflag:$0x7] =	stream.linear.gather [hbm4b:s17+s3], $0x78, $0x38;
	[tilespmem:$0x1F700] =	vst v63  }
0x97: {  	_ =	swait.ge @!p1 [sflag:s12], $0x3C00  }
0x98: {  	s17 =	rddreg [dreg:$0x5]  }
0x99: {  	[sflag:s12] =	ssyncset.done @!p1 $0x0;
	s16 =	sadd.s32 s16, s17  }
0x9a: {  	[sflag:s12] =	ssyncadd.s32 @!p1 $0xFFFFC400;
	s17 =	sadd.s32 $0x3C0, s16  }
0x9b: {  	[tilespmem:s0], [sflag:$0xC] =	stream.linear.gather [hbm4b:s17+s3], $0x78, $0x38;
	[tilespmem:$0x1F700] =	vst v63  }
0x9c: {  	_ =	swait.ge [sflag:s2], $0x78  }
0x9d: {  	[sflag:s2] =	ssyncset.done $0x0  }
0x9e: {  	[sflag:s2] =	ssyncadd.s32 $0xFFFFFF88  }
0x9f: {  	[tilespmem:s22], [sflag:$0x3] =	stream.indirect.gather [hbm4b:s4+s25], $0x80, s19, s25, $0xb8;
	[tilespmem:$0x1F700] =	vst v63  }
0xa0: {  	_ =	swait.ge [sflag:s5], $0x3C00  }
0xa1: {  	[sflag:s5] =	ssyncset.done $0x0  }
0xa2: {  	[sflag:s5] =	ssyncadd.s32 $0xFFFFC400  }
0xa3: {  	_ =	swait.ge [sflag:s6], $0x78  }
0xa4: {  	[sflag:s6] =	ssyncset.done $0x0  }
0xa5: {  	[sflag:s6] =	ssyncadd.s32 $0xFFFFFF88  }
0xa6: {  	[spmem:s1] =	stream.indirect.scatter.add.f32 [tilespmem:s29], [sflag:$0x5], $0x80, s21, s25, $0xb8;
	[tilespmem:$0x1F700] =	vst v63  }
0xa7: {  	s17 =	sadd.s32 $0x780, s15  }
0xa8: {  	[tilespmem:s18], [sflag:$0x8] =	stream.linear.gather [hbm4b:s17+s3], $0x78, $0x38;
	[tilespmem:$0x1F700] =	vst v63  }
0xa9: {  	_ =	swait.ge [sflag:s7], $0x3C00  }
0xaa: {  	[sflag:s7] =	ssyncset.done $0x0  }
0xab: {  	s17 =	sadd.s32 $0x5A0, s16;
	[sflag:s7] =	ssyncadd.s32 $0xFFFFC400  }
0xac: {  	[tilespmem:s20], [sflag:$0xA] =	stream.linear.gather [hbm4b:s17+s3], $0x78, $0x38;
	[tilespmem:$0x1F700] =	vst v63  }
0xad: {  	_ =	swait.ge [sflag:s24], $0x78  }
0xae: {  	[sflag:s24] =	ssyncset.done $0x0  }
0xaf: {  	[sflag:s24] =	ssyncadd.s32 $0xFFFFFF88  }
0xb0: {  	[tilespmem:s26], [sflag:$0x1] =	stream.indirect.gather [hbm4b:s4+s25], $0x80, s3, s25, $0xb8;
	[tilespmem:$0x1F700] =	vst v63  }
0xb1: {  	_ =	swait.ge [sflag:s8], $0x3C00  }
0xb2: {  	[sflag:s8] =	ssyncset.done $0x0  }
0xb3: {  	[sflag:s8] =	ssyncadd.s32 $0xFFFFC400  }
0xb4: {  	_ =	swait.ge [sflag:s10], $0x78  }
0xb5: {  	[sflag:s10] =	ssyncset.done $0x0  }
0xb6: {  	[sflag:s10] =	ssyncadd.s32 $0xFFFFFF88  }
0xb7: {  	[spmem:s1] =	stream.indirect.scatter.add.f32 [tilespmem:s22], [sflag:$0x6], $0x80, s0, s25, $0xb8;
	[tilespmem:$0x1F700] =	vst v63  }
0xb8: {  	s14 =	sadd.s32 $0x5A0, s14;
	s15 =	sadd.s32 $0x960, s15  }
0xb9: {  	[tilespmem:s19], [sflag:$0x9] =	stream.linear.gather [hbm4b:s15+s3], $0x78, $0x38;
	[tilespmem:$0x1F700] =	vst v63  }
0xba: {  	p0 =	sne.s32 s14, $0x9D80;
	_ =	swait.ge [sflag:s11], $0x3C00  }
.Ltmp1:
0xbb: {  	[sflag:s11] =	ssyncset.done $0x0;
	(pc) =	sbr.rel @p0 .LBB2_4-.Ltmp1, $4  }
0xbc: {  	s17 =	sadd.s32 $0x780, s16;
	[sflag:s11] =	ssyncadd.s32 $0xFFFFC400  }
0xbd: {  	[tilespmem:s21], [sflag:$0xB] =	stream.linear.gather [hbm4b:s17+s3], $0x78, $0x38;
	[tilespmem:$0x1F700] =	vst v63  }
0xbe: {  	_ =	swait.ge [sflag:s28], $0x78  }
0xbf: {  	[sflag:s28] =	ssyncset.done $0x0  }
0xc0: {  	[sflag:s28] =	ssyncadd.s32 $0xFFFFFF88  }
0xc1: {  	[tilespmem:s29], [sflag:$0x2] =	stream.indirect.gather [hbm4b:s4+s25], $0x80, s18, s25, $0xb8;
	[tilespmem:$0x1F700] =	vst v63  }
0xc2: {  	_ =	swait.ge [sflag:s30], $0x3C00  }
0xc3: {  	[sflag:s30] =	ssyncset.done $0x0  }
0xc4: {  	[sflag:s30] =	ssyncadd.s32 $0xFFFFC400  }
0xc5: {  	_ =	swait.ge [sflag:s5], $0x3C00  }
0xc6: {  	[sflag:s5] =	ssyncset.done $0x0  }
0xc7: {  	s12 =	simm.s32 $0x6;
	[sflag:s5] =	ssyncadd.s32 $0xFFFFC400  }
0xc8: {  	_ =	swait.ge [sflag:s12], $0x3C00  }
0xc9: {  	[sflag:s12] =	ssyncset.done $0x0  }
0xca: {  	[sflag:s12] =	ssyncadd.s32 $0xFFFFC400  }
0xcb: {  	_ =	swait.ge [sflag:s2], $0x78  }
0xcc: {  	[sflag:s2] =	ssyncset.done $0x0  }
0xcd: {  	[sflag:s2] =	ssyncadd.s32 $0xFFFFFF88  }
0xce: {  	_ =	swait.ge [sflag:s31], $0x78  }
0xcf: {  	[sflag:s31] =	ssyncset.done $0x0  }
0xd0: {  	[sflag:s31] =	ssyncadd.s32 $0xFFFFFF88  }
0xd1: {  	_ =	swait.ge [sflag:s6], $0x78  }
0xd2: {  	[sflag:s6] =	ssyncset.done $0x0  }
0xd3: {  	s16 =	stileid.u32;
	[sflag:s6] =	ssyncadd.s32 $0xFFFFFF88  }
0xd4: {  	s12 =	sshll.u32 s16, $0x6;
	[bflag:$0x0] =	sbarrier.arrive $0xFFFF  }
0xd5: {  	s14 =	sshrl.u32 s9, $0x3;
	s12 =	sor.u32 $0x1C0D, s12;
	s15 =	rddreg [dreg:$0x10]  }
0xd6: {  	[hbm:s15], [sflag:s12] =	dma.local [spmem:s14], $0x2800  }
0xd7: {  	_ =	swait.ge [sflag:s23], $0x2800  }
0xd8: {  	s13 =	sadd.s32 $0x1, s13;
	s17 =	rddreg [dreg:$0x11]  }
0xd9: {  	p0 =	sne.s32 s13, s17  }
.Ltmp2:
0xda: {  	_ = 	snop;
	(pc) =	sbr.rel @p0 .LBB2_1-.Ltmp2, $3  }
0xdb: {  	_ =	sdelay $0x1  }
0xdc: {  	[sflag:s23] =	ssyncset.done $0x0  }
0xdd: {  	[sflag:s23] =	ssyncadd.s32 $0xFFFFD800  }
0xde: {  	_ =	sfence.sel $0x180000  }
0xdf: {  	[bflag:$0x0] =	sbarrier.arrive $0xFFFF  }
0xe0: {  	_ =	strace $0x9000004D  }
0xe1: {  	s0 =	stileid.u32;
	[bflag:$0x2] =	sbarrier.arrive $0xFFFF  }
0xe2: {  	p0 =	sne.s32 s0, $0x0;
	s0 =	rddreg [dreg:$0x3]  }
0xe3: {  	s0 =	sadd.s32 @!p0 $0x100000, s0  }
0xe4: {  	[sflag:s0] =	ssyncadd.tile.s32 @!p0 $0x1;
	_ =	shalt  }
.Lfunc_end2:
_tile_overlayer_lowered:
.L_overlay_start_2:
0xe5: {  	(tag) =	ssettag $0x2  }
0xe6: {  	s0 =	rddreg [dreg:$0x0];
	s2 =	stileid.u32  }
0xe7: {  	s1 =	rddreg [dreg:$0x1];
	p0 =	sne.s32 s2, $0x0  }
0xe8: {  	s3 =	rddreg [dreg:$0x2];
	[bflag:$0x3] =	sbarrier.arrive $0xFFFF;
	s2 =	simm.s32 @!p0 $0x1C0D  }
0xe9: {  	[timem:s3], [sflag:s2] =	dma.local @!p0 [hbm:s0], s1  }
0xea: {  	s0 =	simm.s32 @!p0 $0xD  }
0xeb: {  	_ =	swait.ge @!p0 [sflag:s0], s1  }
0xec: {  	s1 =	ssub.s32 @!p0 $0x0, s1;
	[sflag:s0] =	ssyncset.done @!p0 $0x0  }
0xed: {  	[sflag:s0] =	ssyncadd.s32 @!p0 s1  }
0xee: {  	[bflag:$0x3] =	sbarrier.arrive $0xFFFF  }
0xef: {  	_ =	shalt  }

// kernel: kernel.9.cloned.1.call-start
scs
__scs_entry_jumppad:
0x0: {  	(pc) =	sbr.rel $0x88, $3  }
0x1: {  	(tag) =	ssettag $0x0;
	lr =	simm.s32 $0x1  }
0x2: {  	[smem:$0x3F9B] =	sst lr;
	_ =	strace $0xD0000000  }
0x3: {  	_ = 	snop  }
0x4: {  	_ = 	snop  }
0x5: {  	_ = 	snop  }
0x6: {  	_ = 	snop  }
0x7: {  	_ = 	snop  }
__scs_overlays_trampoline_lowered:
0x8: {  	[smem:$0x3FAA] =	sst s0  }
0x9: {  	[smem:$0x3FAB] =	sst s1  }
0xa: {  	[smem:$0x3FAC] =	sst s2  }
0xb: {  	[smem:$0x3FAD] =	sst s3  }
0xc: {  	[smem:$0x3FAE] =	sst s4  }
0xd: {  	[smem:$0x3FAF] =	sst s5  }
0xe: {  	[smem:$0x3FB0] =	sst s6  }
0xf: {  	[smem:$0x3FB1] =	sst s7  }
0x10: {  	[smem:$0x3FB2] =	sst s8  }
0x11: {  	[smem:$0x3FB3] =	sst s9;
	s0 =	simm.s32 @!p0 $0x0  }
0x12: {  	s1 =	sld [smem:$0x3F99];
	s0 =	simm.s32 @p0 $0x1  }
0x13: {  	[smem:$0x3FB4] =	sst s0;
	s0 =	simm.s32 @!p1 $0x0  }
0x14: {  	s2 =	sld [smem:$0x3F98];
	s0 =	simm.s32 @p1 $0x1  }
0x15: {  	[smem:$0x3FB5] =	sst s0;
	s0 =	simm.s32 @!p2 $0x0  }
0x16: {  	s3 =	sld [smem:$0x3FDB];
	s0 =	simm.s32 @p2 $0x1  }
0x17: {  	s4 =	simm.s32 $0x1BF5;
	[smem:$0x3FB7] =	sst s0  }
0x18: {  	s0 =	sld [smem:$0x3F9A];
	_ =	swait.ge [sflag:s4], $0x0  }
0x19: {  	s7 =	sld [smem:$0x3F9B]  }
0x1a: {  	s8 =	sadd.s32 $0xFFFFE003, lr  }
0x1b: {  	s9 =	sadd.s32 $0xFFFFFEF7, lr;
	s5 =	simm.s32 $0xFFFFFFFF;
	p2 =	slt.u32 s8, $0xFFFFF086  }
0x1c: {  	p1 =	slt.u32 s9, $0xF7A;
	s5 =	simm.s32 @!p2 $0x0  }
0x1d: {  	s5 =	simm.s32 @p1 $0x1;
	p0 =	seq.s32 s7, s2  }
0x1e: {  	s7 =	smul.u32 @!p0 $0xF7A, s2;
	p2 =	seq.s32 @!p0 s5, $0x0  }
0x1f: {  	s9 =	smul.u32 $0xF7A, s1;
	s8 =	simm.s32 @!p0 $0x1BF5;
	p2 =	por !p2, p0  }
0x20: {  	[sflag:s8] =	ssyncset.s32 @!p0 $0xFFFFF086;
	s6 =	sadd.s32 @!p0 s3, s7;
	s7 =	simm.s32 @!p0 $0x108  }
0x21: {  	s3 =	sadd.s32 s3, s9;
	s6 =	sadd.s32 @!p0 $0x88, s6;
	s7 =	simm.s32 @p2 $0x1082  }
0x22: {  	[simem:s7], [sflag:s8] =	dma.local @!p0 [hbm:s6], $0xF7A  }
0x23: {  	s9 =	sor.u32 $0xD0000000, s2;
	s6 =	simm.s32 $0x108;
	_ =	swait.ge @!p0 [sflag:s8], $0x0  }
0x24: {  	s3 =	sadd.s32 $0x88, s3;
	s6 =	simm.s32 @!p1 $0x1082;
	[sflag:s4] =	ssyncset.s32 $0xFFFFF086  }
0x25: {  	[simem:s6], [sflag:s4] =	dma.local [hbm:s3], $0xF7A  }
0x26: {  	[smem:$0x3F9B] =	sst s1;
	(tag) =	ssettag s2;
	_ =	strace s9  }
0x27: {  	s1 =	sld [smem:$0x3FAB]  }
0x28: {  	s2 =	sld [smem:$0x3FAC]  }
0x29: {  	s4 =	sld [smem:$0x3FAE]  }
0x2a: {  	p0 =	seq.s32 s5, $0x0;
	s5 =	sld [smem:$0x3FAF]  }
0x2b: {  	s6 =	sld [smem:$0x3FB0]  }
0x2c: {  	s7 =	sld [smem:$0x3FB1]  }
0x2d: {  	s3 =	simm.s32 $0x108;
	s8 =	sld [smem:$0x3FB2]  }
0x2e: {  	s3 =	simm.s32 @!p0 $0x1082;
	s9 =	sld [smem:$0x3FB3]  }
0x2f: {  	lr =	sadd.s32 s0, s3;
	s0 =	sld [smem:$0x3FAA]  }
0x30: {  	s3 =	sld [smem:$0x3FAD]  }
0x31: {  	[smem:$0x3FB6] =	sst s10  }
0x32: {  	s10 =	sld [smem:$0x3FB4];
	_ =	sdelay $0x3  }
0x33: {  	p0 =	seq.s32 s10, $0x1;
	s10 =	sld [smem:$0x3FB6];
	_ =	sdelay $0x3  }
0x34: {  	[smem:$0x3FB6] =	sst s10  }
0x35: {  	s10 =	sld [smem:$0x3FB5];
	_ =	sdelay $0x3  }
0x36: {  	p1 =	seq.s32 s10, $0x1;
	s10 =	sld [smem:$0x3FB6];
	_ =	sdelay $0x3  }
0x37: {  	[smem:$0x3FB6] =	sst s10  }
0x38: {  	s10 =	sld [smem:$0x3FB7]  }
0x39: {  	_ = 	snop;
	(pc) =	sbr.ind lr, $3  }
0x3a: {  	_ = 	snop  }
0x3b: {  	_ = 	snop  }
0x3c: {  	p2 =	seq.s32 s10, $0x1;
	s10 =	sld [smem:$0x3FB6]  }
0x3d: {  	_ =	shalt  }
0x3e: {  	_ =	shalt  }
0x3f: {  	_ =	shalt  }
0x40: {  	_ =	shalt  }
0x41: {  	_ =	shalt  }
0x42: {  	_ =	shalt  }
0x43: {  	_ =	shalt  }
0x44: {  	_ =	shalt  }
0x45: {  	_ =	shalt  }
0x46: {  	_ =	shalt  }
0x47: {  	_ =	shalt  }
0x48: {  	_ =	shalt  }
0x49: {  	_ =	shalt  }
0x4a: {  	_ =	shalt  }
0x4b: {  	_ =	shalt  }
0x4c: {  	_ =	shalt  }
0x4d: {  	_ =	shalt  }
0x4e: {  	_ =	shalt  }
0x4f: {  	_ =	shalt  }
0x50: {  	_ =	shalt  }
0x51: {  	_ =	shalt  }
0x52: {  	_ =	shalt  }
0x53: {  	_ =	shalt  }
0x54: {  	_ =	shalt  }
0x55: {  	_ =	shalt  }
0x56: {  	_ =	shalt  }
0x57: {  	_ =	shalt  }
0x58: {  	_ =	shalt  }
0x59: {  	_ =	shalt  }
0x5a: {  	_ =	shalt  }
0x5b: {  	_ =	shalt  }
0x5c: {  	_ =	shalt  }
0x5d: {  	_ =	shalt  }
0x5e: {  	_ =	shalt  }
0x5f: {  	_ =	shalt  }
0x60: {  	_ =	shalt  }
0x61: {  	_ =	shalt  }
0x62: {  	_ =	shalt  }
0x63: {  	_ =	shalt  }
0x64: {  	_ =	shalt  }
0x65: {  	_ =	shalt  }
0x66: {  	_ =	shalt  }
0x67: {  	_ =	shalt  }
0x68: {  	_ =	shalt  }
0x69: {  	_ =	shalt  }
0x6a: {  	_ =	shalt  }
0x6b: {  	_ =	shalt  }
0x6c: {  	_ =	shalt  }
0x6d: {  	_ =	shalt  }
0x6e: {  	_ =	shalt  }
0x6f: {  	_ =	shalt  }
0x70: {  	_ =	shalt  }
0x71: {  	_ =	shalt  }
0x72: {  	_ =	shalt  }
0x73: {  	_ =	shalt  }
0x74: {  	_ =	shalt  }
0x75: {  	_ =	shalt  }
0x76: {  	_ =	shalt  }
0x77: {  	_ =	shalt  }
0x78: {  	_ =	shalt  }
0x79: {  	_ =	shalt  }
0x7a: {  	_ =	shalt  }
0x7b: {  	_ =	shalt  }
0x7c: {  	_ =	shalt  }
0x7d: {  	_ =	shalt  }
0x7e: {  	_ =	shalt  }
0x7f: {  	_ =	shalt  }
0x80: {  	_ =	shalt  }
0x81: {  	_ =	shalt  }
0x82: {  	_ =	shalt  }
0x83: {  	_ =	shalt  }
0x84: {  	_ =	shalt  }
0x85: {  	_ =	shalt  }
0x86: {  	_ =	shalt  }
0x87: {  	_ =	shalt  }
.Lfunc_end0:
.L_simem_size_0:
called_computation_lowered:
.L_overlay_start_0:
0x88: {  	s2 =	sld [smem:$0x3FD9]  }
0x89: {  	s3 =	sld [smem:$0x3FFE];
	_ =	sdelay $0x1  }
0x8a: {  	s1 =	srdreg.scid  }
0x8b: {  	s0 =	sand.u32 $0x1, s1  }
0x8c: {  	s17 =	sshll.u32 s0, $0xA;
	s2 =	sadd.s32 s3, s2  }
0x8d: {  	s2 =	sadd.s32 s2, s17  }
0x8e: {  	[smem:$0x3FC2] =	sst s2  }
0x8f: {  	_ = 	snop  }
0x90: {  	s2 =	sld [smem:$0x3FD0];
	(tm) =	ssettm $0x1  }
0x91: {  	s18 =	sld [smem:$0x3FFB];
	_ =	sdelay $0x3  }
0x92: {  	_ =	strace s18  }
0x93: {  	s3 =	sld [smem:$0x3FFC];
	_ =	sdelay $0x3  }
0x94: {  	_ =	strace s3  }
0x95: {  	s3 =	sld [smem:$0x3FFD];
	_ =	sdelay $0x3  }
0x96: {  	_ =	strace s3  }
0x97: {  	_ =	strace $0x8FFFFFFF  }
0x98: {  	s19 =	sld [smem:$0x3FDB];
	_ =	sdelay $0x1  }
0x99: {  	s4 =	simm.s32 $_scs_section_size  }
0x9a: {  	s5 =	simm.s32 $_size__tile_overlayer_lowered;
	s6 =	simm.s32 $_tile_overlayer_lowered  }
0x9b: {  	s22 =	simm.s32 $0x1BFF;
	s21 =	sshll.u32 s6, $0x1;
	s3 =	sadd.s32 s4, s19  }
0x9c: {  	s7 =	simm.s32 $0x0;
	s20 =	sshll.u32 s5, $0x1;
	s5 =	sadd.s32 s21, s3  }
0x9d: {  	[timem:s7], [sflag:s22] =	dma.local [hbm:s5], s20  }
0x9e: {  	_ =	swait.ge [sflag:s22], s20  }
0x9f: {  	s4 =	ssub.s32 $0x0, s20;
	[sflag:s22] =	ssyncset.done $0x0  }
0xa0: {  	[sflag:s22] =	ssyncadd.s32 s4;
	_ =	sdelay $0x1  }
0xa1: {  	s23 =	simm.s32 $0x1B8B  }
0xa2: {  	_ =	swait.ge [sflag:s23], $0x1  }
0xa3: {  	[sflag:s23] =	ssyncset.done $0x0  }
0xa4: {  	s25 =	simm.s32 $0x1B8E;
	s24 =	sld [smem:$0x3FFE];
	[sflag:s23] =	ssyncadd.s32 $0xFFFFFFFF  }
0xa5: {  	s26 =	simm.s32 $execute0_lowered;
	[smem:$0x3FD2] =	sst s25  }
0xa6: {  	s5 =	sshll.u32 s26, $0x1;
	_ =	strace $0x80000046;
	[dreg:$0x1] =	wrdreg $0xFFFFFFFF  }
0xa7: {  	s28 =	simm.s32 $_size_execute0_lowered;
	s3 =	sadd.s32 s3, s5;
	[dreg:$0x0] =	wrdreg $0x0  }
0xa8: {  	s5 =	sshll.u32 s28, $0x1;
	[dreg:$0x2] =	wrdreg s3  }
0xa9: {  	[dreg:$0x3] =	wrdreg s5  }
0xaa: {  	[dreg:$0x4] =	wrdreg $0xC0  }
0xab: {  	_ =	task [dreg:s7], $0x5FFFF  }
0xac: {  	[dreg:$0x1] =	wrdreg $0xFFFFFFFF  }
0xad: {  	[dreg:$0x0] =	wrdreg $0x60  }
0xae: {  	[dreg:$0x2] =	wrdreg s24  }
0xaf: {  	[dreg:$0x3] =	wrdreg s2  }
0xb0: {  	[dreg:$0x4] =	wrdreg $0x5B000  }
0xb1: {  	[dreg:$0x5] =	wrdreg $0x5D800  }
0xb2: {  	[dreg:$0x6] =	wrdreg $0x9  }
0xb3: {  	_ =	task.clear_ibuf [dreg:s7], $0x7FFFF;
	_ =	strace $0x90000046  }
0xb4: {  	s29 =	simm.s32 $0x9;
	_ =	strace $0x80000048  }
0xb5: {  	_ =	swait.ge [sflag:s29], $0x1  }
0xb6: {  	[sflag:s29] =	ssyncadd.s32 $0xFFFFFFFF  }
0xb7: {  	_ =	strace $0x90000048  }
0xb8: {  	_ =	sfence  }
0xb9: {  	s30 =	sld [smem:$0x0];
	_ =	sdelay $0x2  }
0xba: {  	s31 =	sshll.u32 s1, $0xD;
	s1 =	sshrl.u32 s1, $0x2  }
0xbb: {  	s3 =	sand.u32 $0x4000, s31;
	s1 =	sadd.s32 s1, s30  }
0xbc: {  	s0 =	sor.u32 s3, s0;
	s1 =	sshll.u32 s1, $0x11  }
0xbd: {  	s0 =	sor.u32 s1, s0  }
0xbe: {  	s0 =	sadd.s32 $0x8F2B, s0  }
0xbf: {  	[sflag:s0] =	ssyncadd.remote.s32 $0x1  }
0xc0: {  	_ =	sfence.sel $0xFFFF  }
0xc1: {  	[dreg:$0x0] =	wrdreg $0xFFFFFFFF;
	(pc) =	sbr.abs _section_cstart, $3  }
0xc2: {  	[dreg:$0x1] =	wrdreg $0xFFFFFFFF  }
0xc3: {  	_ =	task.clear_ibuf [dreg:s7], $0x2FFFF;
	_ =	strace $0x9FFFFFFF  }
0xc4: {  	(tm) =	ssettm $0x7FFFFFFF  }
0xc5: {  	_ =	shalt  }
tec
execute0_lowered:
.L_overlay_start_1:
0x0: {  	(tag) =	ssettag $0x1  }
0x1: {  	s5 =	rddreg [dreg:$0x0]  }
0x2: {  	s11 =	rddreg [dreg:$0x1]  }
0x3: {  	s0 =	stileid.u32;
	s2 =	rddreg [dreg:$0x2]  }
0x4: {  	s1 =	srdreg.scid;
	s3 =	rddreg [dreg:$0x3];
	s4 =	simm.s32 $0x0  }
0x5: {  	s16 =	simm.s32 $0x5800;
	s17 =	simm.s32 $0x20;
	s12 =	smul.u32 $0xA50, s0  }
0x6: {  	s18 =	simm.s32 $0x10;
	s19 =	simm.s32 $0x0;
	s8 =	smul.u32 $0x500, s0  }
0x7: {  	s6 =	sand.u32 $0x1, s1;
	[smem:$0x7FF] =	sst s4;
	s10 =	smul.u32 $0x280, s0  }
0x8: {  	s1 =	rddreg [dreg:$0x4];
	s7 =	smul.u32 $0x5000, s6;
	_ =	strace $0x80000047  }
0x9: {  	s29 =	ssub.s32 $0x2, s6;
	s14 =	smul.u32 $0x528, s6;
	s9 =	sadd.s32 s12, s5  }
0xa: {  	s30 =	sshrl.u32 s29, $0x1;
	s6 =	sadd.s32 s10, s3;
	s11 =	sadd.s32 s12, s11  }
0xb: {  	s12 =	simm.s32 $0x5880;
	s7 =	sadd.s32 s8, s7;
	s15 =	ssub.s32 s29, s30  }
0xc: {  	s31 =	sadd.s32 s14, s9;
	s11 =	sadd.s32 s14, s11;
	s14 =	simm.s32 $0x1  }
0xd: {  	s7 =	sshrl.u32 s7, $0x3;
	s9 =	smax.u32 s15, $0x1;
	s15 =	simm.s32 $0x78  }
0xe: {  	s13 =	sadd.s32 s7, s5;
	s5 =	sadd.s32 s10, s2;
	s10 =	sadd.s32 $0x2000, s31  }
0xf: {  	v0 =	vimm.f32 $0.0e+00;
	v1 =	vimm.f32 $1.000000000e+00;
	s7 =	sadd.s32 $0xC600, s13;
	s8 =	sadd.s32 $0xC610, s13;
	s13 =	simm.s32 $0x2  }
.LBB2_1:
0x10: {  	[tilespmem:$0x5880] =	vst v0  }
0x11: {  	[tilespmem:$0x5890] =	vst v0  }
0x12: {  	[tilespmem:$0x58A0] =	vst v0  }
0x13: {  	[tilespmem:$0x58B0] =	vst v0  }
0x14: {  	[tilespmem:$0x58C0] =	vst v0  }
0x15: {  	[tilespmem:$0x58D0] =	vst v0  }
0x16: {  	[tilespmem:$0x58E0] =	vst v0  }
0x17: {  	[tilespmem:$0x58F0] =	vst v0  }
0x18: {  	[tilespmem:$0x5900] =	vst v0  }
0x19: {  	[tilespmem:$0x5910] =	vst v0  }
0x1a: {  	[tilespmem:$0x5920] =	vst v0  }
0x1b: {  	[tilespmem:$0x5930] =	vst v0  }
0x1c: {  	[tilespmem:$0x5940] =	vst v0  }
0x1d: {  	[tilespmem:$0x5950] =	vst v0  }
0x1e: {  	[tilespmem:$0x5960] =	vst v0  }
0x1f: {  	[tilespmem:$0x5970] =	vst v0  }
0x20: {  	[tilespmem:$0x5980] =	vst v0  }
0x21: {  	[tilespmem:$0x5990] =	vst v0  }
0x22: {  	[tilespmem:$0x59A0] =	vst v0  }
0x23: {  	[tilespmem:$0x59B0] =	vst v0  }
0x24: {  	[tilespmem:$0x59C0] =	vst v0  }
0x25: {  	[tilespmem:$0x59D0] =	vst v0  }
0x26: {  	[tilespmem:$0x59E0] =	vst v0  }
0x27: {  	[tilespmem:$0x59F0] =	vst v0  }
0x28: {  	[tilespmem:$0x5A00] =	vst v0  }
0x29: {  	[tilespmem:$0x5A10] =	vst v0  }
0x2a: {  	[tilespmem:$0x5A20] =	vst v0  }
0x2b: {  	[tilespmem:$0x5A30] =	vst v0  }
0x2c: {  	[tilespmem:$0x5A40] =	vst v0  }
0x2d: {  	[tilespmem:$0x5A50] =	vst v0  }
0x2e: {  	[tilespmem:$0x5A60] =	vst v0  }
0x2f: {  	[tilespmem:$0x5A70] =	vst v0  }
0x30: {  	[tilespmem:$0x5A80] =	vst v0  }
0x31: {  	[tilespmem:$0x5A90] =	vst v0  }
0x32: {  	[tilespmem:$0x5AA0] =	vst v0  }
0x33: {  	[tilespmem:$0x5AB0] =	vst v0  }
0x34: {  	[tilespmem:$0x5AC0] =	vst v0  }
0x35: {  	[tilespmem:$0x5AD0] =	vst v0  }
0x36: {  	[tilespmem:$0x5AE0] =	vst v0  }
0x37: {  	[tilespmem:$0x5AF0] =	vst v0  }
0x38: {  	[spmem:s5] =	stream.linear.scatter [tilespmem:s12], [sflag:$0x2], $0x280, $0x38;
	[tilespmem:$0x6000] =	vst v63  }
0x39: {  	_ =	swait.ge [sflag:s13], $0x280  }
0x3a: {  	[sflag:s13] =	ssyncset.done $0x0  }
0x3b: {  	[sflag:s13] =	ssyncadd.s32 $0xFFFFFD80  }
0x3c: {  	[spmem:s6] =	stream.linear.scatter [tilespmem:s12], [sflag:$0x2], $0x280, $0x38;
	[tilespmem:$0x6000] =	vst v63  }
0x3d: {  	_ =	swait.ge [sflag:s13], $0x280  }
0x3e: {  	[sflag:s13] =	ssyncset.done $0x0  }
0x3f: {  	s20 =	sadd.s32 $0x0, s10;
	[sflag:s13] =	ssyncadd.s32 $0xFFFFFD80  }
0x40: {  	[tilespmem:s4], [sflag:$0x1] =	stream.linear.gather [hbm4b:s20+s4], $0x78, $0x38;
	[tilespmem:$0x6000] =	vst v63  }
0x41: {  	s21 =	sadd.s32 $0x0, s11;
	s20 =	simm.s32 $0x2C00  }
0x42: {  	[tilespmem:s20], [sflag:$0x1] =	stream.linear.gather [hbm4b:s21+s4], $0x78, $0x38;
	[tilespmem:$0x6000] =	vst v63  }
0x43: {  	s22 =	simm.s32 $0x80;
	s21 =	simm.s32 $0xF  }
.LBB2_2:
0x44: {  	s23 =	sadd.s32 s21, s10  }
0x45: {  	p0 =	sne.s32 s21, $0x519;
	s24 =	smov.u32 s21;
	s21 =	sadd.s32 $0xF, s21  }
0x46: {  	[tilespmem:s22], [sflag:$0x1] =	stream.linear.gather [hbm4b:s23+s4], $0x78, $0x38;
	[tilespmem:$0x6000] =	vst v63  }
.Ltmp0:
0x47: {  	_ = 	snop;
	(pc) =	sbr.rel @p0 .LBB2_2-.Ltmp0, $4  }
0x48: {  	s20 =	sadd.s32 $0x80, s20;
	s23 =	sadd.s32 s24, s11  }
0x49: {  	[tilespmem:s20], [sflag:$0x1] =	stream.linear.gather [hbm4b:s23+s4], $0x78, $0x38;
	[tilespmem:$0x6000] =	vst v63  }
0x4a: {  	_ = 	snop  }
0x4b: {  	s22 =	sadd.s32 $0x80, s22  }
0x4c: {  	_ =	swait.ge [sflag:s14], $0x78  }
0x4d: {  	[sflag:s14] =	ssyncset.done $0x0  }
0x4e: {  	[sflag:s14] =	ssyncadd.s32 $0xFFFFFF88  }
0x4f: {  	_ =	swait.ge [sflag:s14], $0x78  }
0x50: {  	s20 =	simm.s32 $0x57;
	[sflag:s14] =	ssyncset.done $0x0  }
.LBB2_4:
0x51: {  	p0 =	sne.s32 s20, $0x1;
	s20 =	sadd.s32 $0xFFFFFFFF, s20;
	[sflag:s14] =	ssyncadd.s32 $0xFFFFFF88  }
.Ltmp1:
0x52: {  	_ =	swait.ge [sflag:s14], $0x78;
	(pc) =	sbr.rel @p0 .LBB2_4-.Ltmp1, $4  }
0x53: {  	[sflag:s14] =	ssyncset.done $0x0  }
0x54: {  	[sflag:s14] =	ssyncadd.s32 $0xFFFFFF88  }
0x55: {  	_ =	swait.ge [sflag:s14], $0x78  }
0x56: {  	[sflag:s14] =	ssyncset.done $0x0  }
0x57: {  	[sflag:s14] =	ssyncadd.s32 $0xFFFFFF88  }
0x58: {  	[tilespmem:$0x5800] =	vst v1  }
0x59: {  	[tilespmem:$0x5810] =	vst v1  }
0x5a: {  	[tilespmem:$0x5820] =	vst v1  }
0x5b: {  	[tilespmem:$0x5830] =	vst v1  }
0x5c: {  	[tilespmem:$0x5840] =	vst v1  }
0x5d: {  	[tilespmem:$0x5850] =	vst v1  }
0x5e: {  	[tilespmem:$0x5860] =	vst v1  }
0x5f: {  	[tilespmem:$0x5868] =	vst v1  }
0x60: {  	s20 =	simm.s32 $0x0;
	[bflag:$0x0] =	sbarrier.arrive $0xFFFF  }
0x61: {  	[spmem:s2] =	stream.indirect.scatter.add.f32 [tilespmem:s16], [sflag:$0x1], $0x1, s20, s15, $0xb8;
	[tilespmem:$0x6000] =	vst v63  }
0x62: {  	s21 =	simm.s32 $0x2C00;
	s20 =	simm.s32 $0x200  }
.LBB2_6:
0x63: {  	[spmem:s3] =	stream.indirect.scatter.add.f32 [tilespmem:s16], [sflag:$0x1], $0x1, s21, s15, $0xb8;
	[tilespmem:$0x6000] =	vst v63  }
0x64: {  	s21 =	smov.u32 s20;
	p0 =	sne.s32 s20, $0xAE00  }
.Ltmp2:
0x65: {  	s20 =	sadd.s32 $0x200, s20;
	(pc) =	sbr.rel @p0 .LBB2_6-.Ltmp2, $4  }
0x66: {  	_ = 	snop  }
0x67: {  	s21 =	sshra.s32 s21, $0x2  }
0x68: {  	[spmem:s2] =	stream.indirect.scatter.add.f32 [tilespmem:s16], [sflag:$0x1], $0x1, s21, s15, $0xb8;
	[tilespmem:$0x6000] =	vst v63  }
0x69: {  	s21 =	sadd.s32 $0x2C00, s21  }
0x6a: {  	[spmem:s3] =	stream.indirect.scatter.add.f32 [tilespmem:s16], [sflag:$0x1], $0x1, s21, s15, $0xb8;
	[tilespmem:$0x6000] =	vst v63  }
0x6b: {  	_ =	swait.ge [sflag:s14], $0x78  }
0x6c: {  	[sflag:s14] =	ssyncset.done $0x0  }
0x6d: {  	[sflag:s14] =	ssyncadd.s32 $0xFFFFFF88  }
0x6e: {  	_ =	swait.ge [sflag:s14], $0x78  }
0x6f: {  	s20 =	simm.s32 $0x57;
	[sflag:s14] =	ssyncset.done $0x0  }
.LBB2_8:
0x70: {  	p0 =	sne.s32 s20, $0x1;
	s20 =	sadd.s32 $0xFFFFFFFF, s20;
	[sflag:s14] =	ssyncadd.s32 $0xFFFFFF88  }
.Ltmp3:
0x71: {  	_ =	swait.ge [sflag:s14], $0x78;
	(pc) =	sbr.rel @p0 .LBB2_8-.Ltmp3, $4  }
0x72: {  	[sflag:s14] =	ssyncset.done $0x0  }
0x73: {  	[sflag:s14] =	ssyncadd.s32 $0xFFFFFF88  }
0x74: {  	_ =	swait.ge [sflag:s14], $0x78  }
0x75: {  	[sflag:s14] =	ssyncset.done $0x0  }
0x76: {  	[sflag:s14] =	ssyncadd.s32 $0xFFFFFF88;
	s20 =	sshll.u32 s0, $0x6  }
0x77: {  	s21 =	sshrl.u32 s5, $0x3;
	[bflag:$0x0] =	sbarrier.arrive $0xFFFF;
	s20 =	sor.u32 $0x1C02, s20  }
0x78: {  	[hbm:s7@s17], [sflag:s20] =	dma.strided [spmem:s21@s18], $0x50, s14, $0x10   }
0x79: {  	s19 =	sadd.s32 $0x1, s19;
	_ =	swait.ge [sflag:s13], $0x50  }
0x7a: {  	p0 =	sne.s32 s19, s9;
	[sflag:s13] =	ssyncset.done $0x0  }
.Ltmp4:
0x7b: {  	s31 =	sshrl.u32 s6, $0x3;
	[sflag:s13] =	ssyncadd.s32 $0xFFFFFFB0;
	(pc) =	sbr.rel @p0 .LBB2_1-.Ltmp4, $4  }
0x7c: {  	[hbm:s8@s17], [sflag:s20] =	dma.strided [spmem:s31@s18], $0x50, s14, $0x10   }
0x7d: {  	_ =	swait.ge [sflag:s13], $0x50  }
0x7e: {  	[sflag:s13] =	ssyncset.done $0x0  }
0x7f: {  	[sflag:s13] =	ssyncadd.s32 $0xFFFFFFB0  }
0x80: {  	_ =	sfence.sel $0x180000  }
0x81: {  	[bflag:$0x0] =	sbarrier.arrive $0xFFFF  }
0x82: {  	p0 =	sne.s32 s0, $0x0;
	_ =	strace $0x90000047  }
0x83: {  	s0 =	sadd.s32 @!p0 $0x100000, s1;
	[bflag:$0x2] =	sbarrier.arrive $0xFFFF  }
0x84: {  	[sflag:s0] =	ssyncadd.tile.s32 @!p0 $0x1;
	_ =	shalt  }
.Lfunc_end2:
_tile_overlayer_lowered:
.L_overlay_start_2:
0x85: {  	(tag) =	ssettag $0x2  }
0x86: {  	s0 =	rddreg [dreg:$0x0];
	s2 =	stileid.u32  }
0x87: {  	s1 =	rddreg [dreg:$0x1];
	p0 =	sne.s32 s2, $0x0  }
0x88: {  	s3 =	rddreg [dreg:$0x2];
	[bflag:$0x3] =	sbarrier.arrive $0xFFFF;
	s2 =	simm.s32 @!p0 $0x1C02  }
0x89: {  	[timem:s3], [sflag:s2] =	dma.local @!p0 [hbm:s0], s1  }
0x8a: {  	s0 =	simm.s32 @!p0 $0x2  }
0x8b: {  	_ =	swait.ge @!p0 [sflag:s0], s1  }
0x8c: {  	s1 =	ssub.s32 @!p0 $0x0, s1;
	[sflag:s0] =	ssyncset.done @!p0 $0x0  }
0x8d: {  	[sflag:s0] =	ssyncadd.s32 @!p0 s1  }
0x8e: {  	[bflag:$0x3] =	sbarrier.arrive $0xFFFF  }
0x8f: {  	_ =	shalt  }

</sc_bundles>
